<compile_context>
chip_gen: v7x
topology: tpu7x:2x2x1
jax: 0.10.2.dev20260603
libtpu: 0.0.44.dev20260713+nightly
codegen_flags: <defaults>
</compile_context>

<pallas_src>
import functools

import jax
import jax.numpy as jnp
from jax import lax
from jax.experimental import pallas as pl
from jax.experimental.pallas import tpu as pltpu
from jax.experimental.pallas import tpu_sc as plsc

BATCH = 4096
SEQ = 200
SEQ_PAD = 256
EMBED = 64
CHUNK = 512
NCHUNK = BATCH // CHUNK
HALF = BATCH // 2
PBLK = 128
NPB = HALF // PBLK
NBUF = 4
IDS_T_ROWS = 8


def _permute_body(s_ref, pst_ref, lrow_ref, rank_ref):
    f32 = jnp.float32
    s = s_ref[...]
    mask = (s > 0).astype(f32)
    lcol = jnp.sum(mask, axis=1, keepdims=True)

    i0 = lax.broadcasted_iota(jnp.int32, (CHUNK, CHUNK), 0)
    i1 = lax.broadcasted_iota(jnp.int32, (CHUNK, CHUNK), 1)
    eye = (i0 == i1).astype(f32)
    for c in range(NCHUNK):
        lc = lcol[c * CHUNK:(c + 1) * CHUNK, :]
        lrow_ref[:, c * CHUNK:(c + 1) * CHUNK] = lax.dot_general(
            lc, eye, (((0,), (0,)), ((), ())))
    lrow = lrow_ref[...]

    jj = lax.broadcasted_iota(jnp.int32, (CHUNK, BATCH), 1)
    ii = lax.broadcasted_iota(jnp.int32, (CHUNK, BATCH), 0)
    for c in range(NCHUNK):
        li = lcol[c * CHUNK:(c + 1) * CHUNK, :]
        gi = ii + c * CHUNK
        gt = (lrow > li).astype(f32)
        tie = ((lrow == li) & (jj < gi)).astype(f32)
        rank_ref[c * CHUNK:(c + 1) * CHUNK, :] = jnp.sum(
            gt + tie, axis=1, keepdims=True)

    jjf = jj.astype(f32)
    pst = jnp.zeros((SEQ_PAD, BATCH), f32)
    dims = (((0,), (0,)), ((), ()))
    for c in range(NCHUNK):
        rc = rank_ref[c * CHUNK:(c + 1) * CHUNK, :]
        match = (rc == jjf).astype(f32)
        sc_rows = s[c * CHUNK:(c + 1) * CHUNK, :]
        pa = lax.dot_general((sc_rows >> 16).astype(f32), match, dims)
        pb = lax.dot_general(((sc_rows >> 8) & 255).astype(f32), match, dims)
        pc = lax.dot_general((sc_rows & 255).astype(f32), match, dims)
        pst = pst + (pa * 65536.0 + pb * 256.0 + pc)
    pst_ref[...] = pst[:SEQ, :].astype(jnp.int32)


def _tc_permute(samples_padded):
    return pl.pallas_call(
        _permute_body,
        out_shape=jax.ShapeDtypeStruct((SEQ, BATCH), jnp.int32),
        scratch_shapes=[
            pltpu.VMEM((1, BATCH), jnp.float32),
            pltpu.VMEM((BATCH, 1), jnp.float32),
        ],
    )(samples_padded)


def _sc_gather(ids_t_flat, table):
    info = plsc.get_sparse_core_info()
    nc, ns = info.num_cores, info.num_subcores
    nw = nc * ns
    units = SEQ * NPB * 2
    upw = units // nw
    mesh = plsc.VectorSubcoreMesh(core_axis_name="c", subcore_axis_name="s")

    @functools.partial(
        pl.kernel,
        mesh=mesh,
        out_type=jax.ShapeDtypeStruct((SEQ, HALF, 2 * EMBED), jnp.float32),
        scratch_types=[
            pltpu.VMEM((IDS_T_ROWS * BATCH,), jnp.int32),
            [pltpu.VMEM((PBLK, EMBED), jnp.float32) for _ in range(NBUF)],
            [pltpu.SemaphoreType.DMA for _ in range(NBUF)],
            [pltpu.SemaphoreType.DMA for _ in range(NBUF)],
        ],
        compiler_params=pltpu.CompilerParams(use_tc_tiling_on_sc=False),
    )
    def k(ids_hbm, table_hbm, out_hbm, ids_v, bufs, gsems, wsems):
        wid = lax.axis_index("s") * nc + lax.axis_index("c")
        u0 = wid * upw
        tstart = jnp.minimum((u0 // (2 * NPB)).astype(jnp.int32),
                             SEQ - IDS_T_ROWS)
        pltpu.sync_copy(ids_hbm.at[pl.ds(tstart * BATCH, IDS_T_ROWS * BATCH)],
                        ids_v)

        def unit_coords(h):
            unit = (u0 + h) // 2
            t = unit // NPB
            p0 = (unit % NPB) * PBLK
            side = (u0 + h) % 2
            b0 = p0 + side * HALF
            return t, p0, side, b0

        def issue_gather(h, buf, gsem):
            t, _, _, b0 = unit_coords(h)
            pltpu.async_copy(
                table_hbm.at[ids_v.at[pl.ds((t - tstart) * BATCH + b0, PBLK)]],
                buf, gsem)

        def wait_gather(buf, gsem):
            pltpu.make_async_copy(
                table_hbm.at[ids_v.at[pl.ds(0, PBLK)]], buf, gsem).wait()

        def dst(h):
            t, p0, side, _ = unit_coords(h)
            return out_hbm.at[t, pl.ds(p0, PBLK), pl.ds(side * EMBED, EMBED)]

        def issue_write(h, buf, wsem):
            pltpu.async_copy(buf, dst(h), wsem)

        def wait_write(h, buf, wsem):
            pltpu.make_async_copy(buf, dst(h), wsem).wait()

        for b in range(NBUF):
            issue_gather(b, bufs[b], gsems[b])

        def body(kk, carry):
            h = NBUF * kk
            for b in range(NBUF):
                wait_gather(bufs[b], gsems[b])
                issue_write(h + b, bufs[b], wsems[b])

            for b in range(NBUF):
                @pl.when(h + NBUF + b < upw)
                def _(b=b):
                    wait_write(h + b, bufs[b], wsems[b])
                    issue_gather(h + NBUF + b, bufs[b], gsems[b])

            return carry

        lax.fori_loop(0, upw // NBUF, body, 0)
        for b in range(NBUF):
            wait_write(upw - NBUF + b, bufs[b], wsems[b])

    return k(ids_t_flat, table)


def _fmt_body(x_ref, o_ref):
    for c in range(NPB):
        xc = x_ref[0, c * PBLK:(c + 1) * PBLK, :]
        xt = jnp.transpose(xc)
        o_ref[0, :, c * PBLK:(c + 1) * PBLK] = xt[:EMBED, :]
        o_ref[0, :, HALF + c * PBLK:HALF + (c + 1) * PBLK] = xt[EMBED:, :]


def _tc_format(f):
    return pl.pallas_call(
        _fmt_body,
        grid=(SEQ,),
        in_specs=[pl.BlockSpec((1, HALF, 2 * EMBED), lambda i: (i, 0, 0))],
        out_specs=pl.BlockSpec((1, EMBED, BATCH), lambda i: (i, 0, 0)),
        out_shape=jax.ShapeDtypeStruct((SEQ, EMBED, BATCH), jnp.float32),
    )(f)


def kernel(samples, table):
    s32 = samples.astype(jnp.int32)
    sp = jnp.pad(s32, ((0, 0), (0, SEQ_PAD - SEQ)))
    ids_t = _tc_permute(sp)
    f = _sc_gather(ids_t.reshape(SEQ * BATCH), table)
    return jnp.transpose(_tc_format(f), (2, 0, 1))

# --- scband reference (transcript-rebuilt; emitter-appended) ---
"""Pipeline reference for scband-base-model-2757369004032 (READ-ONLY COPY).

The authoritative reference and input builder live on the scoring server;
editing this copy changes nothing except your own understanding.
"""

import jax, jax.numpy as jnp
import numpy as np

VOCAB = 100000
EMBED_DIM = 64
BATCH = 4096
SEQ = 200

def setup_inputs(seed: int = 0) -> dict:
    key = jax.random.key(seed)
    k1, k2 = jax.random.split(key)
    samples = jax.random.randint(k1, (BATCH, SEQ), 0, VOCAB, dtype=jnp.int64)
    table = jax.random.normal(k2, (VOCAB, EMBED_DIM), dtype=jnp.float32) * 0.02
    return {"samples": samples, "table": table}

def reference(samples, table):
    # masks = samples.gt(0)
    masks = samples > 0
    # embeds = embedding_layer(samples)
    embeds = jnp.take(table, samples, axis=0)
    # seq_length = masks.sum(1)
    seq_length = jnp.sum(masks.astype(jnp.int32), axis=1)
    # sorted_seq_length, perm_idx = seq_length.sort(descending=True)
    perm_idx = jnp.argsort(-seq_length)
    # embeds = embeds[perm_idx, :]
    out = embeds[perm_idx]
    return out

if __name__ == "__main__":
    import jax
    _d = setup_inputs()
    print(jax.jit(kernel)(*tuple(_d.values())))

</pallas_src>

<mosaic_0001>
#map = affine_map<(d0, d1) -> (0)>
#map1 = affine_map<(d0, d1) -> (0, 0)>
#map2 = affine_map<(d0, d1) -> (0, 0, 0)>
module attributes {stable_mosaic.version = 14 : i64} {
  func.func @k(%arg0: i32, %arg1: i32, %arg2: memref<819200xi32, #tpu.memory_space<hbm>>, %arg3: memref<100000x64xf32, #tpu.memory_space<hbm>>, %arg4: memref<200x2048x128xf32, #tpu.memory_space<hbm>>, %arg5: memref<32768xi32, #tpu.memory_space<vmem>>, %arg6: memref<128x64xf32, #tpu.memory_space<vmem>>, %arg7: memref<128x64xf32, #tpu.memory_space<vmem>>, %arg8: memref<128x64xf32, #tpu.memory_space<vmem>>, %arg9: memref<128x64xf32, #tpu.memory_space<vmem>>, %arg10: memref<!tpu.dma_semaphore, #tpu.memory_space<semaphore_mem>>, %arg11: memref<!tpu.dma_semaphore, #tpu.memory_space<semaphore_mem>>, %arg12: memref<!tpu.dma_semaphore, #tpu.memory_space<semaphore_mem>>, %arg13: memref<!tpu.dma_semaphore, #tpu.memory_space<semaphore_mem>>, %arg14: memref<!tpu.dma_semaphore, #tpu.memory_space<semaphore_mem>>, %arg15: memref<!tpu.dma_semaphore, #tpu.memory_space<semaphore_mem>>, %arg16: memref<!tpu.dma_semaphore, #tpu.memory_space<semaphore_mem>>, %arg17: memref<!tpu.dma_semaphore, #tpu.memory_space<semaphore_mem>>) attributes {dimension_semantics = [#tpu.dimension_semantics<core_parallel>, #tpu.dimension_semantics<subcore_parallel>], iteration_bounds = array<i64: 2, 16>, scalar_prefetch = 0 : i64, scratch_operands = 13 : i64, tpu.core_type = #tpu.core_type<sc_vector_subcore>, window_params = [{transform_indices = #map}, {transform_indices = #map1}, {transform_indices = #map2}]} {
    %mul3A = arith.constant 2 : i32
    %mul3A_0 = arith.muli %arg1, %mul3A : i32
    %add3A = arith.addi %mul3A_0, %arg0 : i32
    %mul3A_1 = arith.constant 200 : i32
    %mul3A_2 = arith.muli %add3A, %mul3A_1 : i32
    %jit3A = arith.constant 32 : i32
    %div3A = arith.divsi %mul3A_2, %jit3A : i32
    %sign3A = arith.constant 0 : i32
    %sign3A_3 = arith.cmpi sgt, %mul3A_2, %sign3A : i32
    %sign3A_4 = arith.extui %sign3A_3 : i1 to i32
    %sign3A_5 = arith.constant 0 : i32
    %sign3A_6 = arith.cmpi slt, %mul3A_2, %sign3A_5 : i32
    %sign3A_7 = arith.extui %sign3A_6 : i1 to i32
    %sign3A_8 = arith.subi %sign3A_4, %sign3A_7 : i32
    %sign3A_9 = arith.constant 0 : i32
    %sign3A_10 = arith.cmpi sgt, %jit3A, %sign3A_9 : i32
    %sign3A_11 = arith.extui %sign3A_10 : i1 to i32
    %sign3A_12 = arith.constant 0 : i32
    %sign3A_13 = arith.cmpi slt, %jit3A, %sign3A_12 : i32
    %sign3A_14 = arith.extui %sign3A_13 : i1 to i32
    %sign3A_15 = arith.subi %sign3A_11, %sign3A_14 : i32
    %ne3A = arith.cmpi ne, %sign3A_8, %sign3A_15 : i32
    %rem3A = arith.remsi %mul3A_2, %jit3A : i32
    %ne3A_16 = arith.constant 0 : i32
    %ne3A_17 = arith.cmpi ne, %rem3A, %ne3A_16 : i32
    %and3A = arith.andi %ne3A, %ne3A_17 : i1
    %sub3A = arith.constant 1 : i32
    %sub3A_18 = arith.subi %div3A, %sub3A : i32
    %select_n3A = arith.select %and3A, %sub3A_18, %div3A : i32
    %min3A = arith.constant 192 : i32
    %min3A_19 = arith.minsi %select_n3A, %min3A : i32
    %mul3A_20 = arith.constant 4096 : i32
    %mul3A_21 = arith.muli %min3A_19, %mul3A_20 : i32
    "tpu.region"() ({
      %run_scoped3A = tpu.sem_alloc : memref<!tpu.dma_semaphore, #tpu.memory_space<semaphore_mem>>
      %dma_start3A_791 = tpu.memref_slice %arg2[%mul3A_21] : memref<819200xi32, #tpu.memory_space<hbm>> -> memref<32768xi32, #tpu.memory_space<hbm>>
      %dma_start3A_792 = tpu.memref_slice %arg2[%mul3A_21] : memref<819200xi32, #tpu.memory_space<hbm>> -> memref<32768xi32, #tpu.memory_space<hbm>>
      tpu.enqueue_dma source(%dma_start3A_792 : memref<32768xi32, #tpu.memory_space<hbm>>) target(%arg5 : memref<32768xi32, #tpu.memory_space<vmem>>) target_semaphore(%run_scoped3A : memref<!tpu.dma_semaphore, #tpu.memory_space<semaphore_mem>>)
      %dma_wait3A_793 = tpu.memref_slice %arg2[%mul3A_21] : memref<819200xi32, #tpu.memory_space<hbm>> -> memref<32768xi32, #tpu.memory_space<hbm>>
      %dma_wait3A_794 = tpu.memref_slice %arg2[%mul3A_21] : memref<819200xi32, #tpu.memory_space<hbm>> -> memref<32768xi32, #tpu.memory_space<hbm>>
      tpu.wait_dma2 semaphore(%run_scoped3A : memref<!tpu.dma_semaphore, #tpu.memory_space<semaphore_mem>>) src(%dma_wait3A_794 : memref<32768xi32, #tpu.memory_space<hbm>>) dst(%arg5 : memref<32768xi32, #tpu.memory_space<vmem>>)
      tpu.yield
    }) : () -> ()
    %add3A_22 = arith.constant 0 : i32
    %add3A_23 = arith.addi %mul3A_2, %add3A_22 : i32
    %jit3A_24 = arith.constant 2 : i32
    %div3A_25 = arith.divsi %add3A_23, %jit3A_24 : i32
    %sign3A_26 = arith.constant 0 : i32
    %sign3A_27 = arith.cmpi sgt, %add3A_23, %sign3A_26 : i32
    %sign3A_28 = arith.extui %sign3A_27 : i1 to i32
    %sign3A_29 = arith.constant 0 : i32
    %sign3A_30 = arith.cmpi slt, %add3A_23, %sign3A_29 : i32
    %sign3A_31 = arith.extui %sign3A_30 : i1 to i32
    %sign3A_32 = arith.subi %sign3A_28, %sign3A_31 : i32
    %sign3A_33 = arith.constant 0 : i32
    %sign3A_34 = arith.cmpi sgt, %jit3A_24, %sign3A_33 : i32
    %sign3A_35 = arith.extui %sign3A_34 : i1 to i32
    %sign3A_36 = arith.constant 0 : i32
    %sign3A_37 = arith.cmpi slt, %jit3A_24, %sign3A_36 : i32
    %sign3A_38 = arith.extui %sign3A_37 : i1 to i32
    %sign3A_39 = arith.subi %sign3A_35, %sign3A_38 : i32
    %ne3A_40 = arith.cmpi ne, %sign3A_32, %sign3A_39 : i32
    %rem3A_41 = arith.remsi %add3A_23, %jit3A_24 : i32
    %ne3A_42 = arith.constant 0 : i32
    %ne3A_43 = arith.cmpi ne, %rem3A_41, %ne3A_42 : i32
    %and3A_44 = arith.andi %ne3A_40, %ne3A_43 : i1
    %sub3A_45 = arith.constant 1 : i32
    %sub3A_46 = arith.subi %div3A_25, %sub3A_45 : i32
    %select_n3A_47 = arith.select %and3A_44, %sub3A_46, %div3A_25 : i32
    %jit3A_48 = arith.constant 16 : i32
    %div3A_49 = arith.divsi %select_n3A_47, %jit3A_48 : i32
    %sign3A_50 = arith.constant 0 : i32
    %sign3A_51 = arith.cmpi sgt, %select_n3A_47, %sign3A_50 : i32
    %sign3A_52 = arith.extui %sign3A_51 : i1 to i32
    %sign3A_53 = arith.constant 0 : i32
    %sign3A_54 = arith.cmpi slt, %select_n3A_47, %sign3A_53 : i32
    %sign3A_55 = arith.extui %sign3A_54 : i1 to i32
    %sign3A_56 = arith.subi %sign3A_52, %sign3A_55 : i32
    %sign3A_57 = arith.constant 0 : i32
    %sign3A_58 = arith.cmpi sgt, %jit3A_48, %sign3A_57 : i32
    %sign3A_59 = arith.extui %sign3A_58 : i1 to i32
    %sign3A_60 = arith.constant 0 : i32
    %sign3A_61 = arith.cmpi slt, %jit3A_48, %sign3A_60 : i32
    %sign3A_62 = arith.extui %sign3A_61 : i1 to i32
    %sign3A_63 = arith.subi %sign3A_59, %sign3A_62 : i32
    %ne3A_64 = arith.cmpi ne, %sign3A_56, %sign3A_63 : i32
    %rem3A_65 = arith.remsi %select_n3A_47, %jit3A_48 : i32
    %ne3A_66 = arith.constant 0 : i32
    %ne3A_67 = arith.cmpi ne, %rem3A_65, %ne3A_66 : i32
    %and3A_68 = arith.andi %ne3A_64, %ne3A_67 : i1
    %sub3A_69 = arith.constant 1 : i32
    %sub3A_70 = arith.subi %div3A_49, %sub3A_69 : i32
    %select_n3A_71 = arith.select %and3A_68, %sub3A_70, %div3A_49 : i32
    %jit3A_72 = arith.constant 16 : i32
    %eq3A = arith.constant 0 : i32
    %eq3A_73 = arith.cmpi eq, %jit3A_72, %eq3A : i32
    %jit3A_74 = arith.constant 1 : i32
    %select_n3A_75 = arith.select %eq3A_73, %jit3A_74, %jit3A_72 : i32
    %rem3A_76 = arith.remsi %select_n3A_47, %select_n3A_75 : i32
    %ne3A_77 = arith.constant 0 : i32
    %ne3A_78 = arith.cmpi ne, %rem3A_76, %ne3A_77 : i32
    %lt3A = arith.constant 0 : i32
    %lt3A_79 = arith.cmpi slt, %rem3A_76, %lt3A : i32
    %lt3A_80 = arith.constant 0 : i32
    %lt3A_81 = arith.cmpi slt, %select_n3A_75, %lt3A_80 : i32
    %ne3A_82 = arith.xori %lt3A_79, %lt3A_81 : i1
    %and3A_83 = arith.andi %ne3A_82, %ne3A_78 : i1
    %add3A_84 = arith.addi %rem3A_76, %select_n3A_75 : i32
    %select_n3A_85 = arith.select %and3A_83, %add3A_84, %rem3A_76 : i32
    %mul3A_86 = arith.constant 128 : i32
    %mul3A_87 = arith.muli %select_n3A_85, %mul3A_86 : i32
    %add3A_88 = arith.constant 0 : i32
    %add3A_89 = arith.addi %mul3A_2, %add3A_88 : i32
    %jit3A_90 = arith.constant 2 : i32
    %eq3A_91 = arith.constant 0 : i32
    %eq3A_92 = arith.cmpi eq, %jit3A_90, %eq3A_91 : i32
    %jit3A_93 = arith.constant 1 : i32
    %select_n3A_94 = arith.select %eq3A_92, %jit3A_93, %jit3A_90 : i32
    %rem3A_95 = arith.remsi %add3A_89, %select_n3A_94 : i32
    %ne3A_96 = arith.constant 0 : i32
    %ne3A_97 = arith.cmpi ne, %rem3A_95, %ne3A_96 : i32
    %lt3A_98 = arith.constant 0 : i32
    %lt3A_99 = arith.cmpi slt, %rem3A_95, %lt3A_98 : i32
    %lt3A_100 = arith.constant 0 : i32
    %lt3A_101 = arith.cmpi slt, %select_n3A_94, %lt3A_100 : i32
    %ne3A_102 = arith.xori %lt3A_99, %lt3A_101 : i1
    %and3A_103 = arith.andi %ne3A_102, %ne3A_97 : i1
    %add3A_104 = arith.addi %rem3A_95, %select_n3A_94 : i32
    %select_n3A_105 = arith.select %and3A_103, %add3A_104, %rem3A_95 : i32
    %mul3A_106 = arith.constant 2048 : i32
    %mul3A_107 = arith.muli %select_n3A_105, %mul3A_106 : i32
    %add3A_108 = arith.addi %mul3A_87, %mul3A_107 : i32
    %sub3A_109 = arith.subi %select_n3A_71, %min3A_19 : i32
    %mul3A_110 = arith.constant 4096 : i32
    %mul3A_111 = arith.muli %sub3A_109, %mul3A_110 : i32
    %add3A_112 = arith.addi %mul3A_111, %add3A_108 : i32
    %dma_start3A = tpu.memref_slice %arg5[%add3A_112] : memref<32768xi32, #tpu.memory_space<vmem>> -> memref<128xi32, #tpu.memory_space<vmem>>
    %dma_start3A_113 = arith.constant 0 : i32
    %dma_start3A_114 = arith.constant 0 : i32
    %dma_start3A_115 = tpu.memref_slice %arg3[%dma_start3A_113, %dma_start3A_114] : memref<100000x64xf32, #tpu.memory_space<hbm>> -> memref<100000x64xf32, #tpu.memory_space<hbm>>
    tpu.enqueue_indirect_dma source(%dma_start3A_115 : memref<100000x64xf32, #tpu.memory_space<hbm>>) target(%arg6 : memref<128x64xf32, #tpu.memory_space<vmem>>) offsets(%dma_start3A : memref<128xi32, #tpu.memory_space<vmem>>) semaphore(%arg10 : memref<!tpu.dma_semaphore, #tpu.memory_space<semaphore_mem>>)
    %add3A_116 = arith.constant 1 : i32
    %add3A_117 = arith.addi %mul3A_2, %add3A_116 : i32
    %jit3A_118 = arith.constant 2 : i32
    %div3A_119 = arith.divsi %add3A_117, %jit3A_118 : i32
    %sign3A_120 = arith.constant 0 : i32
    %sign3A_121 = arith.cmpi sgt, %add3A_117, %sign3A_120 : i32
    %sign3A_122 = arith.extui %sign3A_121 : i1 to i32
    %sign3A_123 = arith.constant 0 : i32
    %sign3A_124 = arith.cmpi slt, %add3A_117, %sign3A_123 : i32
    %sign3A_125 = arith.extui %sign3A_124 : i1 to i32
    %sign3A_126 = arith.subi %sign3A_122, %sign3A_125 : i32
    %sign3A_127 = arith.constant 0 : i32
    %sign3A_128 = arith.cmpi sgt, %jit3A_118, %sign3A_127 : i32
    %sign3A_129 = arith.extui %sign3A_128 : i1 to i32
    %sign3A_130 = arith.constant 0 : i32
    %sign3A_131 = arith.cmpi slt, %jit3A_118, %sign3A_130 : i32
    %sign3A_132 = arith.extui %sign3A_131 : i1 to i32
    %sign3A_133 = arith.subi %sign3A_129, %sign3A_132 : i32
    %ne3A_134 = arith.cmpi ne, %sign3A_126, %sign3A_133 : i32
    %rem3A_135 = arith.remsi %add3A_117, %jit3A_118 : i32
    %ne3A_136 = arith.constant 0 : i32
    %ne3A_137 = arith.cmpi ne, %rem3A_135, %ne3A_136 : i32
    %and3A_138 = arith.andi %ne3A_134, %ne3A_137 : i1
    %sub3A_139 = arith.constant 1 : i32
    %sub3A_140 = arith.subi %div3A_119, %sub3A_139 : i32
    %select_n3A_141 = arith.select %and3A_138, %sub3A_140, %div3A_119 : i32
    %jit3A_142 = arith.constant 16 : i32
    %div3A_143 = arith.divsi %select_n3A_141, %jit3A_142 : i32
    %sign3A_144 = arith.constant 0 : i32
    %sign3A_145 = arith.cmpi sgt, %select_n3A_141, %sign3A_144 : i32
    %sign3A_146 = arith.extui %sign3A_145 : i1 to i32
    %sign3A_147 = arith.constant 0 : i32
    %sign3A_148 = arith.cmpi slt, %select_n3A_141, %sign3A_147 : i32
    %sign3A_149 = arith.extui %sign3A_148 : i1 to i32
    %sign3A_150 = arith.subi %sign3A_146, %sign3A_149 : i32
    %sign3A_151 = arith.constant 0 : i32
    %sign3A_152 = arith.cmpi sgt, %jit3A_142, %sign3A_151 : i32
    %sign3A_153 = arith.extui %sign3A_152 : i1 to i32
    %sign3A_154 = arith.constant 0 : i32
    %sign3A_155 = arith.cmpi slt, %jit3A_142, %sign3A_154 : i32
    %sign3A_156 = arith.extui %sign3A_155 : i1 to i32
    %sign3A_157 = arith.subi %sign3A_153, %sign3A_156 : i32
    %ne3A_158 = arith.cmpi ne, %sign3A_150, %sign3A_157 : i32
    %rem3A_159 = arith.remsi %select_n3A_141, %jit3A_142 : i32
    %ne3A_160 = arith.constant 0 : i32
    %ne3A_161 = arith.cmpi ne, %rem3A_159, %ne3A_160 : i32
    %and3A_162 = arith.andi %ne3A_158, %ne3A_161 : i1
    %sub3A_163 = arith.constant 1 : i32
    %sub3A_164 = arith.subi %div3A_143, %sub3A_163 : i32
    %select_n3A_165 = arith.select %and3A_162, %sub3A_164, %div3A_143 : i32
    %jit3A_166 = arith.constant 16 : i32
    %eq3A_167 = arith.constant 0 : i32
    %eq3A_168 = arith.cmpi eq, %jit3A_166, %eq3A_167 : i32
    %jit3A_169 = arith.constant 1 : i32
    %select_n3A_170 = arith.select %eq3A_168, %jit3A_169, %jit3A_166 : i32
    %rem3A_171 = arith.remsi %select_n3A_141, %select_n3A_170 : i32
    %ne3A_172 = arith.constant 0 : i32
    %ne3A_173 = arith.cmpi ne, %rem3A_171, %ne3A_172 : i32
    %lt3A_174 = arith.constant 0 : i32
    %lt3A_175 = arith.cmpi slt, %rem3A_171, %lt3A_174 : i32
    %lt3A_176 = arith.constant 0 : i32
    %lt3A_177 = arith.cmpi slt, %select_n3A_170, %lt3A_176 : i32
    %ne3A_178 = arith.xori %lt3A_175, %lt3A_177 : i1
    %and3A_179 = arith.andi %ne3A_178, %ne3A_173 : i1
    %add3A_180 = arith.addi %rem3A_171, %select_n3A_170 : i32
    %select_n3A_181 = arith.select %and3A_179, %add3A_180, %rem3A_171 : i32
    %mul3A_182 = arith.constant 128 : i32
    %mul3A_183 = arith.muli %select_n3A_181, %mul3A_182 : i32
    %add3A_184 = arith.constant 1 : i32
    %add3A_185 = arith.addi %mul3A_2, %add3A_184 : i32
    %jit3A_186 = arith.constant 2 : i32
    %eq3A_187 = arith.constant 0 : i32
    %eq3A_188 = arith.cmpi eq, %jit3A_186, %eq3A_187 : i32
    %jit3A_189 = arith.constant 1 : i32
    %select_n3A_190 = arith.select %eq3A_188, %jit3A_189, %jit3A_186 : i32
    %rem3A_191 = arith.remsi %add3A_185, %select_n3A_190 : i32
    %ne3A_192 = arith.constant 0 : i32
    %ne3A_193 = arith.cmpi ne, %rem3A_191, %ne3A_192 : i32
    %lt3A_194 = arith.constant 0 : i32
    %lt3A_195 = arith.cmpi slt, %rem3A_191, %lt3A_194 : i32
    %lt3A_196 = arith.constant 0 : i32
    %lt3A_197 = arith.cmpi slt, %select_n3A_190, %lt3A_196 : i32
    %ne3A_198 = arith.xori %lt3A_195, %lt3A_197 : i1
    %and3A_199 = arith.andi %ne3A_198, %ne3A_193 : i1
    %add3A_200 = arith.addi %rem3A_191, %select_n3A_190 : i32
    %select_n3A_201 = arith.select %and3A_199, %add3A_200, %rem3A_191 : i32
    %mul3A_202 = arith.constant 2048 : i32
    %mul3A_203 = arith.muli %select_n3A_201, %mul3A_202 : i32
    %add3A_204 = arith.addi %mul3A_183, %mul3A_203 : i32
    %sub3A_205 = arith.subi %select_n3A_165, %min3A_19 : i32
    %mul3A_206 = arith.constant 4096 : i32
    %mul3A_207 = arith.muli %sub3A_205, %mul3A_206 : i32
    %add3A_208 = arith.addi %mul3A_207, %add3A_204 : i32
    %dma_start3A_209 = tpu.memref_slice %arg5[%add3A_208] : memref<32768xi32, #tpu.memory_space<vmem>> -> memref<128xi32, #tpu.memory_space<vmem>>
    %dma_start3A_210 = arith.constant 0 : i32
    %dma_start3A_211 = arith.constant 0 : i32
    %dma_start3A_212 = tpu.memref_slice %arg3[%dma_start3A_210, %dma_start3A_211] : memref<100000x64xf32, #tpu.memory_space<hbm>> -> memref<100000x64xf32, #tpu.memory_space<hbm>>
    tpu.enqueue_indirect_dma source(%dma_start3A_212 : memref<100000x64xf32, #tpu.memory_space<hbm>>) target(%arg7 : memref<128x64xf32, #tpu.memory_space<vmem>>) offsets(%dma_start3A_209 : memref<128xi32, #tpu.memory_space<vmem>>) semaphore(%arg11 : memref<!tpu.dma_semaphore, #tpu.memory_space<semaphore_mem>>)
    %add3A_213 = arith.constant 2 : i32
    %add3A_214 = arith.addi %mul3A_2, %add3A_213 : i32
    %jit3A_215 = arith.constant 2 : i32
    %div3A_216 = arith.divsi %add3A_214, %jit3A_215 : i32
    %sign3A_217 = arith.constant 0 : i32
    %sign3A_218 = arith.cmpi sgt, %add3A_214, %sign3A_217 : i32
    %sign3A_219 = arith.extui %sign3A_218 : i1 to i32
    %sign3A_220 = arith.constant 0 : i32
    %sign3A_221 = arith.cmpi slt, %add3A_214, %sign3A_220 : i32
    %sign3A_222 = arith.extui %sign3A_221 : i1 to i32
    %sign3A_223 = arith.subi %sign3A_219, %sign3A_222 : i32
    %sign3A_224 = arith.constant 0 : i32
    %sign3A_225 = arith.cmpi sgt, %jit3A_215, %sign3A_224 : i32
    %sign3A_226 = arith.extui %sign3A_225 : i1 to i32
    %sign3A_227 = arith.constant 0 : i32
    %sign3A_228 = arith.cmpi slt, %jit3A_215, %sign3A_227 : i32
    %sign3A_229 = arith.extui %sign3A_228 : i1 to i32
    %sign3A_230 = arith.subi %sign3A_226, %sign3A_229 : i32
    %ne3A_231 = arith.cmpi ne, %sign3A_223, %sign3A_230 : i32
    %rem3A_232 = arith.remsi %add3A_214, %jit3A_215 : i32
    %ne3A_233 = arith.constant 0 : i32
    %ne3A_234 = arith.cmpi ne, %rem3A_232, %ne3A_233 : i32
    %and3A_235 = arith.andi %ne3A_231, %ne3A_234 : i1
    %sub3A_236 = arith.constant 1 : i32
    %sub3A_237 = arith.subi %div3A_216, %sub3A_236 : i32
    %select_n3A_238 = arith.select %and3A_235, %sub3A_237, %div3A_216 : i32
    %jit3A_239 = arith.constant 16 : i32
    %div3A_240 = arith.divsi %select_n3A_238, %jit3A_239 : i32
    %sign3A_241 = arith.constant 0 : i32
    %sign3A_242 = arith.cmpi sgt, %select_n3A_238, %sign3A_241 : i32
    %sign3A_243 = arith.extui %sign3A_242 : i1 to i32
    %sign3A_244 = arith.constant 0 : i32
    %sign3A_245 = arith.cmpi slt, %select_n3A_238, %sign3A_244 : i32
    %sign3A_246 = arith.extui %sign3A_245 : i1 to i32
    %sign3A_247 = arith.subi %sign3A_243, %sign3A_246 : i32
    %sign3A_248 = arith.constant 0 : i32
    %sign3A_249 = arith.cmpi sgt, %jit3A_239, %sign3A_248 : i32
    %sign3A_250 = arith.extui %sign3A_249 : i1 to i32
    %sign3A_251 = arith.constant 0 : i32
    %sign3A_252 = arith.cmpi slt, %jit3A_239, %sign3A_251 : i32
    %sign3A_253 = arith.extui %sign3A_252 : i1 to i32
    %sign3A_254 = arith.subi %sign3A_250, %sign3A_253 : i32
    %ne3A_255 = arith.cmpi ne, %sign3A_247, %sign3A_254 : i32
    %rem3A_256 = arith.remsi %select_n3A_238, %jit3A_239 : i32
    %ne3A_257 = arith.constant 0 : i32
    %ne3A_258 = arith.cmpi ne, %rem3A_256, %ne3A_257 : i32
    %and3A_259 = arith.andi %ne3A_255, %ne3A_258 : i1
    %sub3A_260 = arith.constant 1 : i32
    %sub3A_261 = arith.subi %div3A_240, %sub3A_260 : i32
    %select_n3A_262 = arith.select %and3A_259, %sub3A_261, %div3A_240 : i32
    %jit3A_263 = arith.constant 16 : i32
    %eq3A_264 = arith.constant 0 : i32
    %eq3A_265 = arith.cmpi eq, %jit3A_263, %eq3A_264 : i32
    %jit3A_266 = arith.constant 1 : i32
    %select_n3A_267 = arith.select %eq3A_265, %jit3A_266, %jit3A_263 : i32
    %rem3A_268 = arith.remsi %select_n3A_238, %select_n3A_267 : i32
    %ne3A_269 = arith.constant 0 : i32
    %ne3A_270 = arith.cmpi ne, %rem3A_268, %ne3A_269 : i32
    %lt3A_271 = arith.constant 0 : i32
    %lt3A_272 = arith.cmpi slt, %rem3A_268, %lt3A_271 : i32
    %lt3A_273 = arith.constant 0 : i32
    %lt3A_274 = arith.cmpi slt, %select_n3A_267, %lt3A_273 : i32
    %ne3A_275 = arith.xori %lt3A_272, %lt3A_274 : i1
    %and3A_276 = arith.andi %ne3A_275, %ne3A_270 : i1
    %add3A_277 = arith.addi %rem3A_268, %select_n3A_267 : i32
    %select_n3A_278 = arith.select %and3A_276, %add3A_277, %rem3A_268 : i32
    %mul3A_279 = arith.constant 128 : i32
    %mul3A_280 = arith.muli %select_n3A_278, %mul3A_279 : i32
    %add3A_281 = arith.constant 2 : i32
    %add3A_282 = arith.addi %mul3A_2, %add3A_281 : i32
    %jit3A_283 = arith.constant 2 : i32
    %eq3A_284 = arith.constant 0 : i32
    %eq3A_285 = arith.cmpi eq, %jit3A_283, %eq3A_284 : i32
    %jit3A_286 = arith.constant 1 : i32
    %select_n3A_287 = arith.select %eq3A_285, %jit3A_286, %jit3A_283 : i32
    %rem3A_288 = arith.remsi %add3A_282, %select_n3A_287 : i32
    %ne3A_289 = arith.constant 0 : i32
    %ne3A_290 = arith.cmpi ne, %rem3A_288, %ne3A_289 : i32
    %lt3A_291 = arith.constant 0 : i32
    %lt3A_292 = arith.cmpi slt, %rem3A_288, %lt3A_291 : i32
    %lt3A_293 = arith.constant 0 : i32
    %lt3A_294 = arith.cmpi slt, %select_n3A_287, %lt3A_293 : i32
    %ne3A_295 = arith.xori %lt3A_292, %lt3A_294 : i1
    %and3A_296 = arith.andi %ne3A_295, %ne3A_290 : i1
    %add3A_297 = arith.addi %rem3A_288, %select_n3A_287 : i32
    %select_n3A_298 = arith.select %and3A_296, %add3A_297, %rem3A_288 : i32
    %mul3A_299 = arith.constant 2048 : i32
    %mul3A_300 = arith.muli %select_n3A_298, %mul3A_299 : i32
    %add3A_301 = arith.addi %mul3A_280, %mul3A_300 : i32
    %sub3A_302 = arith.subi %select_n3A_262, %min3A_19 : i32
    %mul3A_303 = arith.constant 4096 : i32
    %mul3A_304 = arith.muli %sub3A_302, %mul3A_303 : i32
    %add3A_305 = arith.addi %mul3A_304, %add3A_301 : i32
    %dma_start3A_306 = tpu.memref_slice %arg5[%add3A_305] : memref<32768xi32, #tpu.memory_space<vmem>> -> memref<128xi32, #tpu.memory_space<vmem>>
    %dma_start3A_307 = arith.constant 0 : i32
    %dma_start3A_308 = arith.constant 0 : i32
    %dma_start3A_309 = tpu.memref_slice %arg3[%dma_start3A_307, %dma_start3A_308] : memref<100000x64xf32, #tpu.memory_space<hbm>> -> memref<100000x64xf32, #tpu.memory_space<hbm>>
    tpu.enqueue_indirect_dma source(%dma_start3A_309 : memref<100000x64xf32, #tpu.memory_space<hbm>>) target(%arg8 : memref<128x64xf32, #tpu.memory_space<vmem>>) offsets(%dma_start3A_306 : memref<128xi32, #tpu.memory_space<vmem>>) semaphore(%arg12 : memref<!tpu.dma_semaphore, #tpu.memory_space<semaphore_mem>>)
    %add3A_310 = arith.constant 3 : i32
    %add3A_311 = arith.addi %mul3A_2, %add3A_310 : i32
    %jit3A_312 = arith.constant 2 : i32
    %div3A_313 = arith.divsi %add3A_311, %jit3A_312 : i32
    %sign3A_314 = arith.constant 0 : i32
    %sign3A_315 = arith.cmpi sgt, %add3A_311, %sign3A_314 : i32
    %sign3A_316 = arith.extui %sign3A_315 : i1 to i32
    %sign3A_317 = arith.constant 0 : i32
    %sign3A_318 = arith.cmpi slt, %add3A_311, %sign3A_317 : i32
    %sign3A_319 = arith.extui %sign3A_318 : i1 to i32
    %sign3A_320 = arith.subi %sign3A_316, %sign3A_319 : i32
    %sign3A_321 = arith.constant 0 : i32
    %sign3A_322 = arith.cmpi sgt, %jit3A_312, %sign3A_321 : i32
    %sign3A_323 = arith.extui %sign3A_322 : i1 to i32
    %sign3A_324 = arith.constant 0 : i32
    %sign3A_325 = arith.cmpi slt, %jit3A_312, %sign3A_324 : i32
    %sign3A_326 = arith.extui %sign3A_325 : i1 to i32
    %sign3A_327 = arith.subi %sign3A_323, %sign3A_326 : i32
    %ne3A_328 = arith.cmpi ne, %sign3A_320, %sign3A_327 : i32
    %rem3A_329 = arith.remsi %add3A_311, %jit3A_312 : i32
    %ne3A_330 = arith.constant 0 : i32
    %ne3A_331 = arith.cmpi ne, %rem3A_329, %ne3A_330 : i32
    %and3A_332 = arith.andi %ne3A_328, %ne3A_331 : i1
    %sub3A_333 = arith.constant 1 : i32
    %sub3A_334 = arith.subi %div3A_313, %sub3A_333 : i32
    %select_n3A_335 = arith.select %and3A_332, %sub3A_334, %div3A_313 : i32
    %jit3A_336 = arith.constant 16 : i32
    %div3A_337 = arith.divsi %select_n3A_335, %jit3A_336 : i32
    %sign3A_338 = arith.constant 0 : i32
    %sign3A_339 = arith.cmpi sgt, %select_n3A_335, %sign3A_338 : i32
    %sign3A_340 = arith.extui %sign3A_339 : i1 to i32
    %sign3A_341 = arith.constant 0 : i32
    %sign3A_342 = arith.cmpi slt, %select_n3A_335, %sign3A_341 : i32
    %sign3A_343 = arith.extui %sign3A_342 : i1 to i32
    %sign3A_344 = arith.subi %sign3A_340, %sign3A_343 : i32
    %sign3A_345 = arith.constant 0 : i32
    %sign3A_346 = arith.cmpi sgt, %jit3A_336, %sign3A_345 : i32
    %sign3A_347 = arith.extui %sign3A_346 : i1 to i32
    %sign3A_348 = arith.constant 0 : i32
    %sign3A_349 = arith.cmpi slt, %jit3A_336, %sign3A_348 : i32
    %sign3A_350 = arith.extui %sign3A_349 : i1 to i32
    %sign3A_351 = arith.subi %sign3A_347, %sign3A_350 : i32
    %ne3A_352 = arith.cmpi ne, %sign3A_344, %sign3A_351 : i32
    %rem3A_353 = arith.remsi %select_n3A_335, %jit3A_336 : i32
    %ne3A_354 = arith.constant 0 : i32
    %ne3A_355 = arith.cmpi ne, %rem3A_353, %ne3A_354 : i32
    %and3A_356 = arith.andi %ne3A_352, %ne3A_355 : i1
    %sub3A_357 = arith.constant 1 : i32
    %sub3A_358 = arith.subi %div3A_337, %sub3A_357 : i32
    %select_n3A_359 = arith.select %and3A_356, %sub3A_358, %div3A_337 : i32
    %jit3A_360 = arith.constant 16 : i32
    %eq3A_361 = arith.constant 0 : i32
    %eq3A_362 = arith.cmpi eq, %jit3A_360, %eq3A_361 : i32
    %jit3A_363 = arith.constant 1 : i32
    %select_n3A_364 = arith.select %eq3A_362, %jit3A_363, %jit3A_360 : i32
    %rem3A_365 = arith.remsi %select_n3A_335, %select_n3A_364 : i32
    %ne3A_366 = arith.constant 0 : i32
    %ne3A_367 = arith.cmpi ne, %rem3A_365, %ne3A_366 : i32
    %lt3A_368 = arith.constant 0 : i32
    %lt3A_369 = arith.cmpi slt, %rem3A_365, %lt3A_368 : i32
    %lt3A_370 = arith.constant 0 : i32
    %lt3A_371 = arith.cmpi slt, %select_n3A_364, %lt3A_370 : i32
    %ne3A_372 = arith.xori %lt3A_369, %lt3A_371 : i1
    %and3A_373 = arith.andi %ne3A_372, %ne3A_367 : i1
    %add3A_374 = arith.addi %rem3A_365, %select_n3A_364 : i32
    %select_n3A_375 = arith.select %and3A_373, %add3A_374, %rem3A_365 : i32
    %mul3A_376 = arith.constant 128 : i32
    %mul3A_377 = arith.muli %select_n3A_375, %mul3A_376 : i32
    %add3A_378 = arith.constant 3 : i32
    %add3A_379 = arith.addi %mul3A_2, %add3A_378 : i32
    %jit3A_380 = arith.constant 2 : i32
    %eq3A_381 = arith.constant 0 : i32
    %eq3A_382 = arith.cmpi eq, %jit3A_380, %eq3A_381 : i32
    %jit3A_383 = arith.constant 1 : i32
    %select_n3A_384 = arith.select %eq3A_382, %jit3A_383, %jit3A_380 : i32
    %rem3A_385 = arith.remsi %add3A_379, %select_n3A_384 : i32
    %ne3A_386 = arith.constant 0 : i32
    %ne3A_387 = arith.cmpi ne, %rem3A_385, %ne3A_386 : i32
    %lt3A_388 = arith.constant 0 : i32
    %lt3A_389 = arith.cmpi slt, %rem3A_385, %lt3A_388 : i32
    %lt3A_390 = arith.constant 0 : i32
    %lt3A_391 = arith.cmpi slt, %select_n3A_384, %lt3A_390 : i32
    %ne3A_392 = arith.xori %lt3A_389, %lt3A_391 : i1
    %and3A_393 = arith.andi %ne3A_392, %ne3A_387 : i1
    %add3A_394 = arith.addi %rem3A_385, %select_n3A_384 : i32
    %select_n3A_395 = arith.select %and3A_393, %add3A_394, %rem3A_385 : i32
    %mul3A_396 = arith.constant 2048 : i32
    %mul3A_397 = arith.muli %select_n3A_395, %mul3A_396 : i32
    %add3A_398 = arith.addi %mul3A_377, %mul3A_397 : i32
    %sub3A_399 = arith.subi %select_n3A_359, %min3A_19 : i32
    %mul3A_400 = arith.constant 4096 : i32
    %mul3A_401 = arith.muli %sub3A_399, %mul3A_400 : i32
    %add3A_402 = arith.addi %mul3A_401, %add3A_398 : i32
    %dma_start3A_403 = tpu.memref_slice %arg5[%add3A_402] : memref<32768xi32, #tpu.memory_space<vmem>> -> memref<128xi32, #tpu.memory_space<vmem>>
    %dma_start3A_404 = arith.constant 0 : i32
    %dma_start3A_405 = arith.constant 0 : i32
    %dma_start3A_406 = tpu.memref_slice %arg3[%dma_start3A_404, %dma_start3A_405] : memref<100000x64xf32, #tpu.memory_space<hbm>> -> memref<100000x64xf32, #tpu.memory_space<hbm>>
    tpu.enqueue_indirect_dma source(%dma_start3A_406 : memref<100000x64xf32, #tpu.memory_space<hbm>>) target(%arg9 : memref<128x64xf32, #tpu.memory_space<vmem>>) offsets(%dma_start3A_403 : memref<128xi32, #tpu.memory_space<vmem>>) semaphore(%arg13 : memref<!tpu.dma_semaphore, #tpu.memory_space<semaphore_mem>>)
    %scan3A = arith.constant 0 : i32
    %scan3A_407 = arith.constant 0 : i32
    %scan3A_408 = arith.constant 50 : i32
    %scan3A_409 = arith.addi %scan3A_407, %scan3A_408 : i32
    %scan3A_410 = arith.constant 1 : i32
    scf.for %scan3A_791 = %scan3A_407 to %scan3A_409 step %scan3A_410  : i32 {
      %mul3A_792 = arith.constant 4 : i32
      %mul3A_793 = arith.muli %mul3A_792, %scan3A_791 : i32
      %dma_wait3A_794 = arith.constant 0 : i32
      %dma_wait3A_795 = tpu.memref_slice %arg5[%dma_wait3A_794] : memref<32768xi32, #tpu.memory_space<vmem>> -> memref<128xi32, #tpu.memory_space<vmem>>
      %dma_wait3A_796 = arith.constant 0 : i32
      %dma_wait3A_797 = arith.constant 0 : i32
      %dma_wait3A_798 = tpu.memref_slice %arg3[%dma_wait3A_796, %dma_wait3A_797] : memref<100000x64xf32, #tpu.memory_space<hbm>> -> memref<100000x64xf32, #tpu.memory_space<hbm>>
      tpu.wait_indirect_dma semaphore(%arg10 : memref<!tpu.dma_semaphore, #tpu.memory_space<semaphore_mem>>) src(%dma_wait3A_798 : memref<100000x64xf32, #tpu.memory_space<hbm>>) dst(%arg6 : memref<128x64xf32, #tpu.memory_space<vmem>>)
      %add3A_799 = arith.constant 0 : i32
      %add3A_800 = arith.addi %mul3A_793, %add3A_799 : i32
      %add3A_801 = arith.addi %mul3A_2, %add3A_800 : i32
      %jit3A_802 = arith.constant 2 : i32
      %div3A_803 = arith.divsi %add3A_801, %jit3A_802 : i32
      %sign3A_804 = arith.constant 0 : i32
      %sign3A_805 = arith.cmpi sgt, %add3A_801, %sign3A_804 : i32
      %sign3A_806 = arith.extui %sign3A_805 : i1 to i32
      %sign3A_807 = arith.constant 0 : i32
      %sign3A_808 = arith.cmpi slt, %add3A_801, %sign3A_807 : i32
      %sign3A_809 = arith.extui %sign3A_808 : i1 to i32
      %sign3A_810 = arith.subi %sign3A_806, %sign3A_809 : i32
      %sign3A_811 = arith.constant 0 : i32
      %sign3A_812 = arith.cmpi sgt, %jit3A_802, %sign3A_811 : i32
      %sign3A_813 = arith.extui %sign3A_812 : i1 to i32
      %sign3A_814 = arith.constant 0 : i32
      %sign3A_815 = arith.cmpi slt, %jit3A_802, %sign3A_814 : i32
      %sign3A_816 = arith.extui %sign3A_815 : i1 to i32
      %sign3A_817 = arith.subi %sign3A_813, %sign3A_816 : i32
      %ne3A_818 = arith.cmpi ne, %sign3A_810, %sign3A_817 : i32
      %rem3A_819 = arith.remsi %add3A_801, %jit3A_802 : i32
      %ne3A_820 = arith.constant 0 : i32
      %ne3A_821 = arith.cmpi ne, %rem3A_819, %ne3A_820 : i32
      %and3A_822 = arith.andi %ne3A_818, %ne3A_821 : i1
      %sub3A_823 = arith.constant 1 : i32
      %sub3A_824 = arith.subi %div3A_803, %sub3A_823 : i32
      %select_n3A_825 = arith.select %and3A_822, %sub3A_824, %div3A_803 : i32
      %jit3A_826 = arith.constant 16 : i32
      %div3A_827 = arith.divsi %select_n3A_825, %jit3A_826 : i32
      %sign3A_828 = arith.constant 0 : i32
      %sign3A_829 = arith.cmpi sgt, %select_n3A_825, %sign3A_828 : i32
      %sign3A_830 = arith.extui %sign3A_829 : i1 to i32
      %sign3A_831 = arith.constant 0 : i32
      %sign3A_832 = arith.cmpi slt, %select_n3A_825, %sign3A_831 : i32
      %sign3A_833 = arith.extui %sign3A_832 : i1 to i32
      %sign3A_834 = arith.subi %sign3A_830, %sign3A_833 : i32
      %sign3A_835 = arith.constant 0 : i32
      %sign3A_836 = arith.cmpi sgt, %jit3A_826, %sign3A_835 : i32
      %sign3A_837 = arith.extui %sign3A_836 : i1 to i32
      %sign3A_838 = arith.constant 0 : i32
      %sign3A_839 = arith.cmpi slt, %jit3A_826, %sign3A_838 : i32
      %sign3A_840 = arith.extui %sign3A_839 : i1 to i32
      %sign3A_841 = arith.subi %sign3A_837, %sign3A_840 : i32
      %ne3A_842 = arith.cmpi ne, %sign3A_834, %sign3A_841 : i32
      %rem3A_843 = arith.remsi %select_n3A_825, %jit3A_826 : i32
      %ne3A_844 = arith.constant 0 : i32
      %ne3A_845 = arith.cmpi ne, %rem3A_843, %ne3A_844 : i32
      %and3A_846 = arith.andi %ne3A_842, %ne3A_845 : i1
      %sub3A_847 = arith.constant 1 : i32
      %sub3A_848 = arith.subi %div3A_827, %sub3A_847 : i32
      %select_n3A_849 = arith.select %and3A_846, %sub3A_848, %div3A_827 : i32
      %jit3A_850 = arith.constant 16 : i32
      %eq3A_851 = arith.constant 0 : i32
      %eq3A_852 = arith.cmpi eq, %jit3A_850, %eq3A_851 : i32
      %jit3A_853 = arith.constant 1 : i32
      %select_n3A_854 = arith.select %eq3A_852, %jit3A_853, %jit3A_850 : i32
      %rem3A_855 = arith.remsi %select_n3A_825, %select_n3A_854 : i32
      %ne3A_856 = arith.constant 0 : i32
      %ne3A_857 = arith.cmpi ne, %rem3A_855, %ne3A_856 : i32
      %lt3A_858 = arith.constant 0 : i32
      %lt3A_859 = arith.cmpi slt, %rem3A_855, %lt3A_858 : i32
      %lt3A_860 = arith.constant 0 : i32
      %lt3A_861 = arith.cmpi slt, %select_n3A_854, %lt3A_860 : i32
      %ne3A_862 = arith.xori %lt3A_859, %lt3A_861 : i1
      %and3A_863 = arith.andi %ne3A_862, %ne3A_857 : i1
      %add3A_864 = arith.addi %rem3A_855, %select_n3A_854 : i32
      %select_n3A_865 = arith.select %and3A_863, %add3A_864, %rem3A_855 : i32
      %mul3A_866 = arith.constant 128 : i32
      %mul3A_867 = arith.muli %select_n3A_865, %mul3A_866 : i32
      %add3A_868 = arith.addi %mul3A_2, %add3A_800 : i32
      %jit3A_869 = arith.constant 2 : i32
      %eq3A_870 = arith.constant 0 : i32
      %eq3A_871 = arith.cmpi eq, %jit3A_869, %eq3A_870 : i32
      %jit3A_872 = arith.constant 1 : i32
      %select_n3A_873 = arith.select %eq3A_871, %jit3A_872, %jit3A_869 : i32
      %rem3A_874 = arith.remsi %add3A_868, %select_n3A_873 : i32
      %ne3A_875 = arith.constant 0 : i32
      %ne3A_876 = arith.cmpi ne, %rem3A_874, %ne3A_875 : i32
      %lt3A_877 = arith.constant 0 : i32
      %lt3A_878 = arith.cmpi slt, %rem3A_874, %lt3A_877 : i32
      %lt3A_879 = arith.constant 0 : i32
      %lt3A_880 = arith.cmpi slt, %select_n3A_873, %lt3A_879 : i32
      %ne3A_881 = arith.xori %lt3A_878, %lt3A_880 : i1
      %and3A_882 = arith.andi %ne3A_881, %ne3A_876 : i1
      %add3A_883 = arith.addi %rem3A_874, %select_n3A_873 : i32
      %select_n3A_884 = arith.select %and3A_882, %add3A_883, %rem3A_874 : i32
      %mul3A_885 = arith.constant 2048 : i32
      %mul3A_886 = arith.muli %select_n3A_884, %mul3A_885 : i32
      %add3A_887 = arith.addi %mul3A_867, %mul3A_886 : i32
      %mul3A_888 = arith.constant 64 : i32
      %mul3A_889 = arith.muli %select_n3A_884, %mul3A_888 : i32
      %dma_start3A_890 = tpu.memref_slice %arg4[%select_n3A_849, %mul3A_867, %mul3A_889] : memref<200x2048x128xf32, #tpu.memory_space<hbm>> -> memref<1x128x64xf32, #tpu.memory_space<hbm>>
      %dma_start3A_891 = tpu.memref_squeeze %dma_start3A_890 : memref<1x128x64xf32, #tpu.memory_space<hbm>> -> memref<128x64xf32, #tpu.memory_space<hbm>>
      %dma_start3A_892 = tpu.memref_slice %arg4[%select_n3A_849, %mul3A_867, %mul3A_889] : memref<200x2048x128xf32, #tpu.memory_space<hbm>> -> memref<1x128x64xf32, #tpu.memory_space<hbm>>
      %dma_start3A_893 = tpu.memref_squeeze %dma_start3A_892 : memref<1x128x64xf32, #tpu.memory_space<hbm>> -> memref<128x64xf32, #tpu.memory_space<hbm>>
      tpu.enqueue_dma source(%arg6 : memref<128x64xf32, #tpu.memory_space<vmem>>) target(%dma_start3A_893 : memref<128x64xf32, #tpu.memory_space<hbm>>) target_semaphore(%arg14 : memref<!tpu.dma_semaphore, #tpu.memory_space<semaphore_mem>>)
      %dma_wait3A_894 = arith.constant 0 : i32
      %dma_wait3A_895 = tpu.memref_slice %arg5[%dma_wait3A_894] : memref<32768xi32, #tpu.memory_space<vmem>> -> memref<128xi32, #tpu.memory_space<vmem>>
      %dma_wait3A_896 = arith.constant 0 : i32
      %dma_wait3A_897 = arith.constant 0 : i32
      %dma_wait3A_898 = tpu.memref_slice %arg3[%dma_wait3A_896, %dma_wait3A_897] : memref<100000x64xf32, #tpu.memory_space<hbm>> -> memref<100000x64xf32, #tpu.memory_space<hbm>>
      tpu.wait_indirect_dma semaphore(%arg11 : memref<!tpu.dma_semaphore, #tpu.memory_space<semaphore_mem>>) src(%dma_wait3A_898 : memref<100000x64xf32, #tpu.memory_space<hbm>>) dst(%arg7 : memref<128x64xf32, #tpu.memory_space<vmem>>)
      %add3A_899 = arith.constant 1 : i32
      %add3A_900 = arith.addi %mul3A_793, %add3A_899 : i32
      %add3A_901 = arith.addi %mul3A_2, %add3A_900 : i32
      %jit3A_902 = arith.constant 2 : i32
      %div3A_903 = arith.divsi %add3A_901, %jit3A_902 : i32
      %sign3A_904 = arith.constant 0 : i32
      %sign3A_905 = arith.cmpi sgt, %add3A_901, %sign3A_904 : i32
      %sign3A_906 = arith.extui %sign3A_905 : i1 to i32
      %sign3A_907 = arith.constant 0 : i32
      %sign3A_908 = arith.cmpi slt, %add3A_901, %sign3A_907 : i32
      %sign3A_909 = arith.extui %sign3A_908 : i1 to i32
      %sign3A_910 = arith.subi %sign3A_906, %sign3A_909 : i32
      %sign3A_911 = arith.constant 0 : i32
      %sign3A_912 = arith.cmpi sgt, %jit3A_902, %sign3A_911 : i32
      %sign3A_913 = arith.extui %sign3A_912 : i1 to i32
      %sign3A_914 = arith.constant 0 : i32
      %sign3A_915 = arith.cmpi slt, %jit3A_902, %sign3A_914 : i32
      %sign3A_916 = arith.extui %sign3A_915 : i1 to i32
      %sign3A_917 = arith.subi %sign3A_913, %sign3A_916 : i32
      %ne3A_918 = arith.cmpi ne, %sign3A_910, %sign3A_917 : i32
      %rem3A_919 = arith.remsi %add3A_901, %jit3A_902 : i32
      %ne3A_920 = arith.constant 0 : i32
      %ne3A_921 = arith.cmpi ne, %rem3A_919, %ne3A_920 : i32
      %and3A_922 = arith.andi %ne3A_918, %ne3A_921 : i1
      %sub3A_923 = arith.constant 1 : i32
      %sub3A_924 = arith.subi %div3A_903, %sub3A_923 : i32
      %select_n3A_925 = arith.select %and3A_922, %sub3A_924, %div3A_903 : i32
      %jit3A_926 = arith.constant 16 : i32
      %div3A_927 = arith.divsi %select_n3A_925, %jit3A_926 : i32
      %sign3A_928 = arith.constant 0 : i32
      %sign3A_929 = arith.cmpi sgt, %select_n3A_925, %sign3A_928 : i32
      %sign3A_930 = arith.extui %sign3A_929 : i1 to i32
      %sign3A_931 = arith.constant 0 : i32
      %sign3A_932 = arith.cmpi slt, %select_n3A_925, %sign3A_931 : i32
      %sign3A_933 = arith.extui %sign3A_932 : i1 to i32
      %sign3A_934 = arith.subi %sign3A_930, %sign3A_933 : i32
      %sign3A_935 = arith.constant 0 : i32
      %sign3A_936 = arith.cmpi sgt, %jit3A_926, %sign3A_935 : i32
      %sign3A_937 = arith.extui %sign3A_936 : i1 to i32
      %sign3A_938 = arith.constant 0 : i32
      %sign3A_939 = arith.cmpi slt, %jit3A_926, %sign3A_938 : i32
      %sign3A_940 = arith.extui %sign3A_939 : i1 to i32
      %sign3A_941 = arith.subi %sign3A_937, %sign3A_940 : i32
      %ne3A_942 = arith.cmpi ne, %sign3A_934, %sign3A_941 : i32
      %rem3A_943 = arith.remsi %select_n3A_925, %jit3A_926 : i32
      %ne3A_944 = arith.constant 0 : i32
      %ne3A_945 = arith.cmpi ne, %rem3A_943, %ne3A_944 : i32
      %and3A_946 = arith.andi %ne3A_942, %ne3A_945 : i1
      %sub3A_947 = arith.constant 1 : i32
      %sub3A_948 = arith.subi %div3A_927, %sub3A_947 : i32
      %select_n3A_949 = arith.select %and3A_946, %sub3A_948, %div3A_927 : i32
      %jit3A_950 = arith.constant 16 : i32
      %eq3A_951 = arith.constant 0 : i32
      %eq3A_952 = arith.cmpi eq, %jit3A_950, %eq3A_951 : i32
      %jit3A_953 = arith.constant 1 : i32
      %select_n3A_954 = arith.select %eq3A_952, %jit3A_953, %jit3A_950 : i32
      %rem3A_955 = arith.remsi %select_n3A_925, %select_n3A_954 : i32
      %ne3A_956 = arith.constant 0 : i32
      %ne3A_957 = arith.cmpi ne, %rem3A_955, %ne3A_956 : i32
      %lt3A_958 = arith.constant 0 : i32
      %lt3A_959 = arith.cmpi slt, %rem3A_955, %lt3A_958 : i32
      %lt3A_960 = arith.constant 0 : i32
      %lt3A_961 = arith.cmpi slt, %select_n3A_954, %lt3A_960 : i32
      %ne3A_962 = arith.xori %lt3A_959, %lt3A_961 : i1
      %and3A_963 = arith.andi %ne3A_962, %ne3A_957 : i1
      %add3A_964 = arith.addi %rem3A_955, %select_n3A_954 : i32
      %select_n3A_965 = arith.select %and3A_963, %add3A_964, %rem3A_955 : i32
      %mul3A_966 = arith.constant 128 : i32
      %mul3A_967 = arith.muli %select_n3A_965, %mul3A_966 : i32
      %add3A_968 = arith.addi %mul3A_2, %add3A_900 : i32
      %jit3A_969 = arith.constant 2 : i32
      %eq3A_970 = arith.constant 0 : i32
      %eq3A_971 = arith.cmpi eq, %jit3A_969, %eq3A_970 : i32
      %jit3A_972 = arith.constant 1 : i32
      %select_n3A_973 = arith.select %eq3A_971, %jit3A_972, %jit3A_969 : i32
      %rem3A_974 = arith.remsi %add3A_968, %select_n3A_973 : i32
      %ne3A_975 = arith.constant 0 : i32
      %ne3A_976 = arith.cmpi ne, %rem3A_974, %ne3A_975 : i32
      %lt3A_977 = arith.constant 0 : i32
      %lt3A_978 = arith.cmpi slt, %rem3A_974, %lt3A_977 : i32
      %lt3A_979 = arith.constant 0 : i32
      %lt3A_980 = arith.cmpi slt, %select_n3A_973, %lt3A_979 : i32
      %ne3A_981 = arith.xori %lt3A_978, %lt3A_980 : i1
      %and3A_982 = arith.andi %ne3A_981, %ne3A_976 : i1
      %add3A_983 = arith.addi %rem3A_974, %select_n3A_973 : i32
      %select_n3A_984 = arith.select %and3A_982, %add3A_983, %rem3A_974 : i32
      %mul3A_985 = arith.constant 2048 : i32
      %mul3A_986 = arith.muli %select_n3A_984, %mul3A_985 : i32
      %add3A_987 = arith.addi %mul3A_967, %mul3A_986 : i32
      %mul3A_988 = arith.constant 64 : i32
      %mul3A_989 = arith.muli %select_n3A_984, %mul3A_988 : i32
      %dma_start3A_990 = tpu.memref_slice %arg4[%select_n3A_949, %mul3A_967, %mul3A_989] : memref<200x2048x128xf32, #tpu.memory_space<hbm>> -> memref<1x128x64xf32, #tpu.memory_space<hbm>>
      %dma_start3A_991 = tpu.memref_squeeze %dma_start3A_990 : memref<1x128x64xf32, #tpu.memory_space<hbm>> -> memref<128x64xf32, #tpu.memory_space<hbm>>
      %dma_start3A_992 = tpu.memref_slice %arg4[%select_n3A_949, %mul3A_967, %mul3A_989] : memref<200x2048x128xf32, #tpu.memory_space<hbm>> -> memref<1x128x64xf32, #tpu.memory_space<hbm>>
      %dma_start3A_993 = tpu.memref_squeeze %dma_start3A_992 : memref<1x128x64xf32, #tpu.memory_space<hbm>> -> memref<128x64xf32, #tpu.memory_space<hbm>>
      tpu.enqueue_dma source(%arg7 : memref<128x64xf32, #tpu.memory_space<vmem>>) target(%dma_start3A_993 : memref<128x64xf32, #tpu.memory_space<hbm>>) target_semaphore(%arg15 : memref<!tpu.dma_semaphore, #tpu.memory_space<semaphore_mem>>)
      %dma_wait3A_994 = arith.constant 0 : i32
      %dma_wait3A_995 = tpu.memref_slice %arg5[%dma_wait3A_994] : memref<32768xi32, #tpu.memory_space<vmem>> -> memref<128xi32, #tpu.memory_space<vmem>>
      %dma_wait3A_996 = arith.constant 0 : i32
      %dma_wait3A_997 = arith.constant 0 : i32
      %dma_wait3A_998 = tpu.memref_slice %arg3[%dma_wait3A_996, %dma_wait3A_997] : memref<100000x64xf32, #tpu.memory_space<hbm>> -> memref<100000x64xf32, #tpu.memory_space<hbm>>
      tpu.wait_indirect_dma semaphore(%arg12 : memref<!tpu.dma_semaphore, #tpu.memory_space<semaphore_mem>>) src(%dma_wait3A_998 : memref<100000x64xf32, #tpu.memory_space<hbm>>) dst(%arg8 : memref<128x64xf32, #tpu.memory_space<vmem>>)
      %add3A_999 = arith.constant 2 : i32
      %add3A_1000 = arith.addi %mul3A_793, %add3A_999 : i32
      %add3A_1001 = arith.addi %mul3A_2, %add3A_1000 : i32
      %jit3A_1002 = arith.constant 2 : i32
      %div3A_1003 = arith.divsi %add3A_1001, %jit3A_1002 : i32
      %sign3A_1004 = arith.constant 0 : i32
      %sign3A_1005 = arith.cmpi sgt, %add3A_1001, %sign3A_1004 : i32
      %sign3A_1006 = arith.extui %sign3A_1005 : i1 to i32
      %sign3A_1007 = arith.constant 0 : i32
      %sign3A_1008 = arith.cmpi slt, %add3A_1001, %sign3A_1007 : i32
      %sign3A_1009 = arith.extui %sign3A_1008 : i1 to i32
      %sign3A_1010 = arith.subi %sign3A_1006, %sign3A_1009 : i32
      %sign3A_1011 = arith.constant 0 : i32
      %sign3A_1012 = arith.cmpi sgt, %jit3A_1002, %sign3A_1011 : i32
      %sign3A_1013 = arith.extui %sign3A_1012 : i1 to i32
      %sign3A_1014 = arith.constant 0 : i32
      %sign3A_1015 = arith.cmpi slt, %jit3A_1002, %sign3A_1014 : i32
      %sign3A_1016 = arith.extui %sign3A_1015 : i1 to i32
      %sign3A_1017 = arith.subi %sign3A_1013, %sign3A_1016 : i32
      %ne3A_1018 = arith.cmpi ne, %sign3A_1010, %sign3A_1017 : i32
      %rem3A_1019 = arith.remsi %add3A_1001, %jit3A_1002 : i32
      %ne3A_1020 = arith.constant 0 : i32
      %ne3A_1021 = arith.cmpi ne, %rem3A_1019, %ne3A_1020 : i32
      %and3A_1022 = arith.andi %ne3A_1018, %ne3A_1021 : i1
      %sub3A_1023 = arith.constant 1 : i32
      %sub3A_1024 = arith.subi %div3A_1003, %sub3A_1023 : i32
      %select_n3A_1025 = arith.select %and3A_1022, %sub3A_1024, %div3A_1003 : i32
      %jit3A_1026 = arith.constant 16 : i32
      %div3A_1027 = arith.divsi %select_n3A_1025, %jit3A_1026 : i32
      %sign3A_1028 = arith.constant 0 : i32
      %sign3A_1029 = arith.cmpi sgt, %select_n3A_1025, %sign3A_1028 : i32
      %sign3A_1030 = arith.extui %sign3A_1029 : i1 to i32
      %sign3A_1031 = arith.constant 0 : i32
      %sign3A_1032 = arith.cmpi slt, %select_n3A_1025, %sign3A_1031 : i32
      %sign3A_1033 = arith.extui %sign3A_1032 : i1 to i32
      %sign3A_1034 = arith.subi %sign3A_1030, %sign3A_1033 : i32
      %sign3A_1035 = arith.constant 0 : i32
      %sign3A_1036 = arith.cmpi sgt, %jit3A_1026, %sign3A_1035 : i32
      %sign3A_1037 = arith.extui %sign3A_1036 : i1 to i32
      %sign3A_1038 = arith.constant 0 : i32
      %sign3A_1039 = arith.cmpi slt, %jit3A_1026, %sign3A_1038 : i32
      %sign3A_1040 = arith.extui %sign3A_1039 : i1 to i32
      %sign3A_1041 = arith.subi %sign3A_1037, %sign3A_1040 : i32
      %ne3A_1042 = arith.cmpi ne, %sign3A_1034, %sign3A_1041 : i32
      %rem3A_1043 = arith.remsi %select_n3A_1025, %jit3A_1026 : i32
      %ne3A_1044 = arith.constant 0 : i32
      %ne3A_1045 = arith.cmpi ne, %rem3A_1043, %ne3A_1044 : i32
      %and3A_1046 = arith.andi %ne3A_1042, %ne3A_1045 : i1
      %sub3A_1047 = arith.constant 1 : i32
      %sub3A_1048 = arith.subi %div3A_1027, %sub3A_1047 : i32
      %select_n3A_1049 = arith.select %and3A_1046, %sub3A_1048, %div3A_1027 : i32
      %jit3A_1050 = arith.constant 16 : i32
      %eq3A_1051 = arith.constant 0 : i32
      %eq3A_1052 = arith.cmpi eq, %jit3A_1050, %eq3A_1051 : i32
      %jit3A_1053 = arith.constant 1 : i32
      %select_n3A_1054 = arith.select %eq3A_1052, %jit3A_1053, %jit3A_1050 : i32
      %rem3A_1055 = arith.remsi %select_n3A_1025, %select_n3A_1054 : i32
      %ne3A_1056 = arith.constant 0 : i32
      %ne3A_1057 = arith.cmpi ne, %rem3A_1055, %ne3A_1056 : i32
      %lt3A_1058 = arith.constant 0 : i32
      %lt3A_1059 = arith.cmpi slt, %rem3A_1055, %lt3A_1058 : i32
      %lt3A_1060 = arith.constant 0 : i32
      %lt3A_1061 = arith.cmpi slt, %select_n3A_1054, %lt3A_1060 : i32
      %ne3A_1062 = arith.xori %lt3A_1059, %lt3A_1061 : i1
      %and3A_1063 = arith.andi %ne3A_1062, %ne3A_1057 : i1
      %add3A_1064 = arith.addi %rem3A_1055, %select_n3A_1054 : i32
      %select_n3A_1065 = arith.select %and3A_1063, %add3A_1064, %rem3A_1055 : i32
      %mul3A_1066 = arith.constant 128 : i32
      %mul3A_1067 = arith.muli %select_n3A_1065, %mul3A_1066 : i32
      %add3A_1068 = arith.addi %mul3A_2, %add3A_1000 : i32
      %jit3A_1069 = arith.constant 2 : i32
      %eq3A_1070 = arith.constant 0 : i32
      %eq3A_1071 = arith.cmpi eq, %jit3A_1069, %eq3A_1070 : i32
      %jit3A_1072 = arith.constant 1 : i32
      %select_n3A_1073 = arith.select %eq3A_1071, %jit3A_1072, %jit3A_1069 : i32
      %rem3A_1074 = arith.remsi %add3A_1068, %select_n3A_1073 : i32
      %ne3A_1075 = arith.constant 0 : i32
      %ne3A_1076 = arith.cmpi ne, %rem3A_1074, %ne3A_1075 : i32
      %lt3A_1077 = arith.constant 0 : i32
      %lt3A_1078 = arith.cmpi slt, %rem3A_1074, %lt3A_1077 : i32
      %lt3A_1079 = arith.constant 0 : i32
      %lt3A_1080 = arith.cmpi slt, %select_n3A_1073, %lt3A_1079 : i32
      %ne3A_1081 = arith.xori %lt3A_1078, %lt3A_1080 : i1
      %and3A_1082 = arith.andi %ne3A_1081, %ne3A_1076 : i1
      %add3A_1083 = arith.addi %rem3A_1074, %select_n3A_1073 : i32
      %select_n3A_1084 = arith.select %and3A_1082, %add3A_1083, %rem3A_1074 : i32
      %mul3A_1085 = arith.constant 2048 : i32
      %mul3A_1086 = arith.muli %select_n3A_1084, %mul3A_1085 : i32
      %add3A_1087 = arith.addi %mul3A_1067, %mul3A_1086 : i32
      %mul3A_1088 = arith.constant 64 : i32
      %mul3A_1089 = arith.muli %select_n3A_1084, %mul3A_1088 : i32
      %dma_start3A_1090 = tpu.memref_slice %arg4[%select_n3A_1049, %mul3A_1067, %mul3A_1089] : memref<200x2048x128xf32, #tpu.memory_space<hbm>> -> memref<1x128x64xf32, #tpu.memory_space<hbm>>
      %dma_start3A_1091 = tpu.memref_squeeze %dma_start3A_1090 : memref<1x128x64xf32, #tpu.memory_space<hbm>> -> memref<128x64xf32, #tpu.memory_space<hbm>>
      %dma_start3A_1092 = tpu.memref_slice %arg4[%select_n3A_1049, %mul3A_1067, %mul3A_1089] : memref<200x2048x128xf32, #tpu.memory_space<hbm>> -> memref<1x128x64xf32, #tpu.memory_space<hbm>>
      %dma_start3A_1093 = tpu.memref_squeeze %dma_start3A_1092 : memref<1x128x64xf32, #tpu.memory_space<hbm>> -> memref<128x64xf32, #tpu.memory_space<hbm>>
      tpu.enqueue_dma source(%arg8 : memref<128x64xf32, #tpu.memory_space<vmem>>) target(%dma_start3A_1093 : memref<128x64xf32, #tpu.memory_space<hbm>>) target_semaphore(%arg16 : memref<!tpu.dma_semaphore, #tpu.memory_space<semaphore_mem>>)
      %dma_wait3A_1094 = arith.constant 0 : i32
      %dma_wait3A_1095 = tpu.memref_slice %arg5[%dma_wait3A_1094] : memref<32768xi32, #tpu.memory_space<vmem>> -> memref<128xi32, #tpu.memory_space<vmem>>
      %dma_wait3A_1096 = arith.constant 0 : i32
      %dma_wait3A_1097 = arith.constant 0 : i32
      %dma_wait3A_1098 = tpu.memref_slice %arg3[%dma_wait3A_1096, %dma_wait3A_1097] : memref<100000x64xf32, #tpu.memory_space<hbm>> -> memref<100000x64xf32, #tpu.memory_space<hbm>>
      tpu.wait_indirect_dma semaphore(%arg13 : memref<!tpu.dma_semaphore, #tpu.memory_space<semaphore_mem>>) src(%dma_wait3A_1098 : memref<100000x64xf32, #tpu.memory_space<hbm>>) dst(%arg9 : memref<128x64xf32, #tpu.memory_space<vmem>>)
      %add3A_1099 = arith.constant 3 : i32
      %add3A_1100 = arith.addi %mul3A_793, %add3A_1099 : i32
      %add3A_1101 = arith.addi %mul3A_2, %add3A_1100 : i32
      %jit3A_1102 = arith.constant 2 : i32
      %div3A_1103 = arith.divsi %add3A_1101, %jit3A_1102 : i32
      %sign3A_1104 = arith.constant 0 : i32
      %sign3A_1105 = arith.cmpi sgt, %add3A_1101, %sign3A_1104 : i32
      %sign3A_1106 = arith.extui %sign3A_1105 : i1 to i32
      %sign3A_1107 = arith.constant 0 : i32
      %sign3A_1108 = arith.cmpi slt, %add3A_1101, %sign3A_1107 : i32
      %sign3A_1109 = arith.extui %sign3A_1108 : i1 to i32
      %sign3A_1110 = arith.subi %sign3A_1106, %sign3A_1109 : i32
      %sign3A_1111 = arith.constant 0 : i32
      %sign3A_1112 = arith.cmpi sgt, %jit3A_1102, %sign3A_1111 : i32
      %sign3A_1113 = arith.extui %sign3A_1112 : i1 to i32
      %sign3A_1114 = arith.constant 0 : i32
      %sign3A_1115 = arith.cmpi slt, %jit3A_1102, %sign3A_1114 : i32
      %sign3A_1116 = arith.extui %sign3A_1115 : i1 to i32
      %sign3A_1117 = arith.subi %sign3A_1113, %sign3A_1116 : i32
      %ne3A_1118 = arith.cmpi ne, %sign3A_1110, %sign3A_1117 : i32
      %rem3A_1119 = arith.remsi %add3A_1101, %jit3A_1102 : i32
      %ne3A_1120 = arith.constant 0 : i32
      %ne3A_1121 = arith.cmpi ne, %rem3A_1119, %ne3A_1120 : i32
      %and3A_1122 = arith.andi %ne3A_1118, %ne3A_1121 : i1
      %sub3A_1123 = arith.constant 1 : i32
      %sub3A_1124 = arith.subi %div3A_1103, %sub3A_1123 : i32
      %select_n3A_1125 = arith.select %and3A_1122, %sub3A_1124, %div3A_1103 : i32
      %jit3A_1126 = arith.constant 16 : i32
      %div3A_1127 = arith.divsi %select_n3A_1125, %jit3A_1126 : i32
      %sign3A_1128 = arith.constant 0 : i32
      %sign3A_1129 = arith.cmpi sgt, %select_n3A_1125, %sign3A_1128 : i32
      %sign3A_1130 = arith.extui %sign3A_1129 : i1 to i32
      %sign3A_1131 = arith.constant 0 : i32
      %sign3A_1132 = arith.cmpi slt, %select_n3A_1125, %sign3A_1131 : i32
      %sign3A_1133 = arith.extui %sign3A_1132 : i1 to i32
      %sign3A_1134 = arith.subi %sign3A_1130, %sign3A_1133 : i32
      %sign3A_1135 = arith.constant 0 : i32
      %sign3A_1136 = arith.cmpi sgt, %jit3A_1126, %sign3A_1135 : i32
      %sign3A_1137 = arith.extui %sign3A_1136 : i1 to i32
      %sign3A_1138 = arith.constant 0 : i32
      %sign3A_1139 = arith.cmpi slt, %jit3A_1126, %sign3A_1138 : i32
      %sign3A_1140 = arith.extui %sign3A_1139 : i1 to i32
      %sign3A_1141 = arith.subi %sign3A_1137, %sign3A_1140 : i32
      %ne3A_1142 = arith.cmpi ne, %sign3A_1134, %sign3A_1141 : i32
      %rem3A_1143 = arith.remsi %select_n3A_1125, %jit3A_1126 : i32
      %ne3A_1144 = arith.constant 0 : i32
      %ne3A_1145 = arith.cmpi ne, %rem3A_1143, %ne3A_1144 : i32
      %and3A_1146 = arith.andi %ne3A_1142, %ne3A_1145 : i1
      %sub3A_1147 = arith.constant 1 : i32
      %sub3A_1148 = arith.subi %div3A_1127, %sub3A_1147 : i32
      %select_n3A_1149 = arith.select %and3A_1146, %sub3A_1148, %div3A_1127 : i32
      %jit3A_1150 = arith.constant 16 : i32
      %eq3A_1151 = arith.constant 0 : i32
      %eq3A_1152 = arith.cmpi eq, %jit3A_1150, %eq3A_1151 : i32
      %jit3A_1153 = arith.constant 1 : i32
      %select_n3A_1154 = arith.select %eq3A_1152, %jit3A_1153, %jit3A_1150 : i32
      %rem3A_1155 = arith.remsi %select_n3A_1125, %select_n3A_1154 : i32
      %ne3A_1156 = arith.constant 0 : i32
      %ne3A_1157 = arith.cmpi ne, %rem3A_1155, %ne3A_1156 : i32
      %lt3A_1158 = arith.constant 0 : i32
      %lt3A_1159 = arith.cmpi slt, %rem3A_1155, %lt3A_1158 : i32
      %lt3A_1160 = arith.constant 0 : i32
      %lt3A_1161 = arith.cmpi slt, %select_n3A_1154, %lt3A_1160 : i32
      %ne3A_1162 = arith.xori %lt3A_1159, %lt3A_1161 : i1
      %and3A_1163 = arith.andi %ne3A_1162, %ne3A_1157 : i1
      %add3A_1164 = arith.addi %rem3A_1155, %select_n3A_1154 : i32
      %select_n3A_1165 = arith.select %and3A_1163, %add3A_1164, %rem3A_1155 : i32
      %mul3A_1166 = arith.constant 128 : i32
      %mul3A_1167 = arith.muli %select_n3A_1165, %mul3A_1166 : i32
      %add3A_1168 = arith.addi %mul3A_2, %add3A_1100 : i32
      %jit3A_1169 = arith.constant 2 : i32
      %eq3A_1170 = arith.constant 0 : i32
      %eq3A_1171 = arith.cmpi eq, %jit3A_1169, %eq3A_1170 : i32
      %jit3A_1172 = arith.constant 1 : i32
      %select_n3A_1173 = arith.select %eq3A_1171, %jit3A_1172, %jit3A_1169 : i32
      %rem3A_1174 = arith.remsi %add3A_1168, %select_n3A_1173 : i32
      %ne3A_1175 = arith.constant 0 : i32
      %ne3A_1176 = arith.cmpi ne, %rem3A_1174, %ne3A_1175 : i32
      %lt3A_1177 = arith.constant 0 : i32
      %lt3A_1178 = arith.cmpi slt, %rem3A_1174, %lt3A_1177 : i32
      %lt3A_1179 = arith.constant 0 : i32
      %lt3A_1180 = arith.cmpi slt, %select_n3A_1173, %lt3A_1179 : i32
      %ne3A_1181 = arith.xori %lt3A_1178, %lt3A_1180 : i1
      %and3A_1182 = arith.andi %ne3A_1181, %ne3A_1176 : i1
      %add3A_1183 = arith.addi %rem3A_1174, %select_n3A_1173 : i32
      %select_n3A_1184 = arith.select %and3A_1182, %add3A_1183, %rem3A_1174 : i32
      %mul3A_1185 = arith.constant 2048 : i32
      %mul3A_1186 = arith.muli %select_n3A_1184, %mul3A_1185 : i32
      %add3A_1187 = arith.addi %mul3A_1167, %mul3A_1186 : i32
      %mul3A_1188 = arith.constant 64 : i32
      %mul3A_1189 = arith.muli %select_n3A_1184, %mul3A_1188 : i32
      %dma_start3A_1190 = tpu.memref_slice %arg4[%select_n3A_1149, %mul3A_1167, %mul3A_1189] : memref<200x2048x128xf32, #tpu.memory_space<hbm>> -> memref<1x128x64xf32, #tpu.memory_space<hbm>>
      %dma_start3A_1191 = tpu.memref_squeeze %dma_start3A_1190 : memref<1x128x64xf32, #tpu.memory_space<hbm>> -> memref<128x64xf32, #tpu.memory_space<hbm>>
      %dma_start3A_1192 = tpu.memref_slice %arg4[%select_n3A_1149, %mul3A_1167, %mul3A_1189] : memref<200x2048x128xf32, #tpu.memory_space<hbm>> -> memref<1x128x64xf32, #tpu.memory_space<hbm>>
      %dma_start3A_1193 = tpu.memref_squeeze %dma_start3A_1192 : memref<1x128x64xf32, #tpu.memory_space<hbm>> -> memref<128x64xf32, #tpu.memory_space<hbm>>
      tpu.enqueue_dma source(%arg9 : memref<128x64xf32, #tpu.memory_space<vmem>>) target(%dma_start3A_1193 : memref<128x64xf32, #tpu.memory_space<hbm>>) target_semaphore(%arg17 : memref<!tpu.dma_semaphore, #tpu.memory_space<semaphore_mem>>)
      %add3A_1194 = arith.constant 4 : i32
      %add3A_1195 = arith.addi %mul3A_793, %add3A_1194 : i32
      %add3A_1196 = arith.constant 0 : i32
      %add3A_1197 = arith.addi %add3A_1195, %add3A_1196 : i32
      %lt3A_1198 = arith.constant 200 : i32
      %lt3A_1199 = arith.cmpi slt, %add3A_1197, %lt3A_1198 : i32
      %convert_element_type3A = arith.extui %lt3A_1199 : i1 to i32
      %cond3A = arith.constant 0 : i32
      %cond3A_1200 = arith.cmpi ne, %convert_element_type3A, %cond3A : i32
      scf.if %cond3A_1200 {
        %add3A_1228 = arith.constant 0 : i32
        %add3A_1229 = arith.addi %mul3A_793, %add3A_1228 : i32
        %add3A_1230 = arith.addi %mul3A_2, %add3A_1229 : i32
        %jit3A_1231 = arith.constant 2 : i32
        %div3A_1232 = arith.divsi %add3A_1230, %jit3A_1231 : i32
        %sign3A_1233 = arith.constant 0 : i32
        %sign3A_1234 = arith.cmpi sgt, %add3A_1230, %sign3A_1233 : i32
        %sign3A_1235 = arith.extui %sign3A_1234 : i1 to i32
        %sign3A_1236 = arith.constant 0 : i32
        %sign3A_1237 = arith.cmpi slt, %add3A_1230, %sign3A_1236 : i32
        %sign3A_1238 = arith.extui %sign3A_1237 : i1 to i32
        %sign3A_1239 = arith.subi %sign3A_1235, %sign3A_1238 : i32
        %sign3A_1240 = arith.constant 0 : i32
        %sign3A_1241 = arith.cmpi sgt, %jit3A_1231, %sign3A_1240 : i32
        %sign3A_1242 = arith.extui %sign3A_1241 : i1 to i32
        %sign3A_1243 = arith.constant 0 : i32
        %sign3A_1244 = arith.cmpi slt, %jit3A_1231, %sign3A_1243 : i32
        %sign3A_1245 = arith.extui %sign3A_1244 : i1 to i32
        %sign3A_1246 = arith.subi %sign3A_1242, %sign3A_1245 : i32
        %ne3A_1247 = arith.cmpi ne, %sign3A_1239, %sign3A_1246 : i32
        %rem3A_1248 = arith.remsi %add3A_1230, %jit3A_1231 : i32
        %ne3A_1249 = arith.constant 0 : i32
        %ne3A_1250 = arith.cmpi ne, %rem3A_1248, %ne3A_1249 : i32
        %and3A_1251 = arith.andi %ne3A_1247, %ne3A_1250 : i1
        %sub3A_1252 = arith.constant 1 : i32
        %sub3A_1253 = arith.subi %div3A_1232, %sub3A_1252 : i32
        %select_n3A_1254 = arith.select %and3A_1251, %sub3A_1253, %div3A_1232 : i32
        %jit3A_1255 = arith.constant 16 : i32
        %div3A_1256 = arith.divsi %select_n3A_1254, %jit3A_1255 : i32
        %sign3A_1257 = arith.constant 0 : i32
        %sign3A_1258 = arith.cmpi sgt, %select_n3A_1254, %sign3A_1257 : i32
        %sign3A_1259 = arith.extui %sign3A_1258 : i1 to i32
        %sign3A_1260 = arith.constant 0 : i32
        %sign3A_1261 = arith.cmpi slt, %select_n3A_1254, %sign3A_1260 : i32
        %sign3A_1262 = arith.extui %sign3A_1261 : i1 to i32
        %sign3A_1263 = arith.subi %sign3A_1259, %sign3A_1262 : i32
        %sign3A_1264 = arith.constant 0 : i32
        %sign3A_1265 = arith.cmpi sgt, %jit3A_1255, %sign3A_1264 : i32
        %sign3A_1266 = arith.extui %sign3A_1265 : i1 to i32
        %sign3A_1267 = arith.constant 0 : i32
        %sign3A_1268 = arith.cmpi slt, %jit3A_1255, %sign3A_1267 : i32
        %sign3A_1269 = arith.extui %sign3A_1268 : i1 to i32
        %sign3A_1270 = arith.subi %sign3A_1266, %sign3A_1269 : i32
        %ne3A_1271 = arith.cmpi ne, %sign3A_1263, %sign3A_1270 : i32
        %rem3A_1272 = arith.remsi %select_n3A_1254, %jit3A_1255 : i32
        %ne3A_1273 = arith.constant 0 : i32
        %ne3A_1274 = arith.cmpi ne, %rem3A_1272, %ne3A_1273 : i32
        %and3A_1275 = arith.andi %ne3A_1271, %ne3A_1274 : i1
        %sub3A_1276 = arith.constant 1 : i32
        %sub3A_1277 = arith.subi %div3A_1256, %sub3A_1276 : i32
        %select_n3A_1278 = arith.select %and3A_1275, %sub3A_1277, %div3A_1256 : i32
        %jit3A_1279 = arith.constant 16 : i32
        %eq3A_1280 = arith.constant 0 : i32
        %eq3A_1281 = arith.cmpi eq, %jit3A_1279, %eq3A_1280 : i32
        %jit3A_1282 = arith.constant 1 : i32
        %select_n3A_1283 = arith.select %eq3A_1281, %jit3A_1282, %jit3A_1279 : i32
        %rem3A_1284 = arith.remsi %select_n3A_1254, %select_n3A_1283 : i32
        %ne3A_1285 = arith.constant 0 : i32
        %ne3A_1286 = arith.cmpi ne, %rem3A_1284, %ne3A_1285 : i32
        %lt3A_1287 = arith.constant 0 : i32
        %lt3A_1288 = arith.cmpi slt, %rem3A_1284, %lt3A_1287 : i32
        %lt3A_1289 = arith.constant 0 : i32
        %lt3A_1290 = arith.cmpi slt, %select_n3A_1283, %lt3A_1289 : i32
        %ne3A_1291 = arith.xori %lt3A_1288, %lt3A_1290 : i1
        %and3A_1292 = arith.andi %ne3A_1291, %ne3A_1286 : i1
        %add3A_1293 = arith.addi %rem3A_1284, %select_n3A_1283 : i32
        %select_n3A_1294 = arith.select %and3A_1292, %add3A_1293, %rem3A_1284 : i32
        %mul3A_1295 = arith.constant 128 : i32
        %mul3A_1296 = arith.muli %select_n3A_1294, %mul3A_1295 : i32
        %add3A_1297 = arith.addi %mul3A_2, %add3A_1229 : i32
        %jit3A_1298 = arith.constant 2 : i32
        %eq3A_1299 = arith.constant 0 : i32
        %eq3A_1300 = arith.cmpi eq, %jit3A_1298, %eq3A_1299 : i32
        %jit3A_1301 = arith.constant 1 : i32
        %select_n3A_1302 = arith.select %eq3A_1300, %jit3A_1301, %jit3A_1298 : i32
        %rem3A_1303 = arith.remsi %add3A_1297, %select_n3A_1302 : i32
        %ne3A_1304 = arith.constant 0 : i32
        %ne3A_1305 = arith.cmpi ne, %rem3A_1303, %ne3A_1304 : i32
        %lt3A_1306 = arith.constant 0 : i32
        %lt3A_1307 = arith.cmpi slt, %rem3A_1303, %lt3A_1306 : i32
        %lt3A_1308 = arith.constant 0 : i32
        %lt3A_1309 = arith.cmpi slt, %select_n3A_1302, %lt3A_1308 : i32
        %ne3A_1310 = arith.xori %lt3A_1307, %lt3A_1309 : i1
        %and3A_1311 = arith.andi %ne3A_1310, %ne3A_1305 : i1
        %add3A_1312 = arith.addi %rem3A_1303, %select_n3A_1302 : i32
        %select_n3A_1313 = arith.select %and3A_1311, %add3A_1312, %rem3A_1303 : i32
        %mul3A_1314 = arith.constant 2048 : i32
        %mul3A_1315 = arith.muli %select_n3A_1313, %mul3A_1314 : i32
        %add3A_1316 = arith.addi %mul3A_1296, %mul3A_1315 : i32
        %mul3A_1317 = arith.constant 64 : i32
        %mul3A_1318 = arith.muli %select_n3A_1313, %mul3A_1317 : i32
        %dma_wait3A_1319 = tpu.memref_slice %arg4[%select_n3A_1278, %mul3A_1296, %mul3A_1318] : memref<200x2048x128xf32, #tpu.memory_space<hbm>> -> memref<1x128x64xf32, #tpu.memory_space<hbm>>
        %dma_wait3A_1320 = tpu.memref_squeeze %dma_wait3A_1319 : memref<1x128x64xf32, #tpu.memory_space<hbm>> -> memref<128x64xf32, #tpu.memory_space<hbm>>
        %dma_wait3A_1321 = tpu.memref_slice %arg4[%select_n3A_1278, %mul3A_1296, %mul3A_1318] : memref<200x2048x128xf32, #tpu.memory_space<hbm>> -> memref<1x128x64xf32, #tpu.memory_space<hbm>>
        %dma_wait3A_1322 = tpu.memref_squeeze %dma_wait3A_1321 : memref<1x128x64xf32, #tpu.memory_space<hbm>> -> memref<128x64xf32, #tpu.memory_space<hbm>>
        tpu.wait_dma2 semaphore(%arg14 : memref<!tpu.dma_semaphore, #tpu.memory_space<semaphore_mem>>) src(%arg6 : memref<128x64xf32, #tpu.memory_space<vmem>>) dst(%dma_wait3A_1322 : memref<128x64xf32, #tpu.memory_space<hbm>>)
        %add3A_1323 = arith.constant 4 : i32
        %add3A_1324 = arith.addi %mul3A_793, %add3A_1323 : i32
        %add3A_1325 = arith.constant 0 : i32
        %add3A_1326 = arith.addi %add3A_1324, %add3A_1325 : i32
        %add3A_1327 = arith.addi %mul3A_2, %add3A_1326 : i32
        %jit3A_1328 = arith.constant 2 : i32
        %div3A_1329 = arith.divsi %add3A_1327, %jit3A_1328 : i32
        %sign3A_1330 = arith.constant 0 : i32
        %sign3A_1331 = arith.cmpi sgt, %add3A_1327, %sign3A_1330 : i32
        %sign3A_1332 = arith.extui %sign3A_1331 : i1 to i32
        %sign3A_1333 = arith.constant 0 : i32
        %sign3A_1334 = arith.cmpi slt, %add3A_1327, %sign3A_1333 : i32
        %sign3A_1335 = arith.extui %sign3A_1334 : i1 to i32
        %sign3A_1336 = arith.subi %sign3A_1332, %sign3A_1335 : i32
        %sign3A_1337 = arith.constant 0 : i32
        %sign3A_1338 = arith.cmpi sgt, %jit3A_1328, %sign3A_1337 : i32
        %sign3A_1339 = arith.extui %sign3A_1338 : i1 to i32
        %sign3A_1340 = arith.constant 0 : i32
        %sign3A_1341 = arith.cmpi slt, %jit3A_1328, %sign3A_1340 : i32
        %sign3A_1342 = arith.extui %sign3A_1341 : i1 to i32
        %sign3A_1343 = arith.subi %sign3A_1339, %sign3A_1342 : i32
        %ne3A_1344 = arith.cmpi ne, %sign3A_1336, %sign3A_1343 : i32
        %rem3A_1345 = arith.remsi %add3A_1327, %jit3A_1328 : i32
        %ne3A_1346 = arith.constant 0 : i32
        %ne3A_1347 = arith.cmpi ne, %rem3A_1345, %ne3A_1346 : i32
        %and3A_1348 = arith.andi %ne3A_1344, %ne3A_1347 : i1
        %sub3A_1349 = arith.constant 1 : i32
        %sub3A_1350 = arith.subi %div3A_1329, %sub3A_1349 : i32
        %select_n3A_1351 = arith.select %and3A_1348, %sub3A_1350, %div3A_1329 : i32
        %jit3A_1352 = arith.constant 16 : i32
        %div3A_1353 = arith.divsi %select_n3A_1351, %jit3A_1352 : i32
        %sign3A_1354 = arith.constant 0 : i32
        %sign3A_1355 = arith.cmpi sgt, %select_n3A_1351, %sign3A_1354 : i32
        %sign3A_1356 = arith.extui %sign3A_1355 : i1 to i32
        %sign3A_1357 = arith.constant 0 : i32
        %sign3A_1358 = arith.cmpi slt, %select_n3A_1351, %sign3A_1357 : i32
        %sign3A_1359 = arith.extui %sign3A_1358 : i1 to i32
        %sign3A_1360 = arith.subi %sign3A_1356, %sign3A_1359 : i32
        %sign3A_1361 = arith.constant 0 : i32
        %sign3A_1362 = arith.cmpi sgt, %jit3A_1352, %sign3A_1361 : i32
        %sign3A_1363 = arith.extui %sign3A_1362 : i1 to i32
        %sign3A_1364 = arith.constant 0 : i32
        %sign3A_1365 = arith.cmpi slt, %jit3A_1352, %sign3A_1364 : i32
        %sign3A_1366 = arith.extui %sign3A_1365 : i1 to i32
        %sign3A_1367 = arith.subi %sign3A_1363, %sign3A_1366 : i32
        %ne3A_1368 = arith.cmpi ne, %sign3A_1360, %sign3A_1367 : i32
        %rem3A_1369 = arith.remsi %select_n3A_1351, %jit3A_1352 : i32
        %ne3A_1370 = arith.constant 0 : i32
        %ne3A_1371 = arith.cmpi ne, %rem3A_1369, %ne3A_1370 : i32
        %and3A_1372 = arith.andi %ne3A_1368, %ne3A_1371 : i1
        %sub3A_1373 = arith.constant 1 : i32
        %sub3A_1374 = arith.subi %div3A_1353, %sub3A_1373 : i32
        %select_n3A_1375 = arith.select %and3A_1372, %sub3A_1374, %div3A_1353 : i32
        %jit3A_1376 = arith.constant 16 : i32
        %eq3A_1377 = arith.constant 0 : i32
        %eq3A_1378 = arith.cmpi eq, %jit3A_1376, %eq3A_1377 : i32
        %jit3A_1379 = arith.constant 1 : i32
        %select_n3A_1380 = arith.select %eq3A_1378, %jit3A_1379, %jit3A_1376 : i32
        %rem3A_1381 = arith.remsi %select_n3A_1351, %select_n3A_1380 : i32
        %ne3A_1382 = arith.constant 0 : i32
        %ne3A_1383 = arith.cmpi ne, %rem3A_1381, %ne3A_1382 : i32
        %lt3A_1384 = arith.constant 0 : i32
        %lt3A_1385 = arith.cmpi slt, %rem3A_1381, %lt3A_1384 : i32
        %lt3A_1386 = arith.constant 0 : i32
        %lt3A_1387 = arith.cmpi slt, %select_n3A_1380, %lt3A_1386 : i32
        %ne3A_1388 = arith.xori %lt3A_1385, %lt3A_1387 : i1
        %and3A_1389 = arith.andi %ne3A_1388, %ne3A_1383 : i1
        %add3A_1390 = arith.addi %rem3A_1381, %select_n3A_1380 : i32
        %select_n3A_1391 = arith.select %and3A_1389, %add3A_1390, %rem3A_1381 : i32
        %mul3A_1392 = arith.constant 128 : i32
        %mul3A_1393 = arith.muli %select_n3A_1391, %mul3A_1392 : i32
        %add3A_1394 = arith.addi %mul3A_2, %add3A_1326 : i32
        %jit3A_1395 = arith.constant 2 : i32
        %eq3A_1396 = arith.constant 0 : i32
        %eq3A_1397 = arith.cmpi eq, %jit3A_1395, %eq3A_1396 : i32
        %jit3A_1398 = arith.constant 1 : i32
        %select_n3A_1399 = arith.select %eq3A_1397, %jit3A_1398, %jit3A_1395 : i32
        %rem3A_1400 = arith.remsi %add3A_1394, %select_n3A_1399 : i32
        %ne3A_1401 = arith.constant 0 : i32
        %ne3A_1402 = arith.cmpi ne, %rem3A_1400, %ne3A_1401 : i32
        %lt3A_1403 = arith.constant 0 : i32
        %lt3A_1404 = arith.cmpi slt, %rem3A_1400, %lt3A_1403 : i32
        %lt3A_1405 = arith.constant 0 : i32
        %lt3A_1406 = arith.cmpi slt, %select_n3A_1399, %lt3A_1405 : i32
        %ne3A_1407 = arith.xori %lt3A_1404, %lt3A_1406 : i1
        %and3A_1408 = arith.andi %ne3A_1407, %ne3A_1402 : i1
        %add3A_1409 = arith.addi %rem3A_1400, %select_n3A_1399 : i32
        %select_n3A_1410 = arith.select %and3A_1408, %add3A_1409, %rem3A_1400 : i32
        %mul3A_1411 = arith.constant 2048 : i32
        %mul3A_1412 = arith.muli %select_n3A_1410, %mul3A_1411 : i32
        %add3A_1413 = arith.addi %mul3A_1393, %mul3A_1412 : i32
        %sub3A_1414 = arith.subi %select_n3A_1375, %min3A_19 : i32
        %mul3A_1415 = arith.constant 4096 : i32
        %mul3A_1416 = arith.muli %sub3A_1414, %mul3A_1415 : i32
        %add3A_1417 = arith.addi %mul3A_1416, %add3A_1413 : i32
        %dma_start3A_1418 = tpu.memref_slice %arg5[%add3A_1417] : memref<32768xi32, #tpu.memory_space<vmem>> -> memref<128xi32, #tpu.memory_space<vmem>>
        %dma_start3A_1419 = arith.constant 0 : i32
        %dma_start3A_1420 = arith.constant 0 : i32
        %dma_start3A_1421 = tpu.memref_slice %arg3[%dma_start3A_1419, %dma_start3A_1420] : memref<100000x64xf32, #tpu.memory_space<hbm>> -> memref<100000x64xf32, #tpu.memory_space<hbm>>
        tpu.enqueue_indirect_dma source(%dma_start3A_1421 : memref<100000x64xf32, #tpu.memory_space<hbm>>) target(%arg6 : memref<128x64xf32, #tpu.memory_space<vmem>>) offsets(%dma_start3A_1418 : memref<128xi32, #tpu.memory_space<vmem>>) semaphore(%arg10 : memref<!tpu.dma_semaphore, #tpu.memory_space<semaphore_mem>>)
      } else {
      }
      %add3A_1201 = arith.constant 4 : i32
      %add3A_1202 = arith.addi %mul3A_793, %add3A_1201 : i32
      %add3A_1203 = arith.constant 1 : i32
      %add3A_1204 = arith.addi %add3A_1202, %add3A_1203 : i32
      %lt3A_1205 = arith.constant 200 : i32
      %lt3A_1206 = arith.cmpi slt, %add3A_1204, %lt3A_1205 : i32
      %convert_element_type3A_1207 = arith.extui %lt3A_1206 : i1 to i32
      %cond3A_1208 = arith.constant 0 : i32
      %cond3A_1209 = arith.cmpi ne, %convert_element_type3A_1207, %cond3A_1208 : i32
      scf.if %cond3A_1209 {
        %add3A_1228 = arith.constant 1 : i32
        %add3A_1229 = arith.addi %mul3A_793, %add3A_1228 : i32
        %add3A_1230 = arith.addi %mul3A_2, %add3A_1229 : i32
        %jit3A_1231 = arith.constant 2 : i32
        %div3A_1232 = arith.divsi %add3A_1230, %jit3A_1231 : i32
        %sign3A_1233 = arith.constant 0 : i32
        %sign3A_1234 = arith.cmpi sgt, %add3A_1230, %sign3A_1233 : i32
        %sign3A_1235 = arith.extui %sign3A_1234 : i1 to i32
        %sign3A_1236 = arith.constant 0 : i32
        %sign3A_1237 = arith.cmpi slt, %add3A_1230, %sign3A_1236 : i32
        %sign3A_1238 = arith.extui %sign3A_1237 : i1 to i32
        %sign3A_1239 = arith.subi %sign3A_1235, %sign3A_1238 : i32
        %sign3A_1240 = arith.constant 0 : i32
        %sign3A_1241 = arith.cmpi sgt, %jit3A_1231, %sign3A_1240 : i32
        %sign3A_1242 = arith.extui %sign3A_1241 : i1 to i32
        %sign3A_1243 = arith.constant 0 : i32
        %sign3A_1244 = arith.cmpi slt, %jit3A_1231, %sign3A_1243 : i32
        %sign3A_1245 = arith.extui %sign3A_1244 : i1 to i32
        %sign3A_1246 = arith.subi %sign3A_1242, %sign3A_1245 : i32
        %ne3A_1247 = arith.cmpi ne, %sign3A_1239, %sign3A_1246 : i32
        %rem3A_1248 = arith.remsi %add3A_1230, %jit3A_1231 : i32
        %ne3A_1249 = arith.constant 0 : i32
        %ne3A_1250 = arith.cmpi ne, %rem3A_1248, %ne3A_1249 : i32
        %and3A_1251 = arith.andi %ne3A_1247, %ne3A_1250 : i1
        %sub3A_1252 = arith.constant 1 : i32
        %sub3A_1253 = arith.subi %div3A_1232, %sub3A_1252 : i32
        %select_n3A_1254 = arith.select %and3A_1251, %sub3A_1253, %div3A_1232 : i32
        %jit3A_1255 = arith.constant 16 : i32
        %div3A_1256 = arith.divsi %select_n3A_1254, %jit3A_1255 : i32
        %sign3A_1257 = arith.constant 0 : i32
        %sign3A_1258 = arith.cmpi sgt, %select_n3A_1254, %sign3A_1257 : i32
        %sign3A_1259 = arith.extui %sign3A_1258 : i1 to i32
        %sign3A_1260 = arith.constant 0 : i32
        %sign3A_1261 = arith.cmpi slt, %select_n3A_1254, %sign3A_1260 : i32
        %sign3A_1262 = arith.extui %sign3A_1261 : i1 to i32
        %sign3A_1263 = arith.subi %sign3A_1259, %sign3A_1262 : i32
        %sign3A_1264 = arith.constant 0 : i32
        %sign3A_1265 = arith.cmpi sgt, %jit3A_1255, %sign3A_1264 : i32
        %sign3A_1266 = arith.extui %sign3A_1265 : i1 to i32
        %sign3A_1267 = arith.constant 0 : i32
        %sign3A_1268 = arith.cmpi slt, %jit3A_1255, %sign3A_1267 : i32
        %sign3A_1269 = arith.extui %sign3A_1268 : i1 to i32
        %sign3A_1270 = arith.subi %sign3A_1266, %sign3A_1269 : i32
        %ne3A_1271 = arith.cmpi ne, %sign3A_1263, %sign3A_1270 : i32
        %rem3A_1272 = arith.remsi %select_n3A_1254, %jit3A_1255 : i32
        %ne3A_1273 = arith.constant 0 : i32
        %ne3A_1274 = arith.cmpi ne, %rem3A_1272, %ne3A_1273 : i32
        %and3A_1275 = arith.andi %ne3A_1271, %ne3A_1274 : i1
        %sub3A_1276 = arith.constant 1 : i32
        %sub3A_1277 = arith.subi %div3A_1256, %sub3A_1276 : i32
        %select_n3A_1278 = arith.select %and3A_1275, %sub3A_1277, %div3A_1256 : i32
        %jit3A_1279 = arith.constant 16 : i32
        %eq3A_1280 = arith.constant 0 : i32
        %eq3A_1281 = arith.cmpi eq, %jit3A_1279, %eq3A_1280 : i32
        %jit3A_1282 = arith.constant 1 : i32
        %select_n3A_1283 = arith.select %eq3A_1281, %jit3A_1282, %jit3A_1279 : i32
        %rem3A_1284 = arith.remsi %select_n3A_1254, %select_n3A_1283 : i32
        %ne3A_1285 = arith.constant 0 : i32
        %ne3A_1286 = arith.cmpi ne, %rem3A_1284, %ne3A_1285 : i32
        %lt3A_1287 = arith.constant 0 : i32
        %lt3A_1288 = arith.cmpi slt, %rem3A_1284, %lt3A_1287 : i32
        %lt3A_1289 = arith.constant 0 : i32
        %lt3A_1290 = arith.cmpi slt, %select_n3A_1283, %lt3A_1289 : i32
        %ne3A_1291 = arith.xori %lt3A_1288, %lt3A_1290 : i1
        %and3A_1292 = arith.andi %ne3A_1291, %ne3A_1286 : i1
        %add3A_1293 = arith.addi %rem3A_1284, %select_n3A_1283 : i32
        %select_n3A_1294 = arith.select %and3A_1292, %add3A_1293, %rem3A_1284 : i32
        %mul3A_1295 = arith.constant 128 : i32
        %mul3A_1296 = arith.muli %select_n3A_1294, %mul3A_1295 : i32
        %add3A_1297 = arith.addi %mul3A_2, %add3A_1229 : i32
        %jit3A_1298 = arith.constant 2 : i32
        %eq3A_1299 = arith.constant 0 : i32
        %eq3A_1300 = arith.cmpi eq, %jit3A_1298, %eq3A_1299 : i32
        %jit3A_1301 = arith.constant 1 : i32
        %select_n3A_1302 = arith.select %eq3A_1300, %jit3A_1301, %jit3A_1298 : i32
        %rem3A_1303 = arith.remsi %add3A_1297, %select_n3A_1302 : i32
        %ne3A_1304 = arith.constant 0 : i32
        %ne3A_1305 = arith.cmpi ne, %rem3A_1303, %ne3A_1304 : i32
        %lt3A_1306 = arith.constant 0 : i32
        %lt3A_1307 = arith.cmpi slt, %rem3A_1303, %lt3A_1306 : i32
        %lt3A_1308 = arith.constant 0 : i32
        %lt3A_1309 = arith.cmpi slt, %select_n3A_1302, %lt3A_1308 : i32
        %ne3A_1310 = arith.xori %lt3A_1307, %lt3A_1309 : i1
        %and3A_1311 = arith.andi %ne3A_1310, %ne3A_1305 : i1
        %add3A_1312 = arith.addi %rem3A_1303, %select_n3A_1302 : i32
        %select_n3A_1313 = arith.select %and3A_1311, %add3A_1312, %rem3A_1303 : i32
        %mul3A_1314 = arith.constant 2048 : i32
        %mul3A_1315 = arith.muli %select_n3A_1313, %mul3A_1314 : i32
        %add3A_1316 = arith.addi %mul3A_1296, %mul3A_1315 : i32
        %mul3A_1317 = arith.constant 64 : i32
        %mul3A_1318 = arith.muli %select_n3A_1313, %mul3A_1317 : i32
        %dma_wait3A_1319 = tpu.memref_slice %arg4[%select_n3A_1278, %mul3A_1296, %mul3A_1318] : memref<200x2048x128xf32, #tpu.memory_space<hbm>> -> memref<1x128x64xf32, #tpu.memory_space<hbm>>
        %dma_wait3A_1320 = tpu.memref_squeeze %dma_wait3A_1319 : memref<1x128x64xf32, #tpu.memory_space<hbm>> -> memref<128x64xf32, #tpu.memory_space<hbm>>
        %dma_wait3A_1321 = tpu.memref_slice %arg4[%select_n3A_1278, %mul3A_1296, %mul3A_1318] : memref<200x2048x128xf32, #tpu.memory_space<hbm>> -> memref<1x128x64xf32, #tpu.memory_space<hbm>>
        %dma_wait3A_1322 = tpu.memref_squeeze %dma_wait3A_1321 : memref<1x128x64xf32, #tpu.memory_space<hbm>> -> memref<128x64xf32, #tpu.memory_space<hbm>>
        tpu.wait_dma2 semaphore(%arg15 : memref<!tpu.dma_semaphore, #tpu.memory_space<semaphore_mem>>) src(%arg7 : memref<128x64xf32, #tpu.memory_space<vmem>>) dst(%dma_wait3A_1322 : memref<128x64xf32, #tpu.memory_space<hbm>>)
        %add3A_1323 = arith.constant 4 : i32
        %add3A_1324 = arith.addi %mul3A_793, %add3A_1323 : i32
        %add3A_1325 = arith.constant 1 : i32
        %add3A_1326 = arith.addi %add3A_1324, %add3A_1325 : i32
        %add3A_1327 = arith.addi %mul3A_2, %add3A_1326 : i32
        %jit3A_1328 = arith.constant 2 : i32
        %div3A_1329 = arith.divsi %add3A_1327, %jit3A_1328 : i32
        %sign3A_1330 = arith.constant 0 : i32
        %sign3A_1331 = arith.cmpi sgt, %add3A_1327, %sign3A_1330 : i32
        %sign3A_1332 = arith.extui %sign3A_1331 : i1 to i32
        %sign3A_1333 = arith.constant 0 : i32
        %sign3A_1334 = arith.cmpi slt, %add3A_1327, %sign3A_1333 : i32
        %sign3A_1335 = arith.extui %sign3A_1334 : i1 to i32
        %sign3A_1336 = arith.subi %sign3A_1332, %sign3A_1335 : i32
        %sign3A_1337 = arith.constant 0 : i32
        %sign3A_1338 = arith.cmpi sgt, %jit3A_1328, %sign3A_1337 : i32
        %sign3A_1339 = arith.extui %sign3A_1338 : i1 to i32
        %sign3A_1340 = arith.constant 0 : i32
        %sign3A_1341 = arith.cmpi slt, %jit3A_1328, %sign3A_1340 : i32
        %sign3A_1342 = arith.extui %sign3A_1341 : i1 to i32
        %sign3A_1343 = arith.subi %sign3A_1339, %sign3A_1342 : i32
        %ne3A_1344 = arith.cmpi ne, %sign3A_1336, %sign3A_1343 : i32
        %rem3A_1345 = arith.remsi %add3A_1327, %jit3A_1328 : i32
        %ne3A_1346 = arith.constant 0 : i32
        %ne3A_1347 = arith.cmpi ne, %rem3A_1345, %ne3A_1346 : i32
        %and3A_1348 = arith.andi %ne3A_1344, %ne3A_1347 : i1
        %sub3A_1349 = arith.constant 1 : i32
        %sub3A_1350 = arith.subi %div3A_1329, %sub3A_1349 : i32
        %select_n3A_1351 = arith.select %and3A_1348, %sub3A_1350, %div3A_1329 : i32
        %jit3A_1352 = arith.constant 16 : i32
        %div3A_1353 = arith.divsi %select_n3A_1351, %jit3A_1352 : i32
        %sign3A_1354 = arith.constant 0 : i32
        %sign3A_1355 = arith.cmpi sgt, %select_n3A_1351, %sign3A_1354 : i32
        %sign3A_1356 = arith.extui %sign3A_1355 : i1 to i32
        %sign3A_1357 = arith.constant 0 : i32
        %sign3A_1358 = arith.cmpi slt, %select_n3A_1351, %sign3A_1357 : i32
        %sign3A_1359 = arith.extui %sign3A_1358 : i1 to i32
        %sign3A_1360 = arith.subi %sign3A_1356, %sign3A_1359 : i32
        %sign3A_1361 = arith.constant 0 : i32
        %sign3A_1362 = arith.cmpi sgt, %jit3A_1352, %sign3A_1361 : i32
        %sign3A_1363 = arith.extui %sign3A_1362 : i1 to i32
        %sign3A_1364 = arith.constant 0 : i32
        %sign3A_1365 = arith.cmpi slt, %jit3A_1352, %sign3A_1364 : i32
        %sign3A_1366 = arith.extui %sign3A_1365 : i1 to i32
        %sign3A_1367 = arith.subi %sign3A_1363, %sign3A_1366 : i32
        %ne3A_1368 = arith.cmpi ne, %sign3A_1360, %sign3A_1367 : i32
        %rem3A_1369 = arith.remsi %select_n3A_1351, %jit3A_1352 : i32
        %ne3A_1370 = arith.constant 0 : i32
        %ne3A_1371 = arith.cmpi ne, %rem3A_1369, %ne3A_1370 : i32
        %and3A_1372 = arith.andi %ne3A_1368, %ne3A_1371 : i1
        %sub3A_1373 = arith.constant 1 : i32
        %sub3A_1374 = arith.subi %div3A_1353, %sub3A_1373 : i32
        %select_n3A_1375 = arith.select %and3A_1372, %sub3A_1374, %div3A_1353 : i32
        %jit3A_1376 = arith.constant 16 : i32
        %eq3A_1377 = arith.constant 0 : i32
        %eq3A_1378 = arith.cmpi eq, %jit3A_1376, %eq3A_1377 : i32
        %jit3A_1379 = arith.constant 1 : i32
        %select_n3A_1380 = arith.select %eq3A_1378, %jit3A_1379, %jit3A_1376 : i32
        %rem3A_1381 = arith.remsi %select_n3A_1351, %select_n3A_1380 : i32
        %ne3A_1382 = arith.constant 0 : i32
        %ne3A_1383 = arith.cmpi ne, %rem3A_1381, %ne3A_1382 : i32
        %lt3A_1384 = arith.constant 0 : i32
        %lt3A_1385 = arith.cmpi slt, %rem3A_1381, %lt3A_1384 : i32
        %lt3A_1386 = arith.constant 0 : i32
        %lt3A_1387 = arith.cmpi slt, %select_n3A_1380, %lt3A_1386 : i32
        %ne3A_1388 = arith.xori %lt3A_1385, %lt3A_1387 : i1
        %and3A_1389 = arith.andi %ne3A_1388, %ne3A_1383 : i1
        %add3A_1390 = arith.addi %rem3A_1381, %select_n3A_1380 : i32
        %select_n3A_1391 = arith.select %and3A_1389, %add3A_1390, %rem3A_1381 : i32
        %mul3A_1392 = arith.constant 128 : i32
        %mul3A_1393 = arith.muli %select_n3A_1391, %mul3A_1392 : i32
        %add3A_1394 = arith.addi %mul3A_2, %add3A_1326 : i32
        %jit3A_1395 = arith.constant 2 : i32
        %eq3A_1396 = arith.constant 0 : i32
        %eq3A_1397 = arith.cmpi eq, %jit3A_1395, %eq3A_1396 : i32
        %jit3A_1398 = arith.constant 1 : i32
        %select_n3A_1399 = arith.select %eq3A_1397, %jit3A_1398, %jit3A_1395 : i32
        %rem3A_1400 = arith.remsi %add3A_1394, %select_n3A_1399 : i32
        %ne3A_1401 = arith.constant 0 : i32
        %ne3A_1402 = arith.cmpi ne, %rem3A_1400, %ne3A_1401 : i32
        %lt3A_1403 = arith.constant 0 : i32
        %lt3A_1404 = arith.cmpi slt, %rem3A_1400, %lt3A_1403 : i32
        %lt3A_1405 = arith.constant 0 : i32
        %lt3A_1406 = arith.cmpi slt, %select_n3A_1399, %lt3A_1405 : i32
        %ne3A_1407 = arith.xori %lt3A_1404, %lt3A_1406 : i1
        %and3A_1408 = arith.andi %ne3A_1407, %ne3A_1402 : i1
        %add3A_1409 = arith.addi %rem3A_1400, %select_n3A_1399 : i32
        %select_n3A_1410 = arith.select %and3A_1408, %add3A_1409, %rem3A_1400 : i32
        %mul3A_1411 = arith.constant 2048 : i32
        %mul3A_1412 = arith.muli %select_n3A_1410, %mul3A_1411 : i32
        %add3A_1413 = arith.addi %mul3A_1393, %mul3A_1412 : i32
        %sub3A_1414 = arith.subi %select_n3A_1375, %min3A_19 : i32
        %mul3A_1415 = arith.constant 4096 : i32
        %mul3A_1416 = arith.muli %sub3A_1414, %mul3A_1415 : i32
        %add3A_1417 = arith.addi %mul3A_1416, %add3A_1413 : i32
        %dma_start3A_1418 = tpu.memref_slice %arg5[%add3A_1417] : memref<32768xi32, #tpu.memory_space<vmem>> -> memref<128xi32, #tpu.memory_space<vmem>>
        %dma_start3A_1419 = arith.constant 0 : i32
        %dma_start3A_1420 = arith.constant 0 : i32
        %dma_start3A_1421 = tpu.memref_slice %arg3[%dma_start3A_1419, %dma_start3A_1420] : memref<100000x64xf32, #tpu.memory_space<hbm>> -> memref<100000x64xf32, #tpu.memory_space<hbm>>
        tpu.enqueue_indirect_dma source(%dma_start3A_1421 : memref<100000x64xf32, #tpu.memory_space<hbm>>) target(%arg7 : memref<128x64xf32, #tpu.memory_space<vmem>>) offsets(%dma_start3A_1418 : memref<128xi32, #tpu.memory_space<vmem>>) semaphore(%arg11 : memref<!tpu.dma_semaphore, #tpu.memory_space<semaphore_mem>>)
      } else {
      }
      %add3A_1210 = arith.constant 4 : i32
      %add3A_1211 = arith.addi %mul3A_793, %add3A_1210 : i32
      %add3A_1212 = arith.constant 2 : i32
      %add3A_1213 = arith.addi %add3A_1211, %add3A_1212 : i32
      %lt3A_1214 = arith.constant 200 : i32
      %lt3A_1215 = arith.cmpi slt, %add3A_1213, %lt3A_1214 : i32
      %convert_element_type3A_1216 = arith.extui %lt3A_1215 : i1 to i32
      %cond3A_1217 = arith.constant 0 : i32
      %cond3A_1218 = arith.cmpi ne, %convert_element_type3A_1216, %cond3A_1217 : i32
      scf.if %cond3A_1218 {
        %add3A_1228 = arith.constant 2 : i32
        %add3A_1229 = arith.addi %mul3A_793, %add3A_1228 : i32
        %add3A_1230 = arith.addi %mul3A_2, %add3A_1229 : i32
        %jit3A_1231 = arith.constant 2 : i32
        %div3A_1232 = arith.divsi %add3A_1230, %jit3A_1231 : i32
        %sign3A_1233 = arith.constant 0 : i32
        %sign3A_1234 = arith.cmpi sgt, %add3A_1230, %sign3A_1233 : i32
        %sign3A_1235 = arith.extui %sign3A_1234 : i1 to i32
        %sign3A_1236 = arith.constant 0 : i32
        %sign3A_1237 = arith.cmpi slt, %add3A_1230, %sign3A_1236 : i32
        %sign3A_1238 = arith.extui %sign3A_1237 : i1 to i32
        %sign3A_1239 = arith.subi %sign3A_1235, %sign3A_1238 : i32
        %sign3A_1240 = arith.constant 0 : i32
        %sign3A_1241 = arith.cmpi sgt, %jit3A_1231, %sign3A_1240 : i32
        %sign3A_1242 = arith.extui %sign3A_1241 : i1 to i32
        %sign3A_1243 = arith.constant 0 : i32
        %sign3A_1244 = arith.cmpi slt, %jit3A_1231, %sign3A_1243 : i32
        %sign3A_1245 = arith.extui %sign3A_1244 : i1 to i32
        %sign3A_1246 = arith.subi %sign3A_1242, %sign3A_1245 : i32
        %ne3A_1247 = arith.cmpi ne, %sign3A_1239, %sign3A_1246 : i32
        %rem3A_1248 = arith.remsi %add3A_1230, %jit3A_1231 : i32
        %ne3A_1249 = arith.constant 0 : i32
        %ne3A_1250 = arith.cmpi ne, %rem3A_1248, %ne3A_1249 : i32
        %and3A_1251 = arith.andi %ne3A_1247, %ne3A_1250 : i1
        %sub3A_1252 = arith.constant 1 : i32
        %sub3A_1253 = arith.subi %div3A_1232, %sub3A_1252 : i32
        %select_n3A_1254 = arith.select %and3A_1251, %sub3A_1253, %div3A_1232 : i32
        %jit3A_1255 = arith.constant 16 : i32
        %div3A_1256 = arith.divsi %select_n3A_1254, %jit3A_1255 : i32
        %sign3A_1257 = arith.constant 0 : i32
        %sign3A_1258 = arith.cmpi sgt, %select_n3A_1254, %sign3A_1257 : i32
        %sign3A_1259 = arith.extui %sign3A_1258 : i1 to i32
        %sign3A_1260 = arith.constant 0 : i32
        %sign3A_1261 = arith.cmpi slt, %select_n3A_1254, %sign3A_1260 : i32
        %sign3A_1262 = arith.extui %sign3A_1261 : i1 to i32
        %sign3A_1263 = arith.subi %sign3A_1259, %sign3A_1262 : i32
        %sign3A_1264 = arith.constant 0 : i32
        %sign3A_1265 = arith.cmpi sgt, %jit3A_1255, %sign3A_1264 : i32
        %sign3A_1266 = arith.extui %sign3A_1265 : i1 to i32
        %sign3A_1267 = arith.constant 0 : i32
        %sign3A_1268 = arith.cmpi slt, %jit3A_1255, %sign3A_1267 : i32
        %sign3A_1269 = arith.extui %sign3A_1268 : i1 to i32
        %sign3A_1270 = arith.subi %sign3A_1266, %sign3A_1269 : i32
        %ne3A_1271 = arith.cmpi ne, %sign3A_1263, %sign3A_1270 : i32
        %rem3A_1272 = arith.remsi %select_n3A_1254, %jit3A_1255 : i32
        %ne3A_1273 = arith.constant 0 : i32
        %ne3A_1274 = arith.cmpi ne, %rem3A_1272, %ne3A_1273 : i32
        %and3A_1275 = arith.andi %ne3A_1271, %ne3A_1274 : i1
        %sub3A_1276 = arith.constant 1 : i32
        %sub3A_1277 = arith.subi %div3A_1256, %sub3A_1276 : i32
        %select_n3A_1278 = arith.select %and3A_1275, %sub3A_1277, %div3A_1256 : i32
        %jit3A_1279 = arith.constant 16 : i32
        %eq3A_1280 = arith.constant 0 : i32
        %eq3A_1281 = arith.cmpi eq, %jit3A_1279, %eq3A_1280 : i32
        %jit3A_1282 = arith.constant 1 : i32
        %select_n3A_1283 = arith.select %eq3A_1281, %jit3A_1282, %jit3A_1279 : i32
        %rem3A_1284 = arith.remsi %select_n3A_1254, %select_n3A_1283 : i32
        %ne3A_1285 = arith.constant 0 : i32
        %ne3A_1286 = arith.cmpi ne, %rem3A_1284, %ne3A_1285 : i32
        %lt3A_1287 = arith.constant 0 : i32
        %lt3A_1288 = arith.cmpi slt, %rem3A_1284, %lt3A_1287 : i32
        %lt3A_1289 = arith.constant 0 : i32
        %lt3A_1290 = arith.cmpi slt, %select_n3A_1283, %lt3A_1289 : i32
        %ne3A_1291 = arith.xori %lt3A_1288, %lt3A_1290 : i1
        %and3A_1292 = arith.andi %ne3A_1291, %ne3A_1286 : i1
        %add3A_1293 = arith.addi %rem3A_1284, %select_n3A_1283 : i32
        %select_n3A_1294 = arith.select %and3A_1292, %add3A_1293, %rem3A_1284 : i32
        %mul3A_1295 = arith.constant 128 : i32
        %mul3A_1296 = arith.muli %select_n3A_1294, %mul3A_1295 : i32
        %add3A_1297 = arith.addi %mul3A_2, %add3A_1229 : i32
        %jit3A_1298 = arith.constant 2 : i32
        %eq3A_1299 = arith.constant 0 : i32
        %eq3A_1300 = arith.cmpi eq, %jit3A_1298, %eq3A_1299 : i32
        %jit3A_1301 = arith.constant 1 : i32
        %select_n3A_1302 = arith.select %eq3A_1300, %jit3A_1301, %jit3A_1298 : i32
        %rem3A_1303 = arith.remsi %add3A_1297, %select_n3A_1302 : i32
        %ne3A_1304 = arith.constant 0 : i32
        %ne3A_1305 = arith.cmpi ne, %rem3A_1303, %ne3A_1304 : i32
        %lt3A_1306 = arith.constant 0 : i32
        %lt3A_1307 = arith.cmpi slt, %rem3A_1303, %lt3A_1306 : i32
        %lt3A_1308 = arith.constant 0 : i32
        %lt3A_1309 = arith.cmpi slt, %select_n3A_1302, %lt3A_1308 : i32
        %ne3A_1310 = arith.xori %lt3A_1307, %lt3A_1309 : i1
        %and3A_1311 = arith.andi %ne3A_1310, %ne3A_1305 : i1
        %add3A_1312 = arith.addi %rem3A_1303, %select_n3A_1302 : i32
        %select_n3A_1313 = arith.select %and3A_1311, %add3A_1312, %rem3A_1303 : i32
        %mul3A_1314 = arith.constant 2048 : i32
        %mul3A_1315 = arith.muli %select_n3A_1313, %mul3A_1314 : i32
        %add3A_1316 = arith.addi %mul3A_1296, %mul3A_1315 : i32
        %mul3A_1317 = arith.constant 64 : i32
        %mul3A_1318 = arith.muli %select_n3A_1313, %mul3A_1317 : i32
        %dma_wait3A_1319 = tpu.memref_slice %arg4[%select_n3A_1278, %mul3A_1296, %mul3A_1318] : memref<200x2048x128xf32, #tpu.memory_space<hbm>> -> memref<1x128x64xf32, #tpu.memory_space<hbm>>
        %dma_wait3A_1320 = tpu.memref_squeeze %dma_wait3A_1319 : memref<1x128x64xf32, #tpu.memory_space<hbm>> -> memref<128x64xf32, #tpu.memory_space<hbm>>
        %dma_wait3A_1321 = tpu.memref_slice %arg4[%select_n3A_1278, %mul3A_1296, %mul3A_1318] : memref<200x2048x128xf32, #tpu.memory_space<hbm>> -> memref<1x128x64xf32, #tpu.memory_space<hbm>>
        %dma_wait3A_1322 = tpu.memref_squeeze %dma_wait3A_1321 : memref<1x128x64xf32, #tpu.memory_space<hbm>> -> memref<128x64xf32, #tpu.memory_space<hbm>>
        tpu.wait_dma2 semaphore(%arg16 : memref<!tpu.dma_semaphore, #tpu.memory_space<semaphore_mem>>) src(%arg8 : memref<128x64xf32, #tpu.memory_space<vmem>>) dst(%dma_wait3A_1322 : memref<128x64xf32, #tpu.memory_space<hbm>>)
        %add3A_1323 = arith.constant 4 : i32
        %add3A_1324 = arith.addi %mul3A_793, %add3A_1323 : i32
        %add3A_1325 = arith.constant 2 : i32
        %add3A_1326 = arith.addi %add3A_1324, %add3A_1325 : i32
        %add3A_1327 = arith.addi %mul3A_2, %add3A_1326 : i32
        %jit3A_1328 = arith.constant 2 : i32
        %div3A_1329 = arith.divsi %add3A_1327, %jit3A_1328 : i32
        %sign3A_1330 = arith.constant 0 : i32
        %sign3A_1331 = arith.cmpi sgt, %add3A_1327, %sign3A_1330 : i32
        %sign3A_1332 = arith.extui %sign3A_1331 : i1 to i32
        %sign3A_1333 = arith.constant 0 : i32
        %sign3A_1334 = arith.cmpi slt, %add3A_1327, %sign3A_1333 : i32
        %sign3A_1335 = arith.extui %sign3A_1334 : i1 to i32
        %sign3A_1336 = arith.subi %sign3A_1332, %sign3A_1335 : i32
        %sign3A_1337 = arith.constant 0 : i32
        %sign3A_1338 = arith.cmpi sgt, %jit3A_1328, %sign3A_1337 : i32
        %sign3A_1339 = arith.extui %sign3A_1338 : i1 to i32
        %sign3A_1340 = arith.constant 0 : i32
        %sign3A_1341 = arith.cmpi slt, %jit3A_1328, %sign3A_1340 : i32
        %sign3A_1342 = arith.extui %sign3A_1341 : i1 to i32
        %sign3A_1343 = arith.subi %sign3A_1339, %sign3A_1342 : i32
        %ne3A_1344 = arith.cmpi ne, %sign3A_1336, %sign3A_1343 : i32
        %rem3A_1345 = arith.remsi %add3A_1327, %jit3A_1328 : i32
        %ne3A_1346 = arith.constant 0 : i32
        %ne3A_1347 = arith.cmpi ne, %rem3A_1345, %ne3A_1346 : i32
        %and3A_1348 = arith.andi %ne3A_1344, %ne3A_1347 : i1
        %sub3A_1349 = arith.constant 1 : i32
        %sub3A_1350 = arith.subi %div3A_1329, %sub3A_1349 : i32
        %select_n3A_1351 = arith.select %and3A_1348, %sub3A_1350, %div3A_1329 : i32
        %jit3A_1352 = arith.constant 16 : i32
        %div3A_1353 = arith.divsi %select_n3A_1351, %jit3A_1352 : i32
        %sign3A_1354 = arith.constant 0 : i32
        %sign3A_1355 = arith.cmpi sgt, %select_n3A_1351, %sign3A_1354 : i32
        %sign3A_1356 = arith.extui %sign3A_1355 : i1 to i32
        %sign3A_1357 = arith.constant 0 : i32
        %sign3A_1358 = arith.cmpi slt, %select_n3A_1351, %sign3A_1357 : i32
        %sign3A_1359 = arith.extui %sign3A_1358 : i1 to i32
        %sign3A_1360 = arith.subi %sign3A_1356, %sign3A_1359 : i32
        %sign3A_1361 = arith.constant 0 : i32
        %sign3A_1362 = arith.cmpi sgt, %jit3A_1352, %sign3A_1361 : i32
        %sign3A_1363 = arith.extui %sign3A_1362 : i1 to i32
        %sign3A_1364 = arith.constant 0 : i32
        %sign3A_1365 = arith.cmpi slt, %jit3A_1352, %sign3A_1364 : i32
        %sign3A_1366 = arith.extui %sign3A_1365 : i1 to i32
        %sign3A_1367 = arith.subi %sign3A_1363, %sign3A_1366 : i32
        %ne3A_1368 = arith.cmpi ne, %sign3A_1360, %sign3A_1367 : i32
        %rem3A_1369 = arith.remsi %select_n3A_1351, %jit3A_1352 : i32
        %ne3A_1370 = arith.constant 0 : i32
        %ne3A_1371 = arith.cmpi ne, %rem3A_1369, %ne3A_1370 : i32
        %and3A_1372 = arith.andi %ne3A_1368, %ne3A_1371 : i1
        %sub3A_1373 = arith.constant 1 : i32
        %sub3A_1374 = arith.subi %div3A_1353, %sub3A_1373 : i32
        %select_n3A_1375 = arith.select %and3A_1372, %sub3A_1374, %div3A_1353 : i32
        %jit3A_1376 = arith.constant 16 : i32
        %eq3A_1377 = arith.constant 0 : i32
        %eq3A_1378 = arith.cmpi eq, %jit3A_1376, %eq3A_1377 : i32
        %jit3A_1379 = arith.constant 1 : i32
        %select_n3A_1380 = arith.select %eq3A_1378, %jit3A_1379, %jit3A_1376 : i32
        %rem3A_1381 = arith.remsi %select_n3A_1351, %select_n3A_1380 : i32
        %ne3A_1382 = arith.constant 0 : i32
        %ne3A_1383 = arith.cmpi ne, %rem3A_1381, %ne3A_1382 : i32
        %lt3A_1384 = arith.constant 0 : i32
        %lt3A_1385 = arith.cmpi slt, %rem3A_1381, %lt3A_1384 : i32
        %lt3A_1386 = arith.constant 0 : i32
        %lt3A_1387 = arith.cmpi slt, %select_n3A_1380, %lt3A_1386 : i32
        %ne3A_1388 = arith.xori %lt3A_1385, %lt3A_1387 : i1
        %and3A_1389 = arith.andi %ne3A_1388, %ne3A_1383 : i1
        %add3A_1390 = arith.addi %rem3A_1381, %select_n3A_1380 : i32
        %select_n3A_1391 = arith.select %and3A_1389, %add3A_1390, %rem3A_1381 : i32
        %mul3A_1392 = arith.constant 128 : i32
        %mul3A_1393 = arith.muli %select_n3A_1391, %mul3A_1392 : i32
        %add3A_1394 = arith.addi %mul3A_2, %add3A_1326 : i32
        %jit3A_1395 = arith.constant 2 : i32
        %eq3A_1396 = arith.constant 0 : i32
        %eq3A_1397 = arith.cmpi eq, %jit3A_1395, %eq3A_1396 : i32
        %jit3A_1398 = arith.constant 1 : i32
        %select_n3A_1399 = arith.select %eq3A_1397, %jit3A_1398, %jit3A_1395 : i32
        %rem3A_1400 = arith.remsi %add3A_1394, %select_n3A_1399 : i32
        %ne3A_1401 = arith.constant 0 : i32
        %ne3A_1402 = arith.cmpi ne, %rem3A_1400, %ne3A_1401 : i32
        %lt3A_1403 = arith.constant 0 : i32
        %lt3A_1404 = arith.cmpi slt, %rem3A_1400, %lt3A_1403 : i32
        %lt3A_1405 = arith.constant 0 : i32
        %lt3A_1406 = arith.cmpi slt, %select_n3A_1399, %lt3A_1405 : i32
        %ne3A_1407 = arith.xori %lt3A_1404, %lt3A_1406 : i1
        %and3A_1408 = arith.andi %ne3A_1407, %ne3A_1402 : i1
        %add3A_1409 = arith.addi %rem3A_1400, %select_n3A_1399 : i32
        %select_n3A_1410 = arith.select %and3A_1408, %add3A_1409, %rem3A_1400 : i32
        %mul3A_1411 = arith.constant 2048 : i32
        %mul3A_1412 = arith.muli %select_n3A_1410, %mul3A_1411 : i32
        %add3A_1413 = arith.addi %mul3A_1393, %mul3A_1412 : i32
        %sub3A_1414 = arith.subi %select_n3A_1375, %min3A_19 : i32
        %mul3A_1415 = arith.constant 4096 : i32
        %mul3A_1416 = arith.muli %sub3A_1414, %mul3A_1415 : i32
        %add3A_1417 = arith.addi %mul3A_1416, %add3A_1413 : i32
        %dma_start3A_1418 = tpu.memref_slice %arg5[%add3A_1417] : memref<32768xi32, #tpu.memory_space<vmem>> -> memref<128xi32, #tpu.memory_space<vmem>>
        %dma_start3A_1419 = arith.constant 0 : i32
        %dma_start3A_1420 = arith.constant 0 : i32
        %dma_start3A_1421 = tpu.memref_slice %arg3[%dma_start3A_1419, %dma_start3A_1420] : memref<100000x64xf32, #tpu.memory_space<hbm>> -> memref<100000x64xf32, #tpu.memory_space<hbm>>
        tpu.enqueue_indirect_dma source(%dma_start3A_1421 : memref<100000x64xf32, #tpu.memory_space<hbm>>) target(%arg8 : memref<128x64xf32, #tpu.memory_space<vmem>>) offsets(%dma_start3A_1418 : memref<128xi32, #tpu.memory_space<vmem>>) semaphore(%arg12 : memref<!tpu.dma_semaphore, #tpu.memory_space<semaphore_mem>>)
      } else {
      }
      %add3A_1219 = arith.constant 4 : i32
      %add3A_1220 = arith.addi %mul3A_793, %add3A_1219 : i32
      %add3A_1221 = arith.constant 3 : i32
      %add3A_1222 = arith.addi %add3A_1220, %add3A_1221 : i32
      %lt3A_1223 = arith.constant 200 : i32
      %lt3A_1224 = arith.cmpi slt, %add3A_1222, %lt3A_1223 : i32
      %convert_element_type3A_1225 = arith.extui %lt3A_1224 : i1 to i32
      %cond3A_1226 = arith.constant 0 : i32
      %cond3A_1227 = arith.cmpi ne, %convert_element_type3A_1225, %cond3A_1226 : i32
      scf.if %cond3A_1227 {
        %add3A_1228 = arith.constant 3 : i32
        %add3A_1229 = arith.addi %mul3A_793, %add3A_1228 : i32
        %add3A_1230 = arith.addi %mul3A_2, %add3A_1229 : i32
        %jit3A_1231 = arith.constant 2 : i32
        %div3A_1232 = arith.divsi %add3A_1230, %jit3A_1231 : i32
        %sign3A_1233 = arith.constant 0 : i32
        %sign3A_1234 = arith.cmpi sgt, %add3A_1230, %sign3A_1233 : i32
        %sign3A_1235 = arith.extui %sign3A_1234 : i1 to i32
        %sign3A_1236 = arith.constant 0 : i32
        %sign3A_1237 = arith.cmpi slt, %add3A_1230, %sign3A_1236 : i32
        %sign3A_1238 = arith.extui %sign3A_1237 : i1 to i32
        %sign3A_1239 = arith.subi %sign3A_1235, %sign3A_1238 : i32
        %sign3A_1240 = arith.constant 0 : i32
        %sign3A_1241 = arith.cmpi sgt, %jit3A_1231, %sign3A_1240 : i32
        %sign3A_1242 = arith.extui %sign3A_1241 : i1 to i32
        %sign3A_1243 = arith.constant 0 : i32
        %sign3A_1244 = arith.cmpi slt, %jit3A_1231, %sign3A_1243 : i32
        %sign3A_1245 = arith.extui %sign3A_1244 : i1 to i32
        %sign3A_1246 = arith.subi %sign3A_1242, %sign3A_1245 : i32
        %ne3A_1247 = arith.cmpi ne, %sign3A_1239, %sign3A_1246 : i32
        %rem3A_1248 = arith.remsi %add3A_1230, %jit3A_1231 : i32
        %ne3A_1249 = arith.constant 0 : i32
        %ne3A_1250 = arith.cmpi ne, %rem3A_1248, %ne3A_1249 : i32
        %and3A_1251 = arith.andi %ne3A_1247, %ne3A_1250 : i1
        %sub3A_1252 = arith.constant 1 : i32
        %sub3A_1253 = arith.subi %div3A_1232, %sub3A_1252 : i32
        %select_n3A_1254 = arith.select %and3A_1251, %sub3A_1253, %div3A_1232 : i32
        %jit3A_1255 = arith.constant 16 : i32
        %div3A_1256 = arith.divsi %select_n3A_1254, %jit3A_1255 : i32
        %sign3A_1257 = arith.constant 0 : i32
        %sign3A_1258 = arith.cmpi sgt, %select_n3A_1254, %sign3A_1257 : i32
        %sign3A_1259 = arith.extui %sign3A_1258 : i1 to i32
        %sign3A_1260 = arith.constant 0 : i32
        %sign3A_1261 = arith.cmpi slt, %select_n3A_1254, %sign3A_1260 : i32
        %sign3A_1262 = arith.extui %sign3A_1261 : i1 to i32
        %sign3A_1263 = arith.subi %sign3A_1259, %sign3A_1262 : i32
        %sign3A_1264 = arith.constant 0 : i32
        %sign3A_1265 = arith.cmpi sgt, %jit3A_1255, %sign3A_1264 : i32
        %sign3A_1266 = arith.extui %sign3A_1265 : i1 to i32
        %sign3A_1267 = arith.constant 0 : i32
        %sign3A_1268 = arith.cmpi slt, %jit3A_1255, %sign3A_1267 : i32
        %sign3A_1269 = arith.extui %sign3A_1268 : i1 to i32
        %sign3A_1270 = arith.subi %sign3A_1266, %sign3A_1269 : i32
        %ne3A_1271 = arith.cmpi ne, %sign3A_1263, %sign3A_1270 : i32
        %rem3A_1272 = arith.remsi %select_n3A_1254, %jit3A_1255 : i32
        %ne3A_1273 = arith.constant 0 : i32
        %ne3A_1274 = arith.cmpi ne, %rem3A_1272, %ne3A_1273 : i32
        %and3A_1275 = arith.andi %ne3A_1271, %ne3A_1274 : i1
        %sub3A_1276 = arith.constant 1 : i32
        %sub3A_1277 = arith.subi %div3A_1256, %sub3A_1276 : i32
        %select_n3A_1278 = arith.select %and3A_1275, %sub3A_1277, %div3A_1256 : i32
        %jit3A_1279 = arith.constant 16 : i32
        %eq3A_1280 = arith.constant 0 : i32
        %eq3A_1281 = arith.cmpi eq, %jit3A_1279, %eq3A_1280 : i32
        %jit3A_1282 = arith.constant 1 : i32
        %select_n3A_1283 = arith.select %eq3A_1281, %jit3A_1282, %jit3A_1279 : i32
        %rem3A_1284 = arith.remsi %select_n3A_1254, %select_n3A_1283 : i32
        %ne3A_1285 = arith.constant 0 : i32
        %ne3A_1286 = arith.cmpi ne, %rem3A_1284, %ne3A_1285 : i32
        %lt3A_1287 = arith.constant 0 : i32
        %lt3A_1288 = arith.cmpi slt, %rem3A_1284, %lt3A_1287 : i32
        %lt3A_1289 = arith.constant 0 : i32
        %lt3A_1290 = arith.cmpi slt, %select_n3A_1283, %lt3A_1289 : i32
        %ne3A_1291 = arith.xori %lt3A_1288, %lt3A_1290 : i1
        %and3A_1292 = arith.andi %ne3A_1291, %ne3A_1286 : i1
        %add3A_1293 = arith.addi %rem3A_1284, %select_n3A_1283 : i32
        %select_n3A_1294 = arith.select %and3A_1292, %add3A_1293, %rem3A_1284 : i32
        %mul3A_1295 = arith.constant 128 : i32
        %mul3A_1296 = arith.muli %select_n3A_1294, %mul3A_1295 : i32
        %add3A_1297 = arith.addi %mul3A_2, %add3A_1229 : i32
        %jit3A_1298 = arith.constant 2 : i32
        %eq3A_1299 = arith.constant 0 : i32
        %eq3A_1300 = arith.cmpi eq, %jit3A_1298, %eq3A_1299 : i32
        %jit3A_1301 = arith.constant 1 : i32
        %select_n3A_1302 = arith.select %eq3A_1300, %jit3A_1301, %jit3A_1298 : i32
        %rem3A_1303 = arith.remsi %add3A_1297, %select_n3A_1302 : i32
        %ne3A_1304 = arith.constant 0 : i32
        %ne3A_1305 = arith.cmpi ne, %rem3A_1303, %ne3A_1304 : i32
        %lt3A_1306 = arith.constant 0 : i32
        %lt3A_1307 = arith.cmpi slt, %rem3A_1303, %lt3A_1306 : i32
        %lt3A_1308 = arith.constant 0 : i32
        %lt3A_1309 = arith.cmpi slt, %select_n3A_1302, %lt3A_1308 : i32
        %ne3A_1310 = arith.xori %lt3A_1307, %lt3A_1309 : i1
        %and3A_1311 = arith.andi %ne3A_1310, %ne3A_1305 : i1
        %add3A_1312 = arith.addi %rem3A_1303, %select_n3A_1302 : i32
        %select_n3A_1313 = arith.select %and3A_1311, %add3A_1312, %rem3A_1303 : i32
        %mul3A_1314 = arith.constant 2048 : i32
        %mul3A_1315 = arith.muli %select_n3A_1313, %mul3A_1314 : i32
        %add3A_1316 = arith.addi %mul3A_1296, %mul3A_1315 : i32
        %mul3A_1317 = arith.constant 64 : i32
        %mul3A_1318 = arith.muli %select_n3A_1313, %mul3A_1317 : i32
        %dma_wait3A_1319 = tpu.memref_slice %arg4[%select_n3A_1278, %mul3A_1296, %mul3A_1318] : memref<200x2048x128xf32, #tpu.memory_space<hbm>> -> memref<1x128x64xf32, #tpu.memory_space<hbm>>
        %dma_wait3A_1320 = tpu.memref_squeeze %dma_wait3A_1319 : memref<1x128x64xf32, #tpu.memory_space<hbm>> -> memref<128x64xf32, #tpu.memory_space<hbm>>
        %dma_wait3A_1321 = tpu.memref_slice %arg4[%select_n3A_1278, %mul3A_1296, %mul3A_1318] : memref<200x2048x128xf32, #tpu.memory_space<hbm>> -> memref<1x128x64xf32, #tpu.memory_space<hbm>>
        %dma_wait3A_1322 = tpu.memref_squeeze %dma_wait3A_1321 : memref<1x128x64xf32, #tpu.memory_space<hbm>> -> memref<128x64xf32, #tpu.memory_space<hbm>>
        tpu.wait_dma2 semaphore(%arg17 : memref<!tpu.dma_semaphore, #tpu.memory_space<semaphore_mem>>) src(%arg9 : memref<128x64xf32, #tpu.memory_space<vmem>>) dst(%dma_wait3A_1322 : memref<128x64xf32, #tpu.memory_space<hbm>>)
        %add3A_1323 = arith.constant 4 : i32
        %add3A_1324 = arith.addi %mul3A_793, %add3A_1323 : i32
        %add3A_1325 = arith.constant 3 : i32
        %add3A_1326 = arith.addi %add3A_1324, %add3A_1325 : i32
        %add3A_1327 = arith.addi %mul3A_2, %add3A_1326 : i32
        %jit3A_1328 = arith.constant 2 : i32
        %div3A_1329 = arith.divsi %add3A_1327, %jit3A_1328 : i32
        %sign3A_1330 = arith.constant 0 : i32
        %sign3A_1331 = arith.cmpi sgt, %add3A_1327, %sign3A_1330 : i32
        %sign3A_1332 = arith.extui %sign3A_1331 : i1 to i32
        %sign3A_1333 = arith.constant 0 : i32
        %sign3A_1334 = arith.cmpi slt, %add3A_1327, %sign3A_1333 : i32
        %sign3A_1335 = arith.extui %sign3A_1334 : i1 to i32
        %sign3A_1336 = arith.subi %sign3A_1332, %sign3A_1335 : i32
        %sign3A_1337 = arith.constant 0 : i32
        %sign3A_1338 = arith.cmpi sgt, %jit3A_1328, %sign3A_1337 : i32
        %sign3A_1339 = arith.extui %sign3A_1338 : i1 to i32
        %sign3A_1340 = arith.constant 0 : i32
        %sign3A_1341 = arith.cmpi slt, %jit3A_1328, %sign3A_1340 : i32
        %sign3A_1342 = arith.extui %sign3A_1341 : i1 to i32
        %sign3A_1343 = arith.subi %sign3A_1339, %sign3A_1342 : i32
        %ne3A_1344 = arith.cmpi ne, %sign3A_1336, %sign3A_1343 : i32
        %rem3A_1345 = arith.remsi %add3A_1327, %jit3A_1328 : i32
        %ne3A_1346 = arith.constant 0 : i32
        %ne3A_1347 = arith.cmpi ne, %rem3A_1345, %ne3A_1346 : i32
        %and3A_1348 = arith.andi %ne3A_1344, %ne3A_1347 : i1
        %sub3A_1349 = arith.constant 1 : i32
        %sub3A_1350 = arith.subi %div3A_1329, %sub3A_1349 : i32
        %select_n3A_1351 = arith.select %and3A_1348, %sub3A_1350, %div3A_1329 : i32
        %jit3A_1352 = arith.constant 16 : i32
        %div3A_1353 = arith.divsi %select_n3A_1351, %jit3A_1352 : i32
        %sign3A_1354 = arith.constant 0 : i32
        %sign3A_1355 = arith.cmpi sgt, %select_n3A_1351, %sign3A_1354 : i32
        %sign3A_1356 = arith.extui %sign3A_1355 : i1 to i32
        %sign3A_1357 = arith.constant 0 : i32
        %sign3A_1358 = arith.cmpi slt, %select_n3A_1351, %sign3A_1357 : i32
        %sign3A_1359 = arith.extui %sign3A_1358 : i1 to i32
        %sign3A_1360 = arith.subi %sign3A_1356, %sign3A_1359 : i32
        %sign3A_1361 = arith.constant 0 : i32
        %sign3A_1362 = arith.cmpi sgt, %jit3A_1352, %sign3A_1361 : i32
        %sign3A_1363 = arith.extui %sign3A_1362 : i1 to i32
        %sign3A_1364 = arith.constant 0 : i32
        %sign3A_1365 = arith.cmpi slt, %jit3A_1352, %sign3A_1364 : i32
        %sign3A_1366 = arith.extui %sign3A_1365 : i1 to i32
        %sign3A_1367 = arith.subi %sign3A_1363, %sign3A_1366 : i32
        %ne3A_1368 = arith.cmpi ne, %sign3A_1360, %sign3A_1367 : i32
        %rem3A_1369 = arith.remsi %select_n3A_1351, %jit3A_1352 : i32
        %ne3A_1370 = arith.constant 0 : i32
        %ne3A_1371 = arith.cmpi ne, %rem3A_1369, %ne3A_1370 : i32
        %and3A_1372 = arith.andi %ne3A_1368, %ne3A_1371 : i1
        %sub3A_1373 = arith.constant 1 : i32
        %sub3A_1374 = arith.subi %div3A_1353, %sub3A_1373 : i32
        %select_n3A_1375 = arith.select %and3A_1372, %sub3A_1374, %div3A_1353 : i32
        %jit3A_1376 = arith.constant 16 : i32
        %eq3A_1377 = arith.constant 0 : i32
        %eq3A_1378 = arith.cmpi eq, %jit3A_1376, %eq3A_1377 : i32
        %jit3A_1379 = arith.constant 1 : i32
        %select_n3A_1380 = arith.select %eq3A_1378, %jit3A_1379, %jit3A_1376 : i32
        %rem3A_1381 = arith.remsi %select_n3A_1351, %select_n3A_1380 : i32
        %ne3A_1382 = arith.constant 0 : i32
        %ne3A_1383 = arith.cmpi ne, %rem3A_1381, %ne3A_1382 : i32
        %lt3A_1384 = arith.constant 0 : i32
        %lt3A_1385 = arith.cmpi slt, %rem3A_1381, %lt3A_1384 : i32
        %lt3A_1386 = arith.constant 0 : i32
        %lt3A_1387 = arith.cmpi slt, %select_n3A_1380, %lt3A_1386 : i32
        %ne3A_1388 = arith.xori %lt3A_1385, %lt3A_1387 : i1
        %and3A_1389 = arith.andi %ne3A_1388, %ne3A_1383 : i1
        %add3A_1390 = arith.addi %rem3A_1381, %select_n3A_1380 : i32
        %select_n3A_1391 = arith.select %and3A_1389, %add3A_1390, %rem3A_1381 : i32
        %mul3A_1392 = arith.constant 128 : i32
        %mul3A_1393 = arith.muli %select_n3A_1391, %mul3A_1392 : i32
        %add3A_1394 = arith.addi %mul3A_2, %add3A_1326 : i32
        %jit3A_1395 = arith.constant 2 : i32
        %eq3A_1396 = arith.constant 0 : i32
        %eq3A_1397 = arith.cmpi eq, %jit3A_1395, %eq3A_1396 : i32
        %jit3A_1398 = arith.constant 1 : i32
        %select_n3A_1399 = arith.select %eq3A_1397, %jit3A_1398, %jit3A_1395 : i32
        %rem3A_1400 = arith.remsi %add3A_1394, %select_n3A_1399 : i32
        %ne3A_1401 = arith.constant 0 : i32
        %ne3A_1402 = arith.cmpi ne, %rem3A_1400, %ne3A_1401 : i32
        %lt3A_1403 = arith.constant 0 : i32
        %lt3A_1404 = arith.cmpi slt, %rem3A_1400, %lt3A_1403 : i32
        %lt3A_1405 = arith.constant 0 : i32
        %lt3A_1406 = arith.cmpi slt, %select_n3A_1399, %lt3A_1405 : i32
        %ne3A_1407 = arith.xori %lt3A_1404, %lt3A_1406 : i1
        %and3A_1408 = arith.andi %ne3A_1407, %ne3A_1402 : i1
        %add3A_1409 = arith.addi %rem3A_1400, %select_n3A_1399 : i32
        %select_n3A_1410 = arith.select %and3A_1408, %add3A_1409, %rem3A_1400 : i32
        %mul3A_1411 = arith.constant 2048 : i32
        %mul3A_1412 = arith.muli %select_n3A_1410, %mul3A_1411 : i32
        %add3A_1413 = arith.addi %mul3A_1393, %mul3A_1412 : i32
        %sub3A_1414 = arith.subi %select_n3A_1375, %min3A_19 : i32
        %mul3A_1415 = arith.constant 4096 : i32
        %mul3A_1416 = arith.muli %sub3A_1414, %mul3A_1415 : i32
        %add3A_1417 = arith.addi %mul3A_1416, %add3A_1413 : i32
        %dma_start3A_1418 = tpu.memref_slice %arg5[%add3A_1417] : memref<32768xi32, #tpu.memory_space<vmem>> -> memref<128xi32, #tpu.memory_space<vmem>>
        %dma_start3A_1419 = arith.constant 0 : i32
        %dma_start3A_1420 = arith.constant 0 : i32
        %dma_start3A_1421 = tpu.memref_slice %arg3[%dma_start3A_1419, %dma_start3A_1420] : memref<100000x64xf32, #tpu.memory_space<hbm>> -> memref<100000x64xf32, #tpu.memory_space<hbm>>
        tpu.enqueue_indirect_dma source(%dma_start3A_1421 : memref<100000x64xf32, #tpu.memory_space<hbm>>) target(%arg9 : memref<128x64xf32, #tpu.memory_space<vmem>>) offsets(%dma_start3A_1418 : memref<128xi32, #tpu.memory_space<vmem>>) semaphore(%arg13 : memref<!tpu.dma_semaphore, #tpu.memory_space<semaphore_mem>>)
      } else {
      }
    }
    %scan3A_411 = arith.constant 50 : i32
    %add3A_412 = arith.constant 196 : i32
    %add3A_413 = arith.addi %mul3A_2, %add3A_412 : i32
    %jit3A_414 = arith.constant 2 : i32
    %div3A_415 = arith.divsi %add3A_413, %jit3A_414 : i32
    %sign3A_416 = arith.constant 0 : i32
    %sign3A_417 = arith.cmpi sgt, %add3A_413, %sign3A_416 : i32
    %sign3A_418 = arith.extui %sign3A_417 : i1 to i32
    %sign3A_419 = arith.constant 0 : i32
    %sign3A_420 = arith.cmpi slt, %add3A_413, %sign3A_419 : i32
    %sign3A_421 = arith.extui %sign3A_420 : i1 to i32
    %sign3A_422 = arith.subi %sign3A_418, %sign3A_421 : i32
    %sign3A_423 = arith.constant 0 : i32
    %sign3A_424 = arith.cmpi sgt, %jit3A_414, %sign3A_423 : i32
    %sign3A_425 = arith.extui %sign3A_424 : i1 to i32
    %sign3A_426 = arith.constant 0 : i32
    %sign3A_427 = arith.cmpi slt, %jit3A_414, %sign3A_426 : i32
    %sign3A_428 = arith.extui %sign3A_427 : i1 to i32
    %sign3A_429 = arith.subi %sign3A_425, %sign3A_428 : i32
    %ne3A_430 = arith.cmpi ne, %sign3A_422, %sign3A_429 : i32
    %rem3A_431 = arith.remsi %add3A_413, %jit3A_414 : i32
    %ne3A_432 = arith.constant 0 : i32
    %ne3A_433 = arith.cmpi ne, %rem3A_431, %ne3A_432 : i32
    %and3A_434 = arith.andi %ne3A_430, %ne3A_433 : i1
    %sub3A_435 = arith.constant 1 : i32
    %sub3A_436 = arith.subi %div3A_415, %sub3A_435 : i32
    %select_n3A_437 = arith.select %and3A_434, %sub3A_436, %div3A_415 : i32
    %jit3A_438 = arith.constant 16 : i32
    %div3A_439 = arith.divsi %select_n3A_437, %jit3A_438 : i32
    %sign3A_440 = arith.constant 0 : i32
    %sign3A_441 = arith.cmpi sgt, %select_n3A_437, %sign3A_440 : i32
    %sign3A_442 = arith.extui %sign3A_441 : i1 to i32
    %sign3A_443 = arith.constant 0 : i32
    %sign3A_444 = arith.cmpi slt, %select_n3A_437, %sign3A_443 : i32
    %sign3A_445 = arith.extui %sign3A_444 : i1 to i32
    %sign3A_446 = arith.subi %sign3A_442, %sign3A_445 : i32
    %sign3A_447 = arith.constant 0 : i32
    %sign3A_448 = arith.cmpi sgt, %jit3A_438, %sign3A_447 : i32
    %sign3A_449 = arith.extui %sign3A_448 : i1 to i32
    %sign3A_450 = arith.constant 0 : i32
    %sign3A_451 = arith.cmpi slt, %jit3A_438, %sign3A_450 : i32
    %sign3A_452 = arith.extui %sign3A_451 : i1 to i32
    %sign3A_453 = arith.subi %sign3A_449, %sign3A_452 : i32
    %ne3A_454 = arith.cmpi ne, %sign3A_446, %sign3A_453 : i32
    %rem3A_455 = arith.remsi %select_n3A_437, %jit3A_438 : i32
    %ne3A_456 = arith.constant 0 : i32
    %ne3A_457 = arith.cmpi ne, %rem3A_455, %ne3A_456 : i32
    %and3A_458 = arith.andi %ne3A_454, %ne3A_457 : i1
    %sub3A_459 = arith.constant 1 : i32
    %sub3A_460 = arith.subi %div3A_439, %sub3A_459 : i32
    %select_n3A_461 = arith.select %and3A_458, %sub3A_460, %div3A_439 : i32
    %jit3A_462 = arith.constant 16 : i32
    %eq3A_463 = arith.constant 0 : i32
    %eq3A_464 = arith.cmpi eq, %jit3A_462, %eq3A_463 : i32
    %jit3A_465 = arith.constant 1 : i32
    %select_n3A_466 = arith.select %eq3A_464, %jit3A_465, %jit3A_462 : i32
    %rem3A_467 = arith.remsi %select_n3A_437, %select_n3A_466 : i32
    %ne3A_468 = arith.constant 0 : i32
    %ne3A_469 = arith.cmpi ne, %rem3A_467, %ne3A_468 : i32
    %lt3A_470 = arith.constant 0 : i32
    %lt3A_471 = arith.cmpi slt, %rem3A_467, %lt3A_470 : i32
    %lt3A_472 = arith.constant 0 : i32
    %lt3A_473 = arith.cmpi slt, %select_n3A_466, %lt3A_472 : i32
    %ne3A_474 = arith.xori %lt3A_471, %lt3A_473 : i1
    %and3A_475 = arith.andi %ne3A_474, %ne3A_469 : i1
    %add3A_476 = arith.addi %rem3A_467, %select_n3A_466 : i32
    %select_n3A_477 = arith.select %and3A_475, %add3A_476, %rem3A_467 : i32
    %mul3A_478 = arith.constant 128 : i32
    %mul3A_479 = arith.muli %select_n3A_477, %mul3A_478 : i32
    %add3A_480 = arith.constant 196 : i32
    %add3A_481 = arith.addi %mul3A_2, %add3A_480 : i32
    %jit3A_482 = arith.constant 2 : i32
    %eq3A_483 = arith.constant 0 : i32
    %eq3A_484 = arith.cmpi eq, %jit3A_482, %eq3A_483 : i32
    %jit3A_485 = arith.constant 1 : i32
    %select_n3A_486 = arith.select %eq3A_484, %jit3A_485, %jit3A_482 : i32
    %rem3A_487 = arith.remsi %add3A_481, %select_n3A_486 : i32
    %ne3A_488 = arith.constant 0 : i32
    %ne3A_489 = arith.cmpi ne, %rem3A_487, %ne3A_488 : i32
    %lt3A_490 = arith.constant 0 : i32
    %lt3A_491 = arith.cmpi slt, %rem3A_487, %lt3A_490 : i32
    %lt3A_492 = arith.constant 0 : i32
    %lt3A_493 = arith.cmpi slt, %select_n3A_486, %lt3A_492 : i32
    %ne3A_494 = arith.xori %lt3A_491, %lt3A_493 : i1
    %and3A_495 = arith.andi %ne3A_494, %ne3A_489 : i1
    %add3A_496 = arith.addi %rem3A_487, %select_n3A_486 : i32
    %select_n3A_497 = arith.select %and3A_495, %add3A_496, %rem3A_487 : i32
    %mul3A_498 = arith.constant 2048 : i32
    %mul3A_499 = arith.muli %select_n3A_497, %mul3A_498 : i32
    %add3A_500 = arith.addi %mul3A_479, %mul3A_499 : i32
    %mul3A_501 = arith.constant 64 : i32
    %mul3A_502 = arith.muli %select_n3A_497, %mul3A_501 : i32
    %dma_wait3A = tpu.memref_slice %arg4[%select_n3A_461, %mul3A_479, %mul3A_502] : memref<200x2048x128xf32, #tpu.memory_space<hbm>> -> memref<1x128x64xf32, #tpu.memory_space<hbm>>
    %dma_wait3A_503 = tpu.memref_squeeze %dma_wait3A : memref<1x128x64xf32, #tpu.memory_space<hbm>> -> memref<128x64xf32, #tpu.memory_space<hbm>>
    %dma_wait3A_504 = tpu.memref_slice %arg4[%select_n3A_461, %mul3A_479, %mul3A_502] : memref<200x2048x128xf32, #tpu.memory_space<hbm>> -> memref<1x128x64xf32, #tpu.memory_space<hbm>>
    %dma_wait3A_505 = tpu.memref_squeeze %dma_wait3A_504 : memref<1x128x64xf32, #tpu.memory_space<hbm>> -> memref<128x64xf32, #tpu.memory_space<hbm>>
    tpu.wait_dma2 semaphore(%arg14 : memref<!tpu.dma_semaphore, #tpu.memory_space<semaphore_mem>>) src(%arg6 : memref<128x64xf32, #tpu.memory_space<vmem>>) dst(%dma_wait3A_505 : memref<128x64xf32, #tpu.memory_space<hbm>>)
    %add3A_506 = arith.constant 197 : i32
    %add3A_507 = arith.addi %mul3A_2, %add3A_506 : i32
    %jit3A_508 = arith.constant 2 : i32
    %div3A_509 = arith.divsi %add3A_507, %jit3A_508 : i32
    %sign3A_510 = arith.constant 0 : i32
    %sign3A_511 = arith.cmpi sgt, %add3A_507, %sign3A_510 : i32
    %sign3A_512 = arith.extui %sign3A_511 : i1 to i32
    %sign3A_513 = arith.constant 0 : i32
    %sign3A_514 = arith.cmpi slt, %add3A_507, %sign3A_513 : i32
    %sign3A_515 = arith.extui %sign3A_514 : i1 to i32
    %sign3A_516 = arith.subi %sign3A_512, %sign3A_515 : i32
    %sign3A_517 = arith.constant 0 : i32
    %sign3A_518 = arith.cmpi sgt, %jit3A_508, %sign3A_517 : i32
    %sign3A_519 = arith.extui %sign3A_518 : i1 to i32
    %sign3A_520 = arith.constant 0 : i32
    %sign3A_521 = arith.cmpi slt, %jit3A_508, %sign3A_520 : i32
    %sign3A_522 = arith.extui %sign3A_521 : i1 to i32
    %sign3A_523 = arith.subi %sign3A_519, %sign3A_522 : i32
    %ne3A_524 = arith.cmpi ne, %sign3A_516, %sign3A_523 : i32
    %rem3A_525 = arith.remsi %add3A_507, %jit3A_508 : i32
    %ne3A_526 = arith.constant 0 : i32
    %ne3A_527 = arith.cmpi ne, %rem3A_525, %ne3A_526 : i32
    %and3A_528 = arith.andi %ne3A_524, %ne3A_527 : i1
    %sub3A_529 = arith.constant 1 : i32
    %sub3A_530 = arith.subi %div3A_509, %sub3A_529 : i32
    %select_n3A_531 = arith.select %and3A_528, %sub3A_530, %div3A_509 : i32
    %jit3A_532 = arith.constant 16 : i32
    %div3A_533 = arith.divsi %select_n3A_531, %jit3A_532 : i32
    %sign3A_534 = arith.constant 0 : i32
    %sign3A_535 = arith.cmpi sgt, %select_n3A_531, %sign3A_534 : i32
    %sign3A_536 = arith.extui %sign3A_535 : i1 to i32
    %sign3A_537 = arith.constant 0 : i32
    %sign3A_538 = arith.cmpi slt, %select_n3A_531, %sign3A_537 : i32
    %sign3A_539 = arith.extui %sign3A_538 : i1 to i32
    %sign3A_540 = arith.subi %sign3A_536, %sign3A_539 : i32
    %sign3A_541 = arith.constant 0 : i32
    %sign3A_542 = arith.cmpi sgt, %jit3A_532, %sign3A_541 : i32
    %sign3A_543 = arith.extui %sign3A_542 : i1 to i32
    %sign3A_544 = arith.constant 0 : i32
    %sign3A_545 = arith.cmpi slt, %jit3A_532, %sign3A_544 : i32
    %sign3A_546 = arith.extui %sign3A_545 : i1 to i32
    %sign3A_547 = arith.subi %sign3A_543, %sign3A_546 : i32
    %ne3A_548 = arith.cmpi ne, %sign3A_540, %sign3A_547 : i32
    %rem3A_549 = arith.remsi %select_n3A_531, %jit3A_532 : i32
    %ne3A_550 = arith.constant 0 : i32
    %ne3A_551 = arith.cmpi ne, %rem3A_549, %ne3A_550 : i32
    %and3A_552 = arith.andi %ne3A_548, %ne3A_551 : i1
    %sub3A_553 = arith.constant 1 : i32
    %sub3A_554 = arith.subi %div3A_533, %sub3A_553 : i32
    %select_n3A_555 = arith.select %and3A_552, %sub3A_554, %div3A_533 : i32
    %jit3A_556 = arith.constant 16 : i32
    %eq3A_557 = arith.constant 0 : i32
    %eq3A_558 = arith.cmpi eq, %jit3A_556, %eq3A_557 : i32
    %jit3A_559 = arith.constant 1 : i32
    %select_n3A_560 = arith.select %eq3A_558, %jit3A_559, %jit3A_556 : i32
    %rem3A_561 = arith.remsi %select_n3A_531, %select_n3A_560 : i32
    %ne3A_562 = arith.constant 0 : i32
    %ne3A_563 = arith.cmpi ne, %rem3A_561, %ne3A_562 : i32
    %lt3A_564 = arith.constant 0 : i32
    %lt3A_565 = arith.cmpi slt, %rem3A_561, %lt3A_564 : i32
    %lt3A_566 = arith.constant 0 : i32
    %lt3A_567 = arith.cmpi slt, %select_n3A_560, %lt3A_566 : i32
    %ne3A_568 = arith.xori %lt3A_565, %lt3A_567 : i1
    %and3A_569 = arith.andi %ne3A_568, %ne3A_563 : i1
    %add3A_570 = arith.addi %rem3A_561, %select_n3A_560 : i32
    %select_n3A_571 = arith.select %and3A_569, %add3A_570, %rem3A_561 : i32
    %mul3A_572 = arith.constant 128 : i32
    %mul3A_573 = arith.muli %select_n3A_571, %mul3A_572 : i32
    %add3A_574 = arith.constant 197 : i32
    %add3A_575 = arith.addi %mul3A_2, %add3A_574 : i32
    %jit3A_576 = arith.constant 2 : i32
    %eq3A_577 = arith.constant 0 : i32
    %eq3A_578 = arith.cmpi eq, %jit3A_576, %eq3A_577 : i32
    %jit3A_579 = arith.constant 1 : i32
    %select_n3A_580 = arith.select %eq3A_578, %jit3A_579, %jit3A_576 : i32
    %rem3A_581 = arith.remsi %add3A_575, %select_n3A_580 : i32
    %ne3A_582 = arith.constant 0 : i32
    %ne3A_583 = arith.cmpi ne, %rem3A_581, %ne3A_582 : i32
    %lt3A_584 = arith.constant 0 : i32
    %lt3A_585 = arith.cmpi slt, %rem3A_581, %lt3A_584 : i32
    %lt3A_586 = arith.constant 0 : i32
    %lt3A_587 = arith.cmpi slt, %select_n3A_580, %lt3A_586 : i32
    %ne3A_588 = arith.xori %lt3A_585, %lt3A_587 : i1
    %and3A_589 = arith.andi %ne3A_588, %ne3A_583 : i1
    %add3A_590 = arith.addi %rem3A_581, %select_n3A_580 : i32
    %select_n3A_591 = arith.select %and3A_589, %add3A_590, %rem3A_581 : i32
    %mul3A_592 = arith.constant 2048 : i32
    %mul3A_593 = arith.muli %select_n3A_591, %mul3A_592 : i32
    %add3A_594 = arith.addi %mul3A_573, %mul3A_593 : i32
    %mul3A_595 = arith.constant 64 : i32
    %mul3A_596 = arith.muli %select_n3A_591, %mul3A_595 : i32
    %dma_wait3A_597 = tpu.memref_slice %arg4[%select_n3A_555, %mul3A_573, %mul3A_596] : memref<200x2048x128xf32, #tpu.memory_space<hbm>> -> memref<1x128x64xf32, #tpu.memory_space<hbm>>
    %dma_wait3A_598 = tpu.memref_squeeze %dma_wait3A_597 : memref<1x128x64xf32, #tpu.memory_space<hbm>> -> memref<128x64xf32, #tpu.memory_space<hbm>>
    %dma_wait3A_599 = tpu.memref_slice %arg4[%select_n3A_555, %mul3A_573, %mul3A_596] : memref<200x2048x128xf32, #tpu.memory_space<hbm>> -> memref<1x128x64xf32, #tpu.memory_space<hbm>>
    %dma_wait3A_600 = tpu.memref_squeeze %dma_wait3A_599 : memref<1x128x64xf32, #tpu.memory_space<hbm>> -> memref<128x64xf32, #tpu.memory_space<hbm>>
    tpu.wait_dma2 semaphore(%arg15 : memref<!tpu.dma_semaphore, #tpu.memory_space<semaphore_mem>>) src(%arg7 : memref<128x64xf32, #tpu.memory_space<vmem>>) dst(%dma_wait3A_600 : memref<128x64xf32, #tpu.memory_space<hbm>>)
    %add3A_601 = arith.constant 198 : i32
    %add3A_602 = arith.addi %mul3A_2, %add3A_601 : i32
    %jit3A_603 = arith.constant 2 : i32
    %div3A_604 = arith.divsi %add3A_602, %jit3A_603 : i32
    %sign3A_605 = arith.constant 0 : i32
    %sign3A_606 = arith.cmpi sgt, %add3A_602, %sign3A_605 : i32
    %sign3A_607 = arith.extui %sign3A_606 : i1 to i32
    %sign3A_608 = arith.constant 0 : i32
    %sign3A_609 = arith.cmpi slt, %add3A_602, %sign3A_608 : i32
    %sign3A_610 = arith.extui %sign3A_609 : i1 to i32
    %sign3A_611 = arith.subi %sign3A_607, %sign3A_610 : i32
    %sign3A_612 = arith.constant 0 : i32
    %sign3A_613 = arith.cmpi sgt, %jit3A_603, %sign3A_612 : i32
    %sign3A_614 = arith.extui %sign3A_613 : i1 to i32
    %sign3A_615 = arith.constant 0 : i32
    %sign3A_616 = arith.cmpi slt, %jit3A_603, %sign3A_615 : i32
    %sign3A_617 = arith.extui %sign3A_616 : i1 to i32
    %sign3A_618 = arith.subi %sign3A_614, %sign3A_617 : i32
    %ne3A_619 = arith.cmpi ne, %sign3A_611, %sign3A_618 : i32
    %rem3A_620 = arith.remsi %add3A_602, %jit3A_603 : i32
    %ne3A_621 = arith.constant 0 : i32
    %ne3A_622 = arith.cmpi ne, %rem3A_620, %ne3A_621 : i32
    %and3A_623 = arith.andi %ne3A_619, %ne3A_622 : i1
    %sub3A_624 = arith.constant 1 : i32
    %sub3A_625 = arith.subi %div3A_604, %sub3A_624 : i32
    %select_n3A_626 = arith.select %and3A_623, %sub3A_625, %div3A_604 : i32
    %jit3A_627 = arith.constant 16 : i32
    %div3A_628 = arith.divsi %select_n3A_626, %jit3A_627 : i32
    %sign3A_629 = arith.constant 0 : i32
    %sign3A_630 = arith.cmpi sgt, %select_n3A_626, %sign3A_629 : i32
    %sign3A_631 = arith.extui %sign3A_630 : i1 to i32
    %sign3A_632 = arith.constant 0 : i32
    %sign3A_633 = arith.cmpi slt, %select_n3A_626, %sign3A_632 : i32
    %sign3A_634 = arith.extui %sign3A_633 : i1 to i32
    %sign3A_635 = arith.subi %sign3A_631, %sign3A_634 : i32
    %sign3A_636 = arith.constant 0 : i32
    %sign3A_637 = arith.cmpi sgt, %jit3A_627, %sign3A_636 : i32
    %sign3A_638 = arith.extui %sign3A_637 : i1 to i32
    %sign3A_639 = arith.constant 0 : i32
    %sign3A_640 = arith.cmpi slt, %jit3A_627, %sign3A_639 : i32
    %sign3A_641 = arith.extui %sign3A_640 : i1 to i32
    %sign3A_642 = arith.subi %sign3A_638, %sign3A_641 : i32
    %ne3A_643 = arith.cmpi ne, %sign3A_635, %sign3A_642 : i32
    %rem3A_644 = arith.remsi %select_n3A_626, %jit3A_627 : i32
    %ne3A_645 = arith.constant 0 : i32
    %ne3A_646 = arith.cmpi ne, %rem3A_644, %ne3A_645 : i32
    %and3A_647 = arith.andi %ne3A_643, %ne3A_646 : i1
    %sub3A_648 = arith.constant 1 : i32
    %sub3A_649 = arith.subi %div3A_628, %sub3A_648 : i32
    %select_n3A_650 = arith.select %and3A_647, %sub3A_649, %div3A_628 : i32
    %jit3A_651 = arith.constant 16 : i32
    %eq3A_652 = arith.constant 0 : i32
    %eq3A_653 = arith.cmpi eq, %jit3A_651, %eq3A_652 : i32
    %jit3A_654 = arith.constant 1 : i32
    %select_n3A_655 = arith.select %eq3A_653, %jit3A_654, %jit3A_651 : i32
    %rem3A_656 = arith.remsi %select_n3A_626, %select_n3A_655 : i32
    %ne3A_657 = arith.constant 0 : i32
    %ne3A_658 = arith.cmpi ne, %rem3A_656, %ne3A_657 : i32
    %lt3A_659 = arith.constant 0 : i32
    %lt3A_660 = arith.cmpi slt, %rem3A_656, %lt3A_659 : i32
    %lt3A_661 = arith.constant 0 : i32
    %lt3A_662 = arith.cmpi slt, %select_n3A_655, %lt3A_661 : i32
    %ne3A_663 = arith.xori %lt3A_660, %lt3A_662 : i1
    %and3A_664 = arith.andi %ne3A_663, %ne3A_658 : i1
    %add3A_665 = arith.addi %rem3A_656, %select_n3A_655 : i32
    %select_n3A_666 = arith.select %and3A_664, %add3A_665, %rem3A_656 : i32
    %mul3A_667 = arith.constant 128 : i32
    %mul3A_668 = arith.muli %select_n3A_666, %mul3A_667 : i32
    %add3A_669 = arith.constant 198 : i32
    %add3A_670 = arith.addi %mul3A_2, %add3A_669 : i32
    %jit3A_671 = arith.constant 2 : i32
    %eq3A_672 = arith.constant 0 : i32
    %eq3A_673 = arith.cmpi eq, %jit3A_671, %eq3A_672 : i32
    %jit3A_674 = arith.constant 1 : i32
    %select_n3A_675 = arith.select %eq3A_673, %jit3A_674, %jit3A_671 : i32
    %rem3A_676 = arith.remsi %add3A_670, %select_n3A_675 : i32
    %ne3A_677 = arith.constant 0 : i32
    %ne3A_678 = arith.cmpi ne, %rem3A_676, %ne3A_677 : i32
    %lt3A_679 = arith.constant 0 : i32
    %lt3A_680 = arith.cmpi slt, %rem3A_676, %lt3A_679 : i32
    %lt3A_681 = arith.constant 0 : i32
    %lt3A_682 = arith.cmpi slt, %select_n3A_675, %lt3A_681 : i32
    %ne3A_683 = arith.xori %lt3A_680, %lt3A_682 : i1
    %and3A_684 = arith.andi %ne3A_683, %ne3A_678 : i1
    %add3A_685 = arith.addi %rem3A_676, %select_n3A_675 : i32
    %select_n3A_686 = arith.select %and3A_684, %add3A_685, %rem3A_676 : i32
    %mul3A_687 = arith.constant 2048 : i32
    %mul3A_688 = arith.muli %select_n3A_686, %mul3A_687 : i32
    %add3A_689 = arith.addi %mul3A_668, %mul3A_688 : i32
    %mul3A_690 = arith.constant 64 : i32
    %mul3A_691 = arith.muli %select_n3A_686, %mul3A_690 : i32
    %dma_wait3A_692 = tpu.memref_slice %arg4[%select_n3A_650, %mul3A_668, %mul3A_691] : memref<200x2048x128xf32, #tpu.memory_space<hbm>> -> memref<1x128x64xf32, #tpu.memory_space<hbm>>
    %dma_wait3A_693 = tpu.memref_squeeze %dma_wait3A_692 : memref<1x128x64xf32, #tpu.memory_space<hbm>> -> memref<128x64xf32, #tpu.memory_space<hbm>>
    %dma_wait3A_694 = tpu.memref_slice %arg4[%select_n3A_650, %mul3A_668, %mul3A_691] : memref<200x2048x128xf32, #tpu.memory_space<hbm>> -> memref<1x128x64xf32, #tpu.memory_space<hbm>>
    %dma_wait3A_695 = tpu.memref_squeeze %dma_wait3A_694 : memref<1x128x64xf32, #tpu.memory_space<hbm>> -> memref<128x64xf32, #tpu.memory_space<hbm>>
    tpu.wait_dma2 semaphore(%arg16 : memref<!tpu.dma_semaphore, #tpu.memory_space<semaphore_mem>>) src(%arg8 : memref<128x64xf32, #tpu.memory_space<vmem>>) dst(%dma_wait3A_695 : memref<128x64xf32, #tpu.memory_space<hbm>>)
    %add3A_696 = arith.constant 199 : i32
    %add3A_697 = arith.addi %mul3A_2, %add3A_696 : i32
    %jit3A_698 = arith.constant 2 : i32
    %div3A_699 = arith.divsi %add3A_697, %jit3A_698 : i32
    %sign3A_700 = arith.constant 0 : i32
    %sign3A_701 = arith.cmpi sgt, %add3A_697, %sign3A_700 : i32
    %sign3A_702 = arith.extui %sign3A_701 : i1 to i32
    %sign3A_703 = arith.constant 0 : i32
    %sign3A_704 = arith.cmpi slt, %add3A_697, %sign3A_703 : i32
    %sign3A_705 = arith.extui %sign3A_704 : i1 to i32
    %sign3A_706 = arith.subi %sign3A_702, %sign3A_705 : i32
    %sign3A_707 = arith.constant 0 : i32
    %sign3A_708 = arith.cmpi sgt, %jit3A_698, %sign3A_707 : i32
    %sign3A_709 = arith.extui %sign3A_708 : i1 to i32
    %sign3A_710 = arith.constant 0 : i32
    %sign3A_711 = arith.cmpi slt, %jit3A_698, %sign3A_710 : i32
    %sign3A_712 = arith.extui %sign3A_711 : i1 to i32
    %sign3A_713 = arith.subi %sign3A_709, %sign3A_712 : i32
    %ne3A_714 = arith.cmpi ne, %sign3A_706, %sign3A_713 : i32
    %rem3A_715 = arith.remsi %add3A_697, %jit3A_698 : i32
    %ne3A_716 = arith.constant 0 : i32
    %ne3A_717 = arith.cmpi ne, %rem3A_715, %ne3A_716 : i32
    %and3A_718 = arith.andi %ne3A_714, %ne3A_717 : i1
    %sub3A_719 = arith.constant 1 : i32
    %sub3A_720 = arith.subi %div3A_699, %sub3A_719 : i32
    %select_n3A_721 = arith.select %and3A_718, %sub3A_720, %div3A_699 : i32
    %jit3A_722 = arith.constant 16 : i32
    %div3A_723 = arith.divsi %select_n3A_721, %jit3A_722 : i32
    %sign3A_724 = arith.constant 0 : i32
    %sign3A_725 = arith.cmpi sgt, %select_n3A_721, %sign3A_724 : i32
    %sign3A_726 = arith.extui %sign3A_725 : i1 to i32
    %sign3A_727 = arith.constant 0 : i32
    %sign3A_728 = arith.cmpi slt, %select_n3A_721, %sign3A_727 : i32
    %sign3A_729 = arith.extui %sign3A_728 : i1 to i32
    %sign3A_730 = arith.subi %sign3A_726, %sign3A_729 : i32
    %sign3A_731 = arith.constant 0 : i32
    %sign3A_732 = arith.cmpi sgt, %jit3A_722, %sign3A_731 : i32
    %sign3A_733 = arith.extui %sign3A_732 : i1 to i32
    %sign3A_734 = arith.constant 0 : i32
    %sign3A_735 = arith.cmpi slt, %jit3A_722, %sign3A_734 : i32
    %sign3A_736 = arith.extui %sign3A_735 : i1 to i32
    %sign3A_737 = arith.subi %sign3A_733, %sign3A_736 : i32
    %ne3A_738 = arith.cmpi ne, %sign3A_730, %sign3A_737 : i32
    %rem3A_739 = arith.remsi %select_n3A_721, %jit3A_722 : i32
    %ne3A_740 = arith.constant 0 : i32
    %ne3A_741 = arith.cmpi ne, %rem3A_739, %ne3A_740 : i32
    %and3A_742 = arith.andi %ne3A_738, %ne3A_741 : i1
    %sub3A_743 = arith.constant 1 : i32
    %sub3A_744 = arith.subi %div3A_723, %sub3A_743 : i32
    %select_n3A_745 = arith.select %and3A_742, %sub3A_744, %div3A_723 : i32
    %jit3A_746 = arith.constant 16 : i32
    %eq3A_747 = arith.constant 0 : i32
    %eq3A_748 = arith.cmpi eq, %jit3A_746, %eq3A_747 : i32
    %jit3A_749 = arith.constant 1 : i32
    %select_n3A_750 = arith.select %eq3A_748, %jit3A_749, %jit3A_746 : i32
    %rem3A_751 = arith.remsi %select_n3A_721, %select_n3A_750 : i32
    %ne3A_752 = arith.constant 0 : i32
    %ne3A_753 = arith.cmpi ne, %rem3A_751, %ne3A_752 : i32
    %lt3A_754 = arith.constant 0 : i32
    %lt3A_755 = arith.cmpi slt, %rem3A_751, %lt3A_754 : i32
    %lt3A_756 = arith.constant 0 : i32
    %lt3A_757 = arith.cmpi slt, %select_n3A_750, %lt3A_756 : i32
    %ne3A_758 = arith.xori %lt3A_755, %lt3A_757 : i1
    %and3A_759 = arith.andi %ne3A_758, %ne3A_753 : i1
    %add3A_760 = arith.addi %rem3A_751, %select_n3A_750 : i32
    %select_n3A_761 = arith.select %and3A_759, %add3A_760, %rem3A_751 : i32
    %mul3A_762 = arith.constant 128 : i32
    %mul3A_763 = arith.muli %select_n3A_761, %mul3A_762 : i32
    %add3A_764 = arith.constant 199 : i32
    %add3A_765 = arith.addi %mul3A_2, %add3A_764 : i32
    %jit3A_766 = arith.constant 2 : i32
    %eq3A_767 = arith.constant 0 : i32
    %eq3A_768 = arith.cmpi eq, %jit3A_766, %eq3A_767 : i32
    %jit3A_769 = arith.constant 1 : i32
    %select_n3A_770 = arith.select %eq3A_768, %jit3A_769, %jit3A_766 : i32
    %rem3A_771 = arith.remsi %add3A_765, %select_n3A_770 : i32
    %ne3A_772 = arith.constant 0 : i32
    %ne3A_773 = arith.cmpi ne, %rem3A_771, %ne3A_772 : i32
    %lt3A_774 = arith.constant 0 : i32
    %lt3A_775 = arith.cmpi slt, %rem3A_771, %lt3A_774 : i32
    %lt3A_776 = arith.constant 0 : i32
    %lt3A_777 = arith.cmpi slt, %select_n3A_770, %lt3A_776 : i32
    %ne3A_778 = arith.xori %lt3A_775, %lt3A_777 : i1
    %and3A_779 = arith.andi %ne3A_778, %ne3A_773 : i1
    %add3A_780 = arith.addi %rem3A_771, %select_n3A_770 : i32
    %select_n3A_781 = arith.select %and3A_779, %add3A_780, %rem3A_771 : i32
    %mul3A_782 = arith.constant 2048 : i32
    %mul3A_783 = arith.muli %select_n3A_781, %mul3A_782 : i32
    %add3A_784 = arith.addi %mul3A_763, %mul3A_783 : i32
    %mul3A_785 = arith.constant 64 : i32
    %mul3A_786 = arith.muli %select_n3A_781, %mul3A_785 : i32
    %dma_wait3A_787 = tpu.memref_slice %arg4[%select_n3A_745, %mul3A_763, %mul3A_786] : memref<200x2048x128xf32, #tpu.memory_space<hbm>> -> memref<1x128x64xf32, #tpu.memory_space<hbm>>
    %dma_wait3A_788 = tpu.memref_squeeze %dma_wait3A_787 : memref<1x128x64xf32, #tpu.memory_space<hbm>> -> memref<128x64xf32, #tpu.memory_space<hbm>>
    %dma_wait3A_789 = tpu.memref_slice %arg4[%select_n3A_745, %mul3A_763, %mul3A_786] : memref<200x2048x128xf32, #tpu.memory_space<hbm>> -> memref<1x128x64xf32, #tpu.memory_space<hbm>>
    %dma_wait3A_790 = tpu.memref_squeeze %dma_wait3A_789 : memref<1x128x64xf32, #tpu.memory_space<hbm>> -> memref<128x64xf32, #tpu.memory_space<hbm>>
    tpu.wait_dma2 semaphore(%arg17 : memref<!tpu.dma_semaphore, #tpu.memory_space<semaphore_mem>>) src(%arg9 : memref<128x64xf32, #tpu.memory_space<vmem>>) dst(%dma_wait3A_790 : memref<128x64xf32, #tpu.memory_space<hbm>>)
    return
  }
}

module attributes {stable_mosaic.version = 14 : i64} {
  func.func @_permute_body(%arg0: memref<4096x256xi32, #tpu.memory_space<vmem>>, %arg1: memref<200x4096xi32, #tpu.memory_space<vmem>>, %arg2: memref<1x4096xf32, #tpu.memory_space<vmem>>, %arg3: memref<4096x1xf32, #tpu.memory_space<vmem>>) attributes {dimension_semantics = [], scalar_prefetch = 0 : i64, scratch_operands = 2 : i64, tpu.core_type = #tpu.core_type<tc>} {
    %get3A = arith.constant 0 : index
    %get3A_0 = arith.constant 0 : index
    %get3A_1 = vector.load %arg0[%get3A, %get3A_0] : memref<4096x256xi32, #tpu.memory_space<vmem>>, vector<4096x256xi32>
    %gt3A = arith.constant 0 : i32
    %gt3A_2 = vector.broadcast %gt3A : i32 to vector<4096x256xi32>
    %gt3A_3 = arith.cmpi sgt, %get3A_1, %gt3A_2 : vector<4096x256xi32>
    %convert_element_type3A = arith.extui %gt3A_3 : vector<4096x256xi1> to vector<4096x256xi32>
    %convert_element_type3A_4 = arith.sitofp %convert_element_type3A : vector<4096x256xi32> to vector<4096x256xf32>
    %reduce_sum3A = arith.constant dense<0.000000e+00> : vector<4096xf32>
    %reduce_sum3A_5 = vector.multi_reduction <add>, %convert_element_type3A_4, %reduce_sum3A [1] : vector<4096x256xf32> to vector<4096xf32>
    %broadcast_in_dim3A = vector.shape_cast %reduce_sum3A_5 : vector<4096xf32> to vector<4096x1xf32>
    %iota3A = tpu.iota {dimensions = array<i32: 0>} : vector<512x512xi32>
    %iota3A_6 = tpu.iota {dimensions = array<i32: 1>} : vector<512x512xi32>
    %eq3A = arith.cmpi eq, %iota3A, %iota3A_6 : vector<512x512xi32>
    %convert_element_type3A_7 = arith.extui %eq3A : vector<512x512xi1> to vector<512x512xi32>
    %convert_element_type3A_8 = arith.sitofp %convert_element_type3A_7 : vector<512x512xi32> to vector<512x512xf32>
    %slice3A = vector.extract_strided_slice %broadcast_in_dim3A {offsets = [0, 0], sizes = [512, 1], strides = [1, 1]} : vector<4096x1xf32> to vector<512x1xf32>
    %dot_general3A = arith.constant dense<0.000000e+00> : vector<1x512xf32>
    %dot_general3A_9 = tpu.matmul %slice3A, %convert_element_type3A_8, %dot_general3A {dimension_numbers = #tpu.dot_dimension_numbers<[0], [0], [1], [1], [0, 1, 1, 1], [], []>, transpose_lhs_hint = false} : vector<512x1xf32>, vector<512x512xf32>, vector<1x512xf32> -> vector<1x512xf32>
    %swap3A = arith.constant 0 : index
    %swap3A_10 = arith.constant 0 : index
    %swap3A_11 = vector.load %arg2[%swap3A, %swap3A_10] : memref<1x4096xf32, #tpu.memory_space<vmem>>, vector<1x512xf32>
    tpu.vector_store %arg2[%swap3A, %swap3A_10], %dot_general3A_9 {strides = array<i32>} : memref<1x4096xf32, #tpu.memory_space<vmem>>, vector<1x512xf32>,
    %slice3A_12 = vector.extract_strided_slice %broadcast_in_dim3A {offsets = [512, 0], sizes = [512, 1], strides = [1, 1]} : vector<4096x1xf32> to vector<512x1xf32>
    %dot_general3A_13 = arith.constant dense<0.000000e+00> : vector<1x512xf32>
    %dot_general3A_14 = tpu.matmul %slice3A_12, %convert_element_type3A_8, %dot_general3A_13 {dimension_numbers = #tpu.dot_dimension_numbers<[0], [0], [1], [1], [0, 1, 1, 1], [], []>, transpose_lhs_hint = false} : vector<512x1xf32>, vector<512x512xf32>, vector<1x512xf32> -> vector<1x512xf32>
    %swap3A_15 = arith.constant 0 : index
    %swap3A_16 = arith.constant 512 : index
    %swap3A_17 = vector.load %arg2[%swap3A_15, %swap3A_16] : memref<1x4096xf32, #tpu.memory_space<vmem>>, vector<1x512xf32>
    tpu.vector_store %arg2[%swap3A_15, %swap3A_16], %dot_general3A_14 {strides = array<i32>} : memref<1x4096xf32, #tpu.memory_space<vmem>>, vector<1x512xf32>,
    %slice3A_18 = vector.extract_strided_slice %broadcast_in_dim3A {offsets = [1024, 0], sizes = [512, 1], strides = [1, 1]} : vector<4096x1xf32> to vector<512x1xf32>
    %dot_general3A_19 = arith.constant dense<0.000000e+00> : vector<1x512xf32>
    %dot_general3A_20 = tpu.matmul %slice3A_18, %convert_element_type3A_8, %dot_general3A_19 {dimension_numbers = #tpu.dot_dimension_numbers<[0], [0], [1], [1], [0, 1, 1, 1], [], []>, transpose_lhs_hint = false} : vector<512x1xf32>, vector<512x512xf32>, vector<1x512xf32> -> vector<1x512xf32>
    %swap3A_21 = arith.constant 0 : index
    %swap3A_22 = arith.constant 1024 : index
    %swap3A_23 = vector.load %arg2[%swap3A_21, %swap3A_22] : memref<1x4096xf32, #tpu.memory_space<vmem>>, vector<1x512xf32>
    tpu.vector_store %arg2[%swap3A_21, %swap3A_22], %dot_general3A_20 {strides = array<i32>} : memref<1x4096xf32, #tpu.memory_space<vmem>>, vector<1x512xf32>,
    %slice3A_24 = vector.extract_strided_slice %broadcast_in_dim3A {offsets = [1536, 0], sizes = [512, 1], strides = [1, 1]} : vector<4096x1xf32> to vector<512x1xf32>
    %dot_general3A_25 = arith.constant dense<0.000000e+00> : vector<1x512xf32>
    %dot_general3A_26 = tpu.matmul %slice3A_24, %convert_element_type3A_8, %dot_general3A_25 {dimension_numbers = #tpu.dot_dimension_numbers<[0], [0], [1], [1], [0, 1, 1, 1], [], []>, transpose_lhs_hint = false} : vector<512x1xf32>, vector<512x512xf32>, vector<1x512xf32> -> vector<1x512xf32>
    %swap3A_27 = arith.constant 0 : index
    %swap3A_28 = arith.constant 1536 : index
    %swap3A_29 = vector.load %arg2[%swap3A_27, %swap3A_28] : memref<1x4096xf32, #tpu.memory_space<vmem>>, vector<1x512xf32>
    tpu.vector_store %arg2[%swap3A_27, %swap3A_28], %dot_general3A_26 {strides = array<i32>} : memref<1x4096xf32, #tpu.memory_space<vmem>>, vector<1x512xf32>,
    %slice3A_30 = vector.extract_strided_slice %broadcast_in_dim3A {offsets = [2048, 0], sizes = [512, 1], strides = [1, 1]} : vector<4096x1xf32> to vector<512x1xf32>
    %dot_general3A_31 = arith.constant dense<0.000000e+00> : vector<1x512xf32>
    %dot_general3A_32 = tpu.matmul %slice3A_30, %convert_element_type3A_8, %dot_general3A_31 {dimension_numbers = #tpu.dot_dimension_numbers<[0], [0], [1], [1], [0, 1, 1, 1], [], []>, transpose_lhs_hint = false} : vector<512x1xf32>, vector<512x512xf32>, vector<1x512xf32> -> vector<1x512xf32>
    %swap3A_33 = arith.constant 0 : index
    %swap3A_34 = arith.constant 2048 : index
    %swap3A_35 = vector.load %arg2[%swap3A_33, %swap3A_34] : memref<1x4096xf32, #tpu.memory_space<vmem>>, vector<1x512xf32>
    tpu.vector_store %arg2[%swap3A_33, %swap3A_34], %dot_general3A_32 {strides = array<i32>} : memref<1x4096xf32, #tpu.memory_space<vmem>>, vector<1x512xf32>,
    %slice3A_36 = vector.extract_strided_slice %broadcast_in_dim3A {offsets = [2560, 0], sizes = [512, 1], strides = [1, 1]} : vector<4096x1xf32> to vector<512x1xf32>
    %dot_general3A_37 = arith.constant dense<0.000000e+00> : vector<1x512xf32>
    %dot_general3A_38 = tpu.matmul %slice3A_36, %convert_element_type3A_8, %dot_general3A_37 {dimension_numbers = #tpu.dot_dimension_numbers<[0], [0], [1], [1], [0, 1, 1, 1], [], []>, transpose_lhs_hint = false} : vector<512x1xf32>, vector<512x512xf32>, vector<1x512xf32> -> vector<1x512xf32>
    %swap3A_39 = arith.constant 0 : index
    %swap3A_40 = arith.constant 2560 : index
    %swap3A_41 = vector.load %arg2[%swap3A_39, %swap3A_40] : memref<1x4096xf32, #tpu.memory_space<vmem>>, vector<1x512xf32>
    tpu.vector_store %arg2[%swap3A_39, %swap3A_40], %dot_general3A_38 {strides = array<i32>} : memref<1x4096xf32, #tpu.memory_space<vmem>>, vector<1x512xf32>,
    %slice3A_42 = vector.extract_strided_slice %broadcast_in_dim3A {offsets = [3072, 0], sizes = [512, 1], strides = [1, 1]} : vector<4096x1xf32> to vector<512x1xf32>
    %dot_general3A_43 = arith.constant dense<0.000000e+00> : vector<1x512xf32>
    %dot_general3A_44 = tpu.matmul %slice3A_42, %convert_element_type3A_8, %dot_general3A_43 {dimension_numbers = #tpu.dot_dimension_numbers<[0], [0], [1], [1], [0, 1, 1, 1], [], []>, transpose_lhs_hint = false} : vector<512x1xf32>, vector<512x512xf32>, vector<1x512xf32> -> vector<1x512xf32>
    %swap3A_45 = arith.constant 0 : index
    %swap3A_46 = arith.constant 3072 : index
    %swap3A_47 = vector.load %arg2[%swap3A_45, %swap3A_46] : memref<1x4096xf32, #tpu.memory_space<vmem>>, vector<1x512xf32>
    tpu.vector_store %arg2[%swap3A_45, %swap3A_46], %dot_general3A_44 {strides = array<i32>} : memref<1x4096xf32, #tpu.memory_space<vmem>>, vector<1x512xf32>,
    %slice3A_48 = vector.extract_strided_slice %broadcast_in_dim3A {offsets = [3584, 0], sizes = [512, 1], strides = [1, 1]} : vector<4096x1xf32> to vector<512x1xf32>
    %dot_general3A_49 = arith.constant dense<0.000000e+00> : vector<1x512xf32>
    %dot_general3A_50 = tpu.matmul %slice3A_48, %convert_element_type3A_8, %dot_general3A_49 {dimension_numbers = #tpu.dot_dimension_numbers<[0], [0], [1], [1], [0, 1, 1, 1], [], []>, transpose_lhs_hint = false} : vector<512x1xf32>, vector<512x512xf32>, vector<1x512xf32> -> vector<1x512xf32>
    %swap3A_51 = arith.constant 0 : index
    %swap3A_52 = arith.constant 3584 : index
    %swap3A_53 = vector.load %arg2[%swap3A_51, %swap3A_52] : memref<1x4096xf32, #tpu.memory_space<vmem>>, vector<1x512xf32>
    tpu.vector_store %arg2[%swap3A_51, %swap3A_52], %dot_general3A_50 {strides = array<i32>} : memref<1x4096xf32, #tpu.memory_space<vmem>>, vector<1x512xf32>,
    %get3A_54 = arith.constant 0 : index
    %get3A_55 = arith.constant 0 : index
    %get3A_56 = vector.load %arg2[%get3A_54, %get3A_55] : memref<1x4096xf32, #tpu.memory_space<vmem>>, vector<1x4096xf32>
    %iota3A_57 = tpu.iota {dimensions = array<i32: 1>} : vector<512x4096xi32>
    %iota3A_58 = tpu.iota {dimensions = array<i32: 0>} : vector<512x4096xi32>
    %slice3A_59 = vector.extract_strided_slice %broadcast_in_dim3A {offsets = [0, 0], sizes = [512, 1], strides = [1, 1]} : vector<4096x1xf32> to vector<512x1xf32>
    %add3A = arith.constant 0 : i32
    %add3A_60 = vector.broadcast %add3A : i32 to vector<512x4096xi32>
    %add3A_61 = arith.addi %iota3A_58, %add3A_60 : vector<512x4096xi32>
    %gt3A_62 = vector.broadcast %get3A_56 : vector<1x4096xf32> to vector<512x4096xf32>
    %gt3A_63 = vector.broadcast %slice3A_59 : vector<512x1xf32> to vector<512x4096xf32>
    %gt3A_64 = arith.cmpf ogt, %gt3A_62, %gt3A_63 : vector<512x4096xf32>
    %convert_element_type3A_65 = arith.extui %gt3A_64 : vector<512x4096xi1> to vector<512x4096xi32>
    %convert_element_type3A_66 = arith.sitofp %convert_element_type3A_65 : vector<512x4096xi32> to vector<512x4096xf32>
    %eq3A_67 = vector.broadcast %get3A_56 : vector<1x4096xf32> to vector<512x4096xf32>
    %eq3A_68 = vector.broadcast %slice3A_59 : vector<512x1xf32> to vector<512x4096xf32>
    %eq3A_69 = arith.cmpf oeq, %eq3A_67, %eq3A_68 : vector<512x4096xf32>
    %lt3A = arith.cmpi slt, %iota3A_57, %add3A_61 : vector<512x4096xi32>
    %and3A = arith.andi %eq3A_69, %lt3A : vector<512x4096xi1>
    %convert_element_type3A_70 = arith.extui %and3A : vector<512x4096xi1> to vector<512x4096xi32>
    %convert_element_type3A_71 = arith.sitofp %convert_element_type3A_70 : vector<512x4096xi32> to vector<512x4096xf32>
    %add3A_72 = arith.addf %convert_element_type3A_66, %convert_element_type3A_71 : vector<512x4096xf32>
    %reduce_sum3A_73 = arith.constant dense<0.000000e+00> : vector<512xf32>
    %reduce_sum3A_74 = vector.multi_reduction <add>, %add3A_72, %reduce_sum3A_73 [1] : vector<512x4096xf32> to vector<512xf32>
    %broadcast_in_dim3A_75 = vector.shape_cast %reduce_sum3A_74 : vector<512xf32> to vector<512x1xf32>
    %swap3A_76 = arith.constant 0 : index
    %swap3A_77 = arith.constant 0 : index
    %swap3A_78 = vector.load %arg3[%swap3A_76, %swap3A_77] : memref<4096x1xf32, #tpu.memory_space<vmem>>, vector<512x1xf32>
    tpu.vector_store %arg3[%swap3A_76, %swap3A_77], %broadcast_in_dim3A_75 {strides = array<i32>} : memref<4096x1xf32, #tpu.memory_space<vmem>>, vector<512x1xf32>,
    %slice3A_79 = vector.extract_strided_slice %broadcast_in_dim3A {offsets = [512, 0], sizes = [512, 1], strides = [1, 1]} : vector<4096x1xf32> to vector<512x1xf32>
    %add3A_80 = arith.constant 512 : i32
    %add3A_81 = vector.broadcast %add3A_80 : i32 to vector<512x4096xi32>
    %add3A_82 = arith.addi %iota3A_58, %add3A_81 : vector<512x4096xi32>
    %gt3A_83 = vector.broadcast %get3A_56 : vector<1x4096xf32> to vector<512x4096xf32>
    %gt3A_84 = vector.broadcast %slice3A_79 : vector<512x1xf32> to vector<512x4096xf32>
    %gt3A_85 = arith.cmpf ogt, %gt3A_83, %gt3A_84 : vector<512x4096xf32>
    %convert_element_type3A_86 = arith.extui %gt3A_85 : vector<512x4096xi1> to vector<512x4096xi32>
    %convert_element_type3A_87 = arith.sitofp %convert_element_type3A_86 : vector<512x4096xi32> to vector<512x4096xf32>
    %eq3A_88 = vector.broadcast %get3A_56 : vector<1x4096xf32> to vector<512x4096xf32>
    %eq3A_89 = vector.broadcast %slice3A_79 : vector<512x1xf32> to vector<512x4096xf32>
    %eq3A_90 = arith.cmpf oeq, %eq3A_88, %eq3A_89 : vector<512x4096xf32>
    %lt3A_91 = arith.cmpi slt, %iota3A_57, %add3A_82 : vector<512x4096xi32>
    %and3A_92 = arith.andi %eq3A_90, %lt3A_91 : vector<512x4096xi1>
    %convert_element_type3A_93 = arith.extui %and3A_92 : vector<512x4096xi1> to vector<512x4096xi32>
    %convert_element_type3A_94 = arith.sitofp %convert_element_type3A_93 : vector<512x4096xi32> to vector<512x4096xf32>
    %add3A_95 = arith.addf %convert_element_type3A_87, %convert_element_type3A_94 : vector<512x4096xf32>
    %reduce_sum3A_96 = arith.constant dense<0.000000e+00> : vector<512xf32>
    %reduce_sum3A_97 = vector.multi_reduction <add>, %add3A_95, %reduce_sum3A_96 [1] : vector<512x4096xf32> to vector<512xf32>
    %broadcast_in_dim3A_98 = vector.shape_cast %reduce_sum3A_97 : vector<512xf32> to vector<512x1xf32>
    %swap3A_99 = arith.constant 512 : index
    %swap3A_100 = arith.constant 0 : index
    %swap3A_101 = vector.load %arg3[%swap3A_99, %swap3A_100] : memref<4096x1xf32, #tpu.memory_space<vmem>>, vector<512x1xf32>
    tpu.vector_store %arg3[%swap3A_99, %swap3A_100], %broadcast_in_dim3A_98 {strides = array<i32>} : memref<4096x1xf32, #tpu.memory_space<vmem>>, vector<512x1xf32>,
    %slice3A_102 = vector.extract_strided_slice %broadcast_in_dim3A {offsets = [1024, 0], sizes = [512, 1], strides = [1, 1]} : vector<4096x1xf32> to vector<512x1xf32>
    %add3A_103 = arith.constant 1024 : i32
    %add3A_104 = vector.broadcast %add3A_103 : i32 to vector<512x4096xi32>
    %add3A_105 = arith.addi %iota3A_58, %add3A_104 : vector<512x4096xi32>
    %gt3A_106 = vector.broadcast %get3A_56 : vector<1x4096xf32> to vector<512x4096xf32>
    %gt3A_107 = vector.broadcast %slice3A_102 : vector<512x1xf32> to vector<512x4096xf32>
    %gt3A_108 = arith.cmpf ogt, %gt3A_106, %gt3A_107 : vector<512x4096xf32>
    %convert_element_type3A_109 = arith.extui %gt3A_108 : vector<512x4096xi1> to vector<512x4096xi32>
    %convert_element_type3A_110 = arith.sitofp %convert_element_type3A_109 : vector<512x4096xi32> to vector<512x4096xf32>
    %eq3A_111 = vector.broadcast %get3A_56 : vector<1x4096xf32> to vector<512x4096xf32>
    %eq3A_112 = vector.broadcast %slice3A_102 : vector<512x1xf32> to vector<512x4096xf32>
    %eq3A_113 = arith.cmpf oeq, %eq3A_111, %eq3A_112 : vector<512x4096xf32>
    %lt3A_114 = arith.cmpi slt, %iota3A_57, %add3A_105 : vector<512x4096xi32>
    %and3A_115 = arith.andi %eq3A_113, %lt3A_114 : vector<512x4096xi1>
    %convert_element_type3A_116 = arith.extui %and3A_115 : vector<512x4096xi1> to vector<512x4096xi32>
    %convert_element_type3A_117 = arith.sitofp %convert_element_type3A_116 : vector<512x4096xi32> to vector<512x4096xf32>
    %add3A_118 = arith.addf %convert_element_type3A_110, %convert_element_type3A_117 : vector<512x4096xf32>
    %reduce_sum3A_119 = arith.constant dense<0.000000e+00> : vector<512xf32>
    %reduce_sum3A_120 = vector.multi_reduction <add>, %add3A_118, %reduce_sum3A_119 [1] : vector<512x4096xf32> to vector<512xf32>
    %broadcast_in_dim3A_121 = vector.shape_cast %reduce_sum3A_120 : vector<512xf32> to vector<512x1xf32>
    %swap3A_122 = arith.constant 1024 : index
    %swap3A_123 = arith.constant 0 : index
    %swap3A_124 = vector.load %arg3[%swap3A_122, %swap3A_123] : memref<4096x1xf32, #tpu.memory_space<vmem>>, vector<512x1xf32>
    tpu.vector_store %arg3[%swap3A_122, %swap3A_123], %broadcast_in_dim3A_121 {strides = array<i32>} : memref<4096x1xf32, #tpu.memory_space<vmem>>, vector<512x1xf32>,
    %slice3A_125 = vector.extract_strided_slice %broadcast_in_dim3A {offsets = [1536, 0], sizes = [512, 1], strides = [1, 1]} : vector<4096x1xf32> to vector<512x1xf32>
    %add3A_126 = arith.constant 1536 : i32
    %add3A_127 = vector.broadcast %add3A_126 : i32 to vector<512x4096xi32>
    %add3A_128 = arith.addi %iota3A_58, %add3A_127 : vector<512x4096xi32>
    %gt3A_129 = vector.broadcast %get3A_56 : vector<1x4096xf32> to vector<512x4096xf32>
    %gt3A_130 = vector.broadcast %slice3A_125 : vector<512x1xf32> to vector<512x4096xf32>
    %gt3A_131 = arith.cmpf ogt, %gt3A_129, %gt3A_130 : vector<512x4096xf32>
    %convert_element_type3A_132 = arith.extui %gt3A_131 : vector<512x4096xi1> to vector<512x4096xi32>
    %convert_element_type3A_133 = arith.sitofp %convert_element_type3A_132 : vector<512x4096xi32> to vector<512x4096xf32>
    %eq3A_134 = vector.broadcast %get3A_56 : vector<1x4096xf32> to vector<512x4096xf32>
    %eq3A_135 = vector.broadcast %slice3A_125 : vector<512x1xf32> to vector<512x4096xf32>
    %eq3A_136 = arith.cmpf oeq, %eq3A_134, %eq3A_135 : vector<512x4096xf32>
    %lt3A_137 = arith.cmpi slt, %iota3A_57, %add3A_128 : vector<512x4096xi32>
    %and3A_138 = arith.andi %eq3A_136, %lt3A_137 : vector<512x4096xi1>
    %convert_element_type3A_139 = arith.extui %and3A_138 : vector<512x4096xi1> to vector<512x4096xi32>
    %convert_element_type3A_140 = arith.sitofp %convert_element_type3A_139 : vector<512x4096xi32> to vector<512x4096xf32>
    %add3A_141 = arith.addf %convert_element_type3A_133, %convert_element_type3A_140 : vector<512x4096xf32>
    %reduce_sum3A_142 = arith.constant dense<0.000000e+00> : vector<512xf32>
    %reduce_sum3A_143 = vector.multi_reduction <add>, %add3A_141, %reduce_sum3A_142 [1] : vector<512x4096xf32> to vector<512xf32>
    %broadcast_in_dim3A_144 = vector.shape_cast %reduce_sum3A_143 : vector<512xf32> to vector<512x1xf32>
    %swap3A_145 = arith.constant 1536 : index
    %swap3A_146 = arith.constant 0 : index
    %swap3A_147 = vector.load %arg3[%swap3A_145, %swap3A_146] : memref<4096x1xf32, #tpu.memory_space<vmem>>, vector<512x1xf32>
    tpu.vector_store %arg3[%swap3A_145, %swap3A_146], %broadcast_in_dim3A_144 {strides = array<i32>} : memref<4096x1xf32, #tpu.memory_space<vmem>>, vector<512x1xf32>,
    %slice3A_148 = vector.extract_strided_slice %broadcast_in_dim3A {offsets = [2048, 0], sizes = [512, 1], strides = [1, 1]} : vector<4096x1xf32> to vector<512x1xf32>
    %add3A_149 = arith.constant 2048 : i32
    %add3A_150 = vector.broadcast %add3A_149 : i32 to vector<512x4096xi32>
    %add3A_151 = arith.addi %iota3A_58, %add3A_150 : vector<512x4096xi32>
    %gt3A_152 = vector.broadcast %get3A_56 : vector<1x4096xf32> to vector<512x4096xf32>
    %gt3A_153 = vector.broadcast %slice3A_148 : vector<512x1xf32> to vector<512x4096xf32>
    %gt3A_154 = arith.cmpf ogt, %gt3A_152, %gt3A_153 : vector<512x4096xf32>
    %convert_element_type3A_155 = arith.extui %gt3A_154 : vector<512x4096xi1> to vector<512x4096xi32>
    %convert_element_type3A_156 = arith.sitofp %convert_element_type3A_155 : vector<512x4096xi32> to vector<512x4096xf32>
    %eq3A_157 = vector.broadcast %get3A_56 : vector<1x4096xf32> to vector<512x4096xf32>
    %eq3A_158 = vector.broadcast %slice3A_148 : vector<512x1xf32> to vector<512x4096xf32>
    %eq3A_159 = arith.cmpf oeq, %eq3A_157, %eq3A_158 : vector<512x4096xf32>
    %lt3A_160 = arith.cmpi slt, %iota3A_57, %add3A_151 : vector<512x4096xi32>
    %and3A_161 = arith.andi %eq3A_159, %lt3A_160 : vector<512x4096xi1>
    %convert_element_type3A_162 = arith.extui %and3A_161 : vector<512x4096xi1> to vector<512x4096xi32>
    %convert_element_type3A_163 = arith.sitofp %convert_element_type3A_162 : vector<512x4096xi32> to vector<512x4096xf32>
    %add3A_164 = arith.addf %convert_element_type3A_156, %convert_element_type3A_163 : vector<512x4096xf32>
    %reduce_sum3A_165 = arith.constant dense<0.000000e+00> : vector<512xf32>
    %reduce_sum3A_166 = vector.multi_reduction <add>, %add3A_164, %reduce_sum3A_165 [1] : vector<512x4096xf32> to vector<512xf32>
    %broadcast_in_dim3A_167 = vector.shape_cast %reduce_sum3A_166 : vector<512xf32> to vector<512x1xf32>
    %swap3A_168 = arith.constant 2048 : index
    %swap3A_169 = arith.constant 0 : index
    %swap3A_170 = vector.load %arg3[%swap3A_168, %swap3A_169] : memref<4096x1xf32, #tpu.memory_space<vmem>>, vector<512x1xf32>
    tpu.vector_store %arg3[%swap3A_168, %swap3A_169], %broadcast_in_dim3A_167 {strides = array<i32>} : memref<4096x1xf32, #tpu.memory_space<vmem>>, vector<512x1xf32>,
    %slice3A_171 = vector.extract_strided_slice %broadcast_in_dim3A {offsets = [2560, 0], sizes = [512, 1], strides = [1, 1]} : vector<4096x1xf32> to vector<512x1xf32>
    %add3A_172 = arith.constant 2560 : i32
    %add3A_173 = vector.broadcast %add3A_172 : i32 to vector<512x4096xi32>
    %add3A_174 = arith.addi %iota3A_58, %add3A_173 : vector<512x4096xi32>
    %gt3A_175 = vector.broadcast %get3A_56 : vector<1x4096xf32> to vector<512x4096xf32>
    %gt3A_176 = vector.broadcast %slice3A_171 : vector<512x1xf32> to vector<512x4096xf32>
    %gt3A_177 = arith.cmpf ogt, %gt3A_175, %gt3A_176 : vector<512x4096xf32>
    %convert_element_type3A_178 = arith.extui %gt3A_177 : vector<512x4096xi1> to vector<512x4096xi32>
    %convert_element_type3A_179 = arith.sitofp %convert_element_type3A_178 : vector<512x4096xi32> to vector<512x4096xf32>
    %eq3A_180 = vector.broadcast %get3A_56 : vector<1x4096xf32> to vector<512x4096xf32>
    %eq3A_181 = vector.broadcast %slice3A_171 : vector<512x1xf32> to vector<512x4096xf32>
    %eq3A_182 = arith.cmpf oeq, %eq3A_180, %eq3A_181 : vector<512x4096xf32>
    %lt3A_183 = arith.cmpi slt, %iota3A_57, %add3A_174 : vector<512x4096xi32>
    %and3A_184 = arith.andi %eq3A_182, %lt3A_183 : vector<512x4096xi1>
    %convert_element_type3A_185 = arith.extui %and3A_184 : vector<512x4096xi1> to vector<512x4096xi32>
    %convert_element_type3A_186 = arith.sitofp %convert_element_type3A_185 : vector<512x4096xi32> to vector<512x4096xf32>
    %add3A_187 = arith.addf %convert_element_type3A_179, %convert_element_type3A_186 : vector<512x4096xf32>
    %reduce_sum3A_188 = arith.constant dense<0.000000e+00> : vector<512xf32>
    %reduce_sum3A_189 = vector.multi_reduction <add>, %add3A_187, %reduce_sum3A_188 [1] : vector<512x4096xf32> to vector<512xf32>
    %broadcast_in_dim3A_190 = vector.shape_cast %reduce_sum3A_189 : vector<512xf32> to vector<512x1xf32>
    %swap3A_191 = arith.constant 2560 : index
    %swap3A_192 = arith.constant 0 : index
    %swap3A_193 = vector.load %arg3[%swap3A_191, %swap3A_192] : memref<4096x1xf32, #tpu.memory_space<vmem>>, vector<512x1xf32>
    tpu.vector_store %arg3[%swap3A_191, %swap3A_192], %broadcast_in_dim3A_190 {strides = array<i32>} : memref<4096x1xf32, #tpu.memory_space<vmem>>, vector<512x1xf32>,
    %slice3A_194 = vector.extract_strided_slice %broadcast_in_dim3A {offsets = [3072, 0], sizes = [512, 1], strides = [1, 1]} : vector<4096x1xf32> to vector<512x1xf32>
    %add3A_195 = arith.constant 3072 : i32
    %add3A_196 = vector.broadcast %add3A_195 : i32 to vector<512x4096xi32>
    %add3A_197 = arith.addi %iota3A_58, %add3A_196 : vector<512x4096xi32>
    %gt3A_198 = vector.broadcast %get3A_56 : vector<1x4096xf32> to vector<512x4096xf32>
    %gt3A_199 = vector.broadcast %slice3A_194 : vector<512x1xf32> to vector<512x4096xf32>
    %gt3A_200 = arith.cmpf ogt, %gt3A_198, %gt3A_199 : vector<512x4096xf32>
    %convert_element_type3A_201 = arith.extui %gt3A_200 : vector<512x4096xi1> to vector<512x4096xi32>
    %convert_element_type3A_202 = arith.sitofp %convert_element_type3A_201 : vector<512x4096xi32> to vector<512x4096xf32>
    %eq3A_203 = vector.broadcast %get3A_56 : vector<1x4096xf32> to vector<512x4096xf32>
    %eq3A_204 = vector.broadcast %slice3A_194 : vector<512x1xf32> to vector<512x4096xf32>
    %eq3A_205 = arith.cmpf oeq, %eq3A_203, %eq3A_204 : vector<512x4096xf32>
    %lt3A_206 = arith.cmpi slt, %iota3A_57, %add3A_197 : vector<512x4096xi32>
    %and3A_207 = arith.andi %eq3A_205, %lt3A_206 : vector<512x4096xi1>
    %convert_element_type3A_208 = arith.extui %and3A_207 : vector<512x4096xi1> to vector<512x4096xi32>
    %convert_element_type3A_209 = arith.sitofp %convert_element_type3A_208 : vector<512x4096xi32> to vector<512x4096xf32>
    %add3A_210 = arith.addf %convert_element_type3A_202, %convert_element_type3A_209 : vector<512x4096xf32>
    %reduce_sum3A_211 = arith.constant dense<0.000000e+00> : vector<512xf32>
    %reduce_sum3A_212 = vector.multi_reduction <add>, %add3A_210, %reduce_sum3A_211 [1] : vector<512x4096xf32> to vector<512xf32>
    %broadcast_in_dim3A_213 = vector.shape_cast %reduce_sum3A_212 : vector<512xf32> to vector<512x1xf32>
    %swap3A_214 = arith.constant 3072 : index
    %swap3A_215 = arith.constant 0 : index
    %swap3A_216 = vector.load %arg3[%swap3A_214, %swap3A_215] : memref<4096x1xf32, #tpu.memory_space<vmem>>, vector<512x1xf32>
    tpu.vector_store %arg3[%swap3A_214, %swap3A_215], %broadcast_in_dim3A_213 {strides = array<i32>} : memref<4096x1xf32, #tpu.memory_space<vmem>>, vector<512x1xf32>,
    %slice3A_217 = vector.extract_strided_slice %broadcast_in_dim3A {offsets = [3584, 0], sizes = [512, 1], strides = [1, 1]} : vector<4096x1xf32> to vector<512x1xf32>
    %add3A_218 = arith.constant 3584 : i32
    %add3A_219 = vector.broadcast %add3A_218 : i32 to vector<512x4096xi32>
    %add3A_220 = arith.addi %iota3A_58, %add3A_219 : vector<512x4096xi32>
    %gt3A_221 = vector.broadcast %get3A_56 : vector<1x4096xf32> to vector<512x4096xf32>
    %gt3A_222 = vector.broadcast %slice3A_217 : vector<512x1xf32> to vector<512x4096xf32>
    %gt3A_223 = arith.cmpf ogt, %gt3A_221, %gt3A_222 : vector<512x4096xf32>
    %convert_element_type3A_224 = arith.extui %gt3A_223 : vector<512x4096xi1> to vector<512x4096xi32>
    %convert_element_type3A_225 = arith.sitofp %convert_element_type3A_224 : vector<512x4096xi32> to vector<512x4096xf32>
    %eq3A_226 = vector.broadcast %get3A_56 : vector<1x4096xf32> to vector<512x4096xf32>
    %eq3A_227 = vector.broadcast %slice3A_217 : vector<512x1xf32> to vector<512x4096xf32>
    %eq3A_228 = arith.cmpf oeq, %eq3A_226, %eq3A_227 : vector<512x4096xf32>
    %lt3A_229 = arith.cmpi slt, %iota3A_57, %add3A_220 : vector<512x4096xi32>
    %and3A_230 = arith.andi %eq3A_228, %lt3A_229 : vector<512x4096xi1>
    %convert_element_type3A_231 = arith.extui %and3A_230 : vector<512x4096xi1> to vector<512x4096xi32>
    %convert_element_type3A_232 = arith.sitofp %convert_element_type3A_231 : vector<512x4096xi32> to vector<512x4096xf32>
    %add3A_233 = arith.addf %convert_element_type3A_225, %convert_element_type3A_232 : vector<512x4096xf32>
    %reduce_sum3A_234 = arith.constant dense<0.000000e+00> : vector<512xf32>
    %reduce_sum3A_235 = vector.multi_reduction <add>, %add3A_233, %reduce_sum3A_234 [1] : vector<512x4096xf32> to vector<512xf32>
    %broadcast_in_dim3A_236 = vector.shape_cast %reduce_sum3A_235 : vector<512xf32> to vector<512x1xf32>
    %swap3A_237 = arith.constant 3584 : index
    %swap3A_238 = arith.constant 0 : index
    %swap3A_239 = vector.load %arg3[%swap3A_237, %swap3A_238] : memref<4096x1xf32, #tpu.memory_space<vmem>>, vector<512x1xf32>
    tpu.vector_store %arg3[%swap3A_237, %swap3A_238], %broadcast_in_dim3A_236 {strides = array<i32>} : memref<4096x1xf32, #tpu.memory_space<vmem>>, vector<512x1xf32>,
    %convert_element_type3A_240 = arith.sitofp %iota3A_57 : vector<512x4096xi32> to vector<512x4096xf32>
    %broadcast_in_dim3A_241 = arith.constant 0.000000e+00 : f32
    %broadcast_in_dim3A_242 = vector.broadcast %broadcast_in_dim3A_241 : f32 to vector<256x4096xf32>
    %get3A_243 = arith.constant 0 : index
    %get3A_244 = arith.constant 0 : index
    %get3A_245 = vector.load %arg3[%get3A_243, %get3A_244] : memref<4096x1xf32, #tpu.memory_space<vmem>>, vector<512x1xf32>
    %eq3A_246 = vector.broadcast %get3A_245 : vector<512x1xf32> to vector<512x4096xf32>
    %eq3A_247 = arith.cmpf oeq, %eq3A_246, %convert_element_type3A_240 : vector<512x4096xf32>
    %convert_element_type3A_248 = arith.extui %eq3A_247 : vector<512x4096xi1> to vector<512x4096xi32>
    %convert_element_type3A_249 = arith.sitofp %convert_element_type3A_248 : vector<512x4096xi32> to vector<512x4096xf32>
    %slice3A_250 = vector.extract_strided_slice %get3A_1 {offsets = [0, 0], sizes = [512, 256], strides = [1, 1]} : vector<4096x256xi32> to vector<512x256xi32>
    %shift_right_arithmetic3A = arith.constant 16 : i32
    %shift_right_arithmetic3A_251 = vector.broadcast %shift_right_arithmetic3A : i32 to vector<512x256xi32>
    %shift_right_arithmetic3A_252 = arith.shrsi %slice3A_250, %shift_right_arithmetic3A_251 : vector<512x256xi32>
    %convert_element_type3A_253 = arith.sitofp %shift_right_arithmetic3A_252 : vector<512x256xi32> to vector<512x256xf32>
    %dot_general3A_254 = arith.constant dense<0.000000e+00> : vector<256x4096xf32>
    %dot_general3A_255 = tpu.matmul %convert_element_type3A_253, %convert_element_type3A_249, %dot_general3A_254 {dimension_numbers = #tpu.dot_dimension_numbers<[0], [0], [1], [1], [0, 1, 1, 1], [], []>, transpose_lhs_hint = false} : vector<512x256xf32>, vector<512x4096xf32>, vector<256x4096xf32> -> vector<256x4096xf32>
    %shift_right_arithmetic3A_256 = arith.constant 8 : i32
    %shift_right_arithmetic3A_257 = vector.broadcast %shift_right_arithmetic3A_256 : i32 to vector<512x256xi32>
    %shift_right_arithmetic3A_258 = arith.shrsi %slice3A_250, %shift_right_arithmetic3A_257 : vector<512x256xi32>
    %and3A_259 = arith.constant 255 : i32
    %and3A_260 = vector.broadcast %and3A_259 : i32 to vector<512x256xi32>
    %and3A_261 = arith.andi %shift_right_arithmetic3A_258, %and3A_260 : vector<512x256xi32>
    %convert_element_type3A_262 = arith.sitofp %and3A_261 : vector<512x256xi32> to vector<512x256xf32>
    %dot_general3A_263 = arith.constant dense<0.000000e+00> : vector<256x4096xf32>
    %dot_general3A_264 = tpu.matmul %convert_element_type3A_262, %convert_element_type3A_249, %dot_general3A_263 {dimension_numbers = #tpu.dot_dimension_numbers<[0], [0], [1], [1], [0, 1, 1, 1], [], []>, transpose_lhs_hint = false} : vector<512x256xf32>, vector<512x4096xf32>, vector<256x4096xf32> -> vector<256x4096xf32>
    %and3A_265 = arith.constant 255 : i32
    %and3A_266 = vector.broadcast %and3A_265 : i32 to vector<512x256xi32>
    %and3A_267 = arith.andi %slice3A_250, %and3A_266 : vector<512x256xi32>
    %convert_element_type3A_268 = arith.sitofp %and3A_267 : vector<512x256xi32> to vector<512x256xf32>
    %dot_general3A_269 = arith.constant dense<0.000000e+00> : vector<256x4096xf32>
    %dot_general3A_270 = tpu.matmul %convert_element_type3A_268, %convert_element_type3A_249, %dot_general3A_269 {dimension_numbers = #tpu.dot_dimension_numbers<[0], [0], [1], [1], [0, 1, 1, 1], [], []>, transpose_lhs_hint = false} : vector<512x256xf32>, vector<512x4096xf32>, vector<256x4096xf32> -> vector<256x4096xf32>
    %mul3A = arith.constant 6.553600e+04 : f32
    %mul3A_271 = vector.broadcast %mul3A : f32 to vector<256x4096xf32>
    %mul3A_272 = arith.mulf %dot_general3A_255, %mul3A_271 : vector<256x4096xf32>
    %mul3A_273 = arith.constant 2.560000e+02 : f32
    %mul3A_274 = vector.broadcast %mul3A_273 : f32 to vector<256x4096xf32>
    %mul3A_275 = arith.mulf %dot_general3A_264, %mul3A_274 : vector<256x4096xf32>
    %add3A_276 = arith.addf %mul3A_272, %mul3A_275 : vector<256x4096xf32>
    %add3A_277 = arith.addf %add3A_276, %dot_general3A_270 : vector<256x4096xf32>
    %add3A_278 = arith.addf %broadcast_in_dim3A_242, %add3A_277 : vector<256x4096xf32>
    %get3A_279 = arith.constant 512 : index
    %get3A_280 = arith.constant 0 : index
    %get3A_281 = vector.load %arg3[%get3A_279, %get3A_280] : memref<4096x1xf32, #tpu.memory_space<vmem>>, vector<512x1xf32>
    %eq3A_282 = vector.broadcast %get3A_281 : vector<512x1xf32> to vector<512x4096xf32>
    %eq3A_283 = arith.cmpf oeq, %eq3A_282, %convert_element_type3A_240 : vector<512x4096xf32>
    %convert_element_type3A_284 = arith.extui %eq3A_283 : vector<512x4096xi1> to vector<512x4096xi32>
    %convert_element_type3A_285 = arith.sitofp %convert_element_type3A_284 : vector<512x4096xi32> to vector<512x4096xf32>
    %slice3A_286 = vector.extract_strided_slice %get3A_1 {offsets = [512, 0], sizes = [512, 256], strides = [1, 1]} : vector<4096x256xi32> to vector<512x256xi32>
    %shift_right_arithmetic3A_287 = arith.constant 16 : i32
    %shift_right_arithmetic3A_288 = vector.broadcast %shift_right_arithmetic3A_287 : i32 to vector<512x256xi32>
    %shift_right_arithmetic3A_289 = arith.shrsi %slice3A_286, %shift_right_arithmetic3A_288 : vector<512x256xi32>
    %convert_element_type3A_290 = arith.sitofp %shift_right_arithmetic3A_289 : vector<512x256xi32> to vector<512x256xf32>
    %dot_general3A_291 = arith.constant dense<0.000000e+00> : vector<256x4096xf32>
    %dot_general3A_292 = tpu.matmul %convert_element_type3A_290, %convert_element_type3A_285, %dot_general3A_291 {dimension_numbers = #tpu.dot_dimension_numbers<[0], [0], [1], [1], [0, 1, 1, 1], [], []>, transpose_lhs_hint = false} : vector<512x256xf32>, vector<512x4096xf32>, vector<256x4096xf32> -> vector<256x4096xf32>
    %shift_right_arithmetic3A_293 = arith.constant 8 : i32
    %shift_right_arithmetic3A_294 = vector.broadcast %shift_right_arithmetic3A_293 : i32 to vector<512x256xi32>
    %shift_right_arithmetic3A_295 = arith.shrsi %slice3A_286, %shift_right_arithmetic3A_294 : vector<512x256xi32>
    %and3A_296 = arith.constant 255 : i32
    %and3A_297 = vector.broadcast %and3A_296 : i32 to vector<512x256xi32>
    %and3A_298 = arith.andi %shift_right_arithmetic3A_295, %and3A_297 : vector<512x256xi32>
    %convert_element_type3A_299 = arith.sitofp %and3A_298 : vector<512x256xi32> to vector<512x256xf32>
    %dot_general3A_300 = arith.constant dense<0.000000e+00> : vector<256x4096xf32>
    %dot_general3A_301 = tpu.matmul %convert_element_type3A_299, %convert_element_type3A_285, %dot_general3A_300 {dimension_numbers = #tpu.dot_dimension_numbers<[0], [0], [1], [1], [0, 1, 1, 1], [], []>, transpose_lhs_hint = false} : vector<512x256xf32>, vector<512x4096xf32>, vector<256x4096xf32> -> vector<256x4096xf32>
    %and3A_302 = arith.constant 255 : i32
    %and3A_303 = vector.broadcast %and3A_302 : i32 to vector<512x256xi32>
    %and3A_304 = arith.andi %slice3A_286, %and3A_303 : vector<512x256xi32>
    %convert_element_type3A_305 = arith.sitofp %and3A_304 : vector<512x256xi32> to vector<512x256xf32>
    %dot_general3A_306 = arith.constant dense<0.000000e+00> : vector<256x4096xf32>
    %dot_general3A_307 = tpu.matmul %convert_element_type3A_305, %convert_element_type3A_285, %dot_general3A_306 {dimension_numbers = #tpu.dot_dimension_numbers<[0], [0], [1], [1], [0, 1, 1, 1], [], []>, transpose_lhs_hint = false} : vector<512x256xf32>, vector<512x4096xf32>, vector<256x4096xf32> -> vector<256x4096xf32>
    %mul3A_308 = arith.constant 6.553600e+04 : f32
    %mul3A_309 = vector.broadcast %mul3A_308 : f32 to vector<256x4096xf32>
    %mul3A_310 = arith.mulf %dot_general3A_292, %mul3A_309 : vector<256x4096xf32>
    %mul3A_311 = arith.constant 2.560000e+02 : f32
    %mul3A_312 = vector.broadcast %mul3A_311 : f32 to vector<256x4096xf32>
    %mul3A_313 = arith.mulf %dot_general3A_301, %mul3A_312 : vector<256x4096xf32>
    %add3A_314 = arith.addf %mul3A_310, %mul3A_313 : vector<256x4096xf32>
    %add3A_315 = arith.addf %add3A_314, %dot_general3A_307 : vector<256x4096xf32>
    %add3A_316 = arith.addf %add3A_278, %add3A_315 : vector<256x4096xf32>
    %get3A_317 = arith.constant 1024 : index
    %get3A_318 = arith.constant 0 : index
    %get3A_319 = vector.load %arg3[%get3A_317, %get3A_318] : memref<4096x1xf32, #tpu.memory_space<vmem>>, vector<512x1xf32>
    %eq3A_320 = vector.broadcast %get3A_319 : vector<512x1xf32> to vector<512x4096xf32>
    %eq3A_321 = arith.cmpf oeq, %eq3A_320, %convert_element_type3A_240 : vector<512x4096xf32>
    %convert_element_type3A_322 = arith.extui %eq3A_321 : vector<512x4096xi1> to vector<512x4096xi32>
    %convert_element_type3A_323 = arith.sitofp %convert_element_type3A_322 : vector<512x4096xi32> to vector<512x4096xf32>
    %slice3A_324 = vector.extract_strided_slice %get3A_1 {offsets = [1024, 0], sizes = [512, 256], strides = [1, 1]} : vector<4096x256xi32> to vector<512x256xi32>
    %shift_right_arithmetic3A_325 = arith.constant 16 : i32
    %shift_right_arithmetic3A_326 = vector.broadcast %shift_right_arithmetic3A_325 : i32 to vector<512x256xi32>
    %shift_right_arithmetic3A_327 = arith.shrsi %slice3A_324, %shift_right_arithmetic3A_326 : vector<512x256xi32>
    %convert_element_type3A_328 = arith.sitofp %shift_right_arithmetic3A_327 : vector<512x256xi32> to vector<512x256xf32>
    %dot_general3A_329 = arith.constant dense<0.000000e+00> : vector<256x4096xf32>
    %dot_general3A_330 = tpu.matmul %convert_element_type3A_328, %convert_element_type3A_323, %dot_general3A_329 {dimension_numbers = #tpu.dot_dimension_numbers<[0], [0], [1], [1], [0, 1, 1, 1], [], []>, transpose_lhs_hint = false} : vector<512x256xf32>, vector<512x4096xf32>, vector<256x4096xf32> -> vector<256x4096xf32>
    %shift_right_arithmetic3A_331 = arith.constant 8 : i32
    %shift_right_arithmetic3A_332 = vector.broadcast %shift_right_arithmetic3A_331 : i32 to vector<512x256xi32>
    %shift_right_arithmetic3A_333 = arith.shrsi %slice3A_324, %shift_right_arithmetic3A_332 : vector<512x256xi32>
    %and3A_334 = arith.constant 255 : i32
    %and3A_335 = vector.broadcast %and3A_334 : i32 to vector<512x256xi32>
    %and3A_336 = arith.andi %shift_right_arithmetic3A_333, %and3A_335 : vector<512x256xi32>
    %convert_element_type3A_337 = arith.sitofp %and3A_336 : vector<512x256xi32> to vector<512x256xf32>
    %dot_general3A_338 = arith.constant dense<0.000000e+00> : vector<256x4096xf32>
    %dot_general3A_339 = tpu.matmul %convert_element_type3A_337, %convert_element_type3A_323, %dot_general3A_338 {dimension_numbers = #tpu.dot_dimension_numbers<[0], [0], [1], [1], [0, 1, 1, 1], [], []>, transpose_lhs_hint = false} : vector<512x256xf32>, vector<512x4096xf32>, vector<256x4096xf32> -> vector<256x4096xf32>
    %and3A_340 = arith.constant 255 : i32
    %and3A_341 = vector.broadcast %and3A_340 : i32 to vector<512x256xi32>
    %and3A_342 = arith.andi %slice3A_324, %and3A_341 : vector<512x256xi32>
    %convert_element_type3A_343 = arith.sitofp %and3A_342 : vector<512x256xi32> to vector<512x256xf32>
    %dot_general3A_344 = arith.constant dense<0.000000e+00> : vector<256x4096xf32>
    %dot_general3A_345 = tpu.matmul %convert_element_type3A_343, %convert_element_type3A_323, %dot_general3A_344 {dimension_numbers = #tpu.dot_dimension_numbers<[0], [0], [1], [1], [0, 1, 1, 1], [], []>, transpose_lhs_hint = false} : vector<512x256xf32>, vector<512x4096xf32>, vector<256x4096xf32> -> vector<256x4096xf32>
    %mul3A_346 = arith.constant 6.553600e+04 : f32
    %mul3A_347 = vector.broadcast %mul3A_346 : f32 to vector<256x4096xf32>
    %mul3A_348 = arith.mulf %dot_general3A_330, %mul3A_347 : vector<256x4096xf32>
    %mul3A_349 = arith.constant 2.560000e+02 : f32
    %mul3A_350 = vector.broadcast %mul3A_349 : f32 to vector<256x4096xf32>
    %mul3A_351 = arith.mulf %dot_general3A_339, %mul3A_350 : vector<256x4096xf32>
    %add3A_352 = arith.addf %mul3A_348, %mul3A_351 : vector<256x4096xf32>
    %add3A_353 = arith.addf %add3A_352, %dot_general3A_345 : vector<256x4096xf32>
    %add3A_354 = arith.addf %add3A_316, %add3A_353 : vector<256x4096xf32>
    %get3A_355 = arith.constant 1536 : index
    %get3A_356 = arith.constant 0 : index
    %get3A_357 = vector.load %arg3[%get3A_355, %get3A_356] : memref<4096x1xf32, #tpu.memory_space<vmem>>, vector<512x1xf32>
    %eq3A_358 = vector.broadcast %get3A_357 : vector<512x1xf32> to vector<512x4096xf32>
    %eq3A_359 = arith.cmpf oeq, %eq3A_358, %convert_element_type3A_240 : vector<512x4096xf32>
    %convert_element_type3A_360 = arith.extui %eq3A_359 : vector<512x4096xi1> to vector<512x4096xi32>
    %convert_element_type3A_361 = arith.sitofp %convert_element_type3A_360 : vector<512x4096xi32> to vector<512x4096xf32>
    %slice3A_362 = vector.extract_strided_slice %get3A_1 {offsets = [1536, 0], sizes = [512, 256], strides = [1, 1]} : vector<4096x256xi32> to vector<512x256xi32>
    %shift_right_arithmetic3A_363 = arith.constant 16 : i32
    %shift_right_arithmetic3A_364 = vector.broadcast %shift_right_arithmetic3A_363 : i32 to vector<512x256xi32>
    %shift_right_arithmetic3A_365 = arith.shrsi %slice3A_362, %shift_right_arithmetic3A_364 : vector<512x256xi32>
    %convert_element_type3A_366 = arith.sitofp %shift_right_arithmetic3A_365 : vector<512x256xi32> to vector<512x256xf32>
    %dot_general3A_367 = arith.constant dense<0.000000e+00> : vector<256x4096xf32>
    %dot_general3A_368 = tpu.matmul %convert_element_type3A_366, %convert_element_type3A_361, %dot_general3A_367 {dimension_numbers = #tpu.dot_dimension_numbers<[0], [0], [1], [1], [0, 1, 1, 1], [], []>, transpose_lhs_hint = false} : vector<512x256xf32>, vector<512x4096xf32>, vector<256x4096xf32> -> vector<256x4096xf32>
    %shift_right_arithmetic3A_369 = arith.constant 8 : i32
    %shift_right_arithmetic3A_370 = vector.broadcast %shift_right_arithmetic3A_369 : i32 to vector<512x256xi32>
    %shift_right_arithmetic3A_371 = arith.shrsi %slice3A_362, %shift_right_arithmetic3A_370 : vector<512x256xi32>
    %and3A_372 = arith.constant 255 : i32
    %and3A_373 = vector.broadcast %and3A_372 : i32 to vector<512x256xi32>
    %and3A_374 = arith.andi %shift_right_arithmetic3A_371, %and3A_373 : vector<512x256xi32>
    %convert_element_type3A_375 = arith.sitofp %and3A_374 : vector<512x256xi32> to vector<512x256xf32>
    %dot_general3A_376 = arith.constant dense<0.000000e+00> : vector<256x4096xf32>
    %dot_general3A_377 = tpu.matmul %convert_element_type3A_375, %convert_element_type3A_361, %dot_general3A_376 {dimension_numbers = #tpu.dot_dimension_numbers<[0], [0], [1], [1], [0, 1, 1, 1], [], []>, transpose_lhs_hint = false} : vector<512x256xf32>, vector<512x4096xf32>, vector<256x4096xf32> -> vector<256x4096xf32>
    %and3A_378 = arith.constant 255 : i32
    %and3A_379 = vector.broadcast %and3A_378 : i32 to vector<512x256xi32>
    %and3A_380 = arith.andi %slice3A_362, %and3A_379 : vector<512x256xi32>
    %convert_element_type3A_381 = arith.sitofp %and3A_380 : vector<512x256xi32> to vector<512x256xf32>
    %dot_general3A_382 = arith.constant dense<0.000000e+00> : vector<256x4096xf32>
    %dot_general3A_383 = tpu.matmul %convert_element_type3A_381, %convert_element_type3A_361, %dot_general3A_382 {dimension_numbers = #tpu.dot_dimension_numbers<[0], [0], [1], [1], [0, 1, 1, 1], [], []>, transpose_lhs_hint = false} : vector<512x256xf32>, vector<512x4096xf32>, vector<256x4096xf32> -> vector<256x4096xf32>
    %mul3A_384 = arith.constant 6.553600e+04 : f32
    %mul3A_385 = vector.broadcast %mul3A_384 : f32 to vector<256x4096xf32>
    %mul3A_386 = arith.mulf %dot_general3A_368, %mul3A_385 : vector<256x4096xf32>
    %mul3A_387 = arith.constant 2.560000e+02 : f32
    %mul3A_388 = vector.broadcast %mul3A_387 : f32 to vector<256x4096xf32>
    %mul3A_389 = arith.mulf %dot_general3A_377, %mul3A_388 : vector<256x4096xf32>
    %add3A_390 = arith.addf %mul3A_386, %mul3A_389 : vector<256x4096xf32>
    %add3A_391 = arith.addf %add3A_390, %dot_general3A_383 : vector<256x4096xf32>
    %add3A_392 = arith.addf %add3A_354, %add3A_391 : vector<256x4096xf32>
    %get3A_393 = arith.constant 2048 : index
    %get3A_394 = arith.constant 0 : index
    %get3A_395 = vector.load %arg3[%get3A_393, %get3A_394] : memref<4096x1xf32, #tpu.memory_space<vmem>>, vector<512x1xf32>
    %eq3A_396 = vector.broadcast %get3A_395 : vector<512x1xf32> to vector<512x4096xf32>
    %eq3A_397 = arith.cmpf oeq, %eq3A_396, %convert_element_type3A_240 : vector<512x4096xf32>
    %convert_element_type3A_398 = arith.extui %eq3A_397 : vector<512x4096xi1> to vector<512x4096xi32>
    %convert_element_type3A_399 = arith.sitofp %convert_element_type3A_398 : vector<512x4096xi32> to vector<512x4096xf32>
    %slice3A_400 = vector.extract_strided_slice %get3A_1 {offsets = [2048, 0], sizes = [512, 256], strides = [1, 1]} : vector<4096x256xi32> to vector<512x256xi32>
    %shift_right_arithmetic3A_401 = arith.constant 16 : i32
    %shift_right_arithmetic3A_402 = vector.broadcast %shift_right_arithmetic3A_401 : i32 to vector<512x256xi32>
    %shift_right_arithmetic3A_403 = arith.shrsi %slice3A_400, %shift_right_arithmetic3A_402 : vector<512x256xi32>
    %convert_element_type3A_404 = arith.sitofp %shift_right_arithmetic3A_403 : vector<512x256xi32> to vector<512x256xf32>
    %dot_general3A_405 = arith.constant dense<0.000000e+00> : vector<256x4096xf32>
    %dot_general3A_406 = tpu.matmul %convert_element_type3A_404, %convert_element_type3A_399, %dot_general3A_405 {dimension_numbers = #tpu.dot_dimension_numbers<[0], [0], [1], [1], [0, 1, 1, 1], [], []>, transpose_lhs_hint = false} : vector<512x256xf32>, vector<512x4096xf32>, vector<256x4096xf32> -> vector<256x4096xf32>
    %shift_right_arithmetic3A_407 = arith.constant 8 : i32
    %shift_right_arithmetic3A_408 = vector.broadcast %shift_right_arithmetic3A_407 : i32 to vector<512x256xi32>
    %shift_right_arithmetic3A_409 = arith.shrsi %slice3A_400, %shift_right_arithmetic3A_408 : vector<512x256xi32>
    %and3A_410 = arith.constant 255 : i32
    %and3A_411 = vector.broadcast %and3A_410 : i32 to vector<512x256xi32>
    %and3A_412 = arith.andi %shift_right_arithmetic3A_409, %and3A_411 : vector<512x256xi32>
    %convert_element_type3A_413 = arith.sitofp %and3A_412 : vector<512x256xi32> to vector<512x256xf32>
    %dot_general3A_414 = arith.constant dense<0.000000e+00> : vector<256x4096xf32>
    %dot_general3A_415 = tpu.matmul %convert_element_type3A_413, %convert_element_type3A_399, %dot_general3A_414 {dimension_numbers = #tpu.dot_dimension_numbers<[0], [0], [1], [1], [0, 1, 1, 1], [], []>, transpose_lhs_hint = false} : vector<512x256xf32>, vector<512x4096xf32>, vector<256x4096xf32> -> vector<256x4096xf32>
    %and3A_416 = arith.constant 255 : i32
    %and3A_417 = vector.broadcast %and3A_416 : i32 to vector<512x256xi32>
    %and3A_418 = arith.andi %slice3A_400, %and3A_417 : vector<512x256xi32>
    %convert_element_type3A_419 = arith.sitofp %and3A_418 : vector<512x256xi32> to vector<512x256xf32>
    %dot_general3A_420 = arith.constant dense<0.000000e+00> : vector<256x4096xf32>
    %dot_general3A_421 = tpu.matmul %convert_element_type3A_419, %convert_element_type3A_399, %dot_general3A_420 {dimension_numbers = #tpu.dot_dimension_numbers<[0], [0], [1], [1], [0, 1, 1, 1], [], []>, transpose_lhs_hint = false} : vector<512x256xf32>, vector<512x4096xf32>, vector<256x4096xf32> -> vector<256x4096xf32>
    %mul3A_422 = arith.constant 6.553600e+04 : f32
    %mul3A_423 = vector.broadcast %mul3A_422 : f32 to vector<256x4096xf32>
    %mul3A_424 = arith.mulf %dot_general3A_406, %mul3A_423 : vector<256x4096xf32>
    %mul3A_425 = arith.constant 2.560000e+02 : f32
    %mul3A_426 = vector.broadcast %mul3A_425 : f32 to vector<256x4096xf32>
    %mul3A_427 = arith.mulf %dot_general3A_415, %mul3A_426 : vector<256x4096xf32>
    %add3A_428 = arith.addf %mul3A_424, %mul3A_427 : vector<256x4096xf32>
    %add3A_429 = arith.addf %add3A_428, %dot_general3A_421 : vector<256x4096xf32>
    %add3A_430 = arith.addf %add3A_392, %add3A_429 : vector<256x4096xf32>
    %get3A_431 = arith.constant 2560 : index
    %get3A_432 = arith.constant 0 : index
    %get3A_433 = vector.load %arg3[%get3A_431, %get3A_432] : memref<4096x1xf32, #tpu.memory_space<vmem>>, vector<512x1xf32>
    %eq3A_434 = vector.broadcast %get3A_433 : vector<512x1xf32> to vector<512x4096xf32>
    %eq3A_435 = arith.cmpf oeq, %eq3A_434, %convert_element_type3A_240 : vector<512x4096xf32>
    %convert_element_type3A_436 = arith.extui %eq3A_435 : vector<512x4096xi1> to vector<512x4096xi32>
    %convert_element_type3A_437 = arith.sitofp %convert_element_type3A_436 : vector<512x4096xi32> to vector<512x4096xf32>
    %slice3A_438 = vector.extract_strided_slice %get3A_1 {offsets = [2560, 0], sizes = [512, 256], strides = [1, 1]} : vector<4096x256xi32> to vector<512x256xi32>
    %shift_right_arithmetic3A_439 = arith.constant 16 : i32
    %shift_right_arithmetic3A_440 = vector.broadcast %shift_right_arithmetic3A_439 : i32 to vector<512x256xi32>
    %shift_right_arithmetic3A_441 = arith.shrsi %slice3A_438, %shift_right_arithmetic3A_440 : vector<512x256xi32>
    %convert_element_type3A_442 = arith.sitofp %shift_right_arithmetic3A_441 : vector<512x256xi32> to vector<512x256xf32>
    %dot_general3A_443 = arith.constant dense<0.000000e+00> : vector<256x4096xf32>
    %dot_general3A_444 = tpu.matmul %convert_element_type3A_442, %convert_element_type3A_437, %dot_general3A_443 {dimension_numbers = #tpu.dot_dimension_numbers<[0], [0], [1], [1], [0, 1, 1, 1], [], []>, transpose_lhs_hint = false} : vector<512x256xf32>, vector<512x4096xf32>, vector<256x4096xf32> -> vector<256x4096xf32>
    %shift_right_arithmetic3A_445 = arith.constant 8 : i32
    %shift_right_arithmetic3A_446 = vector.broadcast %shift_right_arithmetic3A_445 : i32 to vector<512x256xi32>
    %shift_right_arithmetic3A_447 = arith.shrsi %slice3A_438, %shift_right_arithmetic3A_446 : vector<512x256xi32>
    %and3A_448 = arith.constant 255 : i32
    %and3A_449 = vector.broadcast %and3A_448 : i32 to vector<512x256xi32>
    %and3A_450 = arith.andi %shift_right_arithmetic3A_447, %and3A_449 : vector<512x256xi32>
    %convert_element_type3A_451 = arith.sitofp %and3A_450 : vector<512x256xi32> to vector<512x256xf32>
    %dot_general3A_452 = arith.constant dense<0.000000e+00> : vector<256x4096xf32>
    %dot_general3A_453 = tpu.matmul %convert_element_type3A_451, %convert_element_type3A_437, %dot_general3A_452 {dimension_numbers = #tpu.dot_dimension_numbers<[0], [0], [1], [1], [0, 1, 1, 1], [], []>, transpose_lhs_hint = false} : vector<512x256xf32>, vector<512x4096xf32>, vector<256x4096xf32> -> vector<256x4096xf32>
    %and3A_454 = arith.constant 255 : i32
    %and3A_455 = vector.broadcast %and3A_454 : i32 to vector<512x256xi32>
    %and3A_456 = arith.andi %slice3A_438, %and3A_455 : vector<512x256xi32>
    %convert_element_type3A_457 = arith.sitofp %and3A_456 : vector<512x256xi32> to vector<512x256xf32>
    %dot_general3A_458 = arith.constant dense<0.000000e+00> : vector<256x4096xf32>
    %dot_general3A_459 = tpu.matmul %convert_element_type3A_457, %convert_element_type3A_437, %dot_general3A_458 {dimension_numbers = #tpu.dot_dimension_numbers<[0], [0], [1], [1], [0, 1, 1, 1], [], []>, transpose_lhs_hint = false} : vector<512x256xf32>, vector<512x4096xf32>, vector<256x4096xf32> -> vector<256x4096xf32>
    %mul3A_460 = arith.constant 6.553600e+04 : f32
    %mul3A_461 = vector.broadcast %mul3A_460 : f32 to vector<256x4096xf32>
    %mul3A_462 = arith.mulf %dot_general3A_444, %mul3A_461 : vector<256x4096xf32>
    %mul3A_463 = arith.constant 2.560000e+02 : f32
    %mul3A_464 = vector.broadcast %mul3A_463 : f32 to vector<256x4096xf32>
    %mul3A_465 = arith.mulf %dot_general3A_453, %mul3A_464 : vector<256x4096xf32>
    %add3A_466 = arith.addf %mul3A_462, %mul3A_465 : vector<256x4096xf32>
    %add3A_467 = arith.addf %add3A_466, %dot_general3A_459 : vector<256x4096xf32>
    %add3A_468 = arith.addf %add3A_430, %add3A_467 : vector<256x4096xf32>
    %get3A_469 = arith.constant 3072 : index
    %get3A_470 = arith.constant 0 : index
    %get3A_471 = vector.load %arg3[%get3A_469, %get3A_470] : memref<4096x1xf32, #tpu.memory_space<vmem>>, vector<512x1xf32>
    %eq3A_472 = vector.broadcast %get3A_471 : vector<512x1xf32> to vector<512x4096xf32>
    %eq3A_473 = arith.cmpf oeq, %eq3A_472, %convert_element_type3A_240 : vector<512x4096xf32>
    %convert_element_type3A_474 = arith.extui %eq3A_473 : vector<512x4096xi1> to vector<512x4096xi32>
    %convert_element_type3A_475 = arith.sitofp %convert_element_type3A_474 : vector<512x4096xi32> to vector<512x4096xf32>
    %slice3A_476 = vector.extract_strided_slice %get3A_1 {offsets = [3072, 0], sizes = [512, 256], strides = [1, 1]} : vector<4096x256xi32> to vector<512x256xi32>
    %shift_right_arithmetic3A_477 = arith.constant 16 : i32
    %shift_right_arithmetic3A_478 = vector.broadcast %shift_right_arithmetic3A_477 : i32 to vector<512x256xi32>
    %shift_right_arithmetic3A_479 = arith.shrsi %slice3A_476, %shift_right_arithmetic3A_478 : vector<512x256xi32>
    %convert_element_type3A_480 = arith.sitofp %shift_right_arithmetic3A_479 : vector<512x256xi32> to vector<512x256xf32>
    %dot_general3A_481 = arith.constant dense<0.000000e+00> : vector<256x4096xf32>
    %dot_general3A_482 = tpu.matmul %convert_element_type3A_480, %convert_element_type3A_475, %dot_general3A_481 {dimension_numbers = #tpu.dot_dimension_numbers<[0], [0], [1], [1], [0, 1, 1, 1], [], []>, transpose_lhs_hint = false} : vector<512x256xf32>, vector<512x4096xf32>, vector<256x4096xf32> -> vector<256x4096xf32>
    %shift_right_arithmetic3A_483 = arith.constant 8 : i32
    %shift_right_arithmetic3A_484 = vector.broadcast %shift_right_arithmetic3A_483 : i32 to vector<512x256xi32>
    %shift_right_arithmetic3A_485 = arith.shrsi %slice3A_476, %shift_right_arithmetic3A_484 : vector<512x256xi32>
    %and3A_486 = arith.constant 255 : i32
    %and3A_487 = vector.broadcast %and3A_486 : i32 to vector<512x256xi32>
    %and3A_488 = arith.andi %shift_right_arithmetic3A_485, %and3A_487 : vector<512x256xi32>
    %convert_element_type3A_489 = arith.sitofp %and3A_488 : vector<512x256xi32> to vector<512x256xf32>
    %dot_general3A_490 = arith.constant dense<0.000000e+00> : vector<256x4096xf32>
    %dot_general3A_491 = tpu.matmul %convert_element_type3A_489, %convert_element_type3A_475, %dot_general3A_490 {dimension_numbers = #tpu.dot_dimension_numbers<[0], [0], [1], [1], [0, 1, 1, 1], [], []>, transpose_lhs_hint = false} : vector<512x256xf32>, vector<512x4096xf32>, vector<256x4096xf32> -> vector<256x4096xf32>
    %and3A_492 = arith.constant 255 : i32
    %and3A_493 = vector.broadcast %and3A_492 : i32 to vector<512x256xi32>
    %and3A_494 = arith.andi %slice3A_476, %and3A_493 : vector<512x256xi32>
    %convert_element_type3A_495 = arith.sitofp %and3A_494 : vector<512x256xi32> to vector<512x256xf32>
    %dot_general3A_496 = arith.constant dense<0.000000e+00> : vector<256x4096xf32>
    %dot_general3A_497 = tpu.matmul %convert_element_type3A_495, %convert_element_type3A_475, %dot_general3A_496 {dimension_numbers = #tpu.dot_dimension_numbers<[0], [0], [1], [1], [0, 1, 1, 1], [], []>, transpose_lhs_hint = false} : vector<512x256xf32>, vector<512x4096xf32>, vector<256x4096xf32> -> vector<256x4096xf32>
    %mul3A_498 = arith.constant 6.553600e+04 : f32
    %mul3A_499 = vector.broadcast %mul3A_498 : f32 to vector<256x4096xf32>
    %mul3A_500 = arith.mulf %dot_general3A_482, %mul3A_499 : vector<256x4096xf32>
    %mul3A_501 = arith.constant 2.560000e+02 : f32
    %mul3A_502 = vector.broadcast %mul3A_501 : f32 to vector<256x4096xf32>
    %mul3A_503 = arith.mulf %dot_general3A_491, %mul3A_502 : vector<256x4096xf32>
    %add3A_504 = arith.addf %mul3A_500, %mul3A_503 : vector<256x4096xf32>
    %add3A_505 = arith.addf %add3A_504, %dot_general3A_497 : vector<256x4096xf32>
    %add3A_506 = arith.addf %add3A_468, %add3A_505 : vector<256x4096xf32>
    %get3A_507 = arith.constant 3584 : index
    %get3A_508 = arith.constant 0 : index
    %get3A_509 = vector.load %arg3[%get3A_507, %get3A_508] : memref<4096x1xf32, #tpu.memory_space<vmem>>, vector<512x1xf32>
    %eq3A_510 = vector.broadcast %get3A_509 : vector<512x1xf32> to vector<512x4096xf32>
    %eq3A_511 = arith.cmpf oeq, %eq3A_510, %convert_element_type3A_240 : vector<512x4096xf32>
    %convert_element_type3A_512 = arith.extui %eq3A_511 : vector<512x4096xi1> to vector<512x4096xi32>
    %convert_element_type3A_513 = arith.sitofp %convert_element_type3A_512 : vector<512x4096xi32> to vector<512x4096xf32>
    %slice3A_514 = vector.extract_strided_slice %get3A_1 {offsets = [3584, 0], sizes = [512, 256], strides = [1, 1]} : vector<4096x256xi32> to vector<512x256xi32>
    %shift_right_arithmetic3A_515 = arith.constant 16 : i32
    %shift_right_arithmetic3A_516 = vector.broadcast %shift_right_arithmetic3A_515 : i32 to vector<512x256xi32>
    %shift_right_arithmetic3A_517 = arith.shrsi %slice3A_514, %shift_right_arithmetic3A_516 : vector<512x256xi32>
    %convert_element_type3A_518 = arith.sitofp %shift_right_arithmetic3A_517 : vector<512x256xi32> to vector<512x256xf32>
    %dot_general3A_519 = arith.constant dense<0.000000e+00> : vector<256x4096xf32>
    %dot_general3A_520 = tpu.matmul %convert_element_type3A_518, %convert_element_type3A_513, %dot_general3A_519 {dimension_numbers = #tpu.dot_dimension_numbers<[0], [0], [1], [1], [0, 1, 1, 1], [], []>, transpose_lhs_hint = false} : vector<512x256xf32>, vector<512x4096xf32>, vector<256x4096xf32> -> vector<256x4096xf32>
    %shift_right_arithmetic3A_521 = arith.constant 8 : i32
    %shift_right_arithmetic3A_522 = vector.broadcast %shift_right_arithmetic3A_521 : i32 to vector<512x256xi32>
    %shift_right_arithmetic3A_523 = arith.shrsi %slice3A_514, %shift_right_arithmetic3A_522 : vector<512x256xi32>
    %and3A_524 = arith.constant 255 : i32
    %and3A_525 = vector.broadcast %and3A_524 : i32 to vector<512x256xi32>
    %and3A_526 = arith.andi %shift_right_arithmetic3A_523, %and3A_525 : vector<512x256xi32>
    %convert_element_type3A_527 = arith.sitofp %and3A_526 : vector<512x256xi32> to vector<512x256xf32>
    %dot_general3A_528 = arith.constant dense<0.000000e+00> : vector<256x4096xf32>
    %dot_general3A_529 = tpu.matmul %convert_element_type3A_527, %convert_element_type3A_513, %dot_general3A_528 {dimension_numbers = #tpu.dot_dimension_numbers<[0], [0], [1], [1], [0, 1, 1, 1], [], []>, transpose_lhs_hint = false} : vector<512x256xf32>, vector<512x4096xf32>, vector<256x4096xf32> -> vector<256x4096xf32>
    %and3A_530 = arith.constant 255 : i32
    %and3A_531 = vector.broadcast %and3A_530 : i32 to vector<512x256xi32>
    %and3A_532 = arith.andi %slice3A_514, %and3A_531 : vector<512x256xi32>
    %convert_element_type3A_533 = arith.sitofp %and3A_532 : vector<512x256xi32> to vector<512x256xf32>
    %dot_general3A_534 = arith.constant dense<0.000000e+00> : vector<256x4096xf32>
    %dot_general3A_535 = tpu.matmul %convert_element_type3A_533, %convert_element_type3A_513, %dot_general3A_534 {dimension_numbers = #tpu.dot_dimension_numbers<[0], [0], [1], [1], [0, 1, 1, 1], [], []>, transpose_lhs_hint = false} : vector<512x256xf32>, vector<512x4096xf32>, vector<256x4096xf32> -> vector<256x4096xf32>
    %mul3A_536 = arith.constant 6.553600e+04 : f32
    %mul3A_537 = vector.broadcast %mul3A_536 : f32 to vector<256x4096xf32>
    %mul3A_538 = arith.mulf %dot_general3A_520, %mul3A_537 : vector<256x4096xf32>
    %mul3A_539 = arith.constant 2.560000e+02 : f32
    %mul3A_540 = vector.broadcast %mul3A_539 : f32 to vector<256x4096xf32>
    %mul3A_541 = arith.mulf %dot_general3A_529, %mul3A_540 : vector<256x4096xf32>
    %add3A_542 = arith.addf %mul3A_538, %mul3A_541 : vector<256x4096xf32>
    %add3A_543 = arith.addf %add3A_542, %dot_general3A_535 : vector<256x4096xf32>
    %add3A_544 = arith.addf %add3A_506, %add3A_543 : vector<256x4096xf32>
    %slice3A_545 = vector.extract_strided_slice %add3A_544 {offsets = [0, 0], sizes = [200, 4096], strides = [1, 1]} : vector<256x4096xf32> to vector<200x4096xf32>
    %convert_element_type3A_546 = arith.fptosi %slice3A_545 : vector<200x4096xf32> to vector<200x4096xi32>
    %swap3A_547 = arith.constant 0 : index
    %swap3A_548 = arith.constant 0 : index
    %swap3A_549 = vector.load %arg1[%swap3A_547, %swap3A_548] : memref<200x4096xi32, #tpu.memory_space<vmem>>, vector<200x4096xi32>
    tpu.vector_store %arg1[%swap3A_547, %swap3A_548], %convert_element_type3A_546 {strides = array<i32>} : memref<200x4096xi32, #tpu.memory_space<vmem>>, vector<200x4096xi32>,
    return
  }
}

module attributes {stable_mosaic.version = 14 : i64} {
  func.func @_fmt_body(%arg0: i32, %arg1: memref<1x2048x128xf32, #tpu.memory_space<vmem>>, %arg2: memref<1x64x4096xf32, #tpu.memory_space<vmem>>) attributes {dimension_semantics = [#tpu.dimension_semantics<arbitrary>], iteration_bounds = array<i64: 200>, scalar_prefetch = 0 : i64, scratch_operands = 0 : i64, tpu.core_type = #tpu.core_type<tc>, window_params = [{transform_indices = @transform_0, window_bounds = array<i64: 1, 2048, 128>}, {transform_indices = @transform_1, window_bounds = array<i64: 1, 64, 4096>}]} {
    %get3A = arith.constant 0 : index
    %get3A_0 = arith.constant 0 : index
    %get3A_1 = arith.constant 0 : index
    %get3A_2 = vector.load %arg1[%get3A, %get3A_0, %get3A_1] : memref<1x2048x128xf32, #tpu.memory_space<vmem>>, vector<1x128x128xf32>
    %get3A_3 = vector.shape_cast %get3A_2 : vector<1x128x128xf32> to vector<128x128xf32>
    %transpose3A = tpu.transpose %get3A_3, [1, 0] : vector<128x128xf32> -> vector<128x128xf32>
    %slice3A = vector.extract_strided_slice %transpose3A {offsets = [0, 0], sizes = [64, 128], strides = [1, 1]} : vector<128x128xf32> to vector<64x128xf32>
    %swap3A = arith.constant 0 : index
    %swap3A_4 = arith.constant 0 : index
    %swap3A_5 = arith.constant 0 : index
    %swap3A_6 = vector.load %arg2[%swap3A, %swap3A_4, %swap3A_5] : memref<1x64x4096xf32, #tpu.memory_space<vmem>>, vector<1x64x128xf32>
    %swap3A_7 = vector.shape_cast %swap3A_6 : vector<1x64x128xf32> to vector<64x128xf32>
    %swap3A_8 = vector.shape_cast %slice3A : vector<64x128xf32> to vector<1x64x128xf32>
    tpu.vector_store %arg2[%swap3A, %swap3A_4, %swap3A_5], %swap3A_8 {strides = array<i32>} : memref<1x64x4096xf32, #tpu.memory_space<vmem>>, vector<1x64x128xf32>,
    %slice3A_9 = vector.extract_strided_slice %transpose3A {offsets = [64, 0], sizes = [64, 128], strides = [1, 1]} : vector<128x128xf32> to vector<64x128xf32>
    %swap3A_10 = arith.constant 0 : index
    %swap3A_11 = arith.constant 0 : index
    %swap3A_12 = arith.constant 2048 : index
    %swap3A_13 = vector.load %arg2[%swap3A_10, %swap3A_11, %swap3A_12] : memref<1x64x4096xf32, #tpu.memory_space<vmem>>, vector<1x64x128xf32>
    %swap3A_14 = vector.shape_cast %swap3A_13 : vector<1x64x128xf32> to vector<64x128xf32>
    %swap3A_15 = vector.shape_cast %slice3A_9 : vector<64x128xf32> to vector<1x64x128xf32>
    tpu.vector_store %arg2[%swap3A_10, %swap3A_11, %swap3A_12], %swap3A_15 {strides = array<i32>} : memref<1x64x4096xf32, #tpu.memory_space<vmem>>, vector<1x64x128xf32>,
    %get3A_16 = arith.constant 0 : index
    %get3A_17 = arith.constant 128 : index
    %get3A_18 = arith.constant 0 : index
    %get3A_19 = vector.load %arg1[%get3A_16, %get3A_17, %get3A_18] : memref<1x2048x128xf32, #tpu.memory_space<vmem>>, vector<1x128x128xf32>
    %get3A_20 = vector.shape_cast %get3A_19 : vector<1x128x128xf32> to vector<128x128xf32>
    %transpose3A_21 = tpu.transpose %get3A_20, [1, 0] : vector<128x128xf32> -> vector<128x128xf32>
    %slice3A_22 = vector.extract_strided_slice %transpose3A_21 {offsets = [0, 0], sizes = [64, 128], strides = [1, 1]} : vector<128x128xf32> to vector<64x128xf32>
    %swap3A_23 = arith.constant 0 : index
    %swap3A_24 = arith.constant 0 : index
    %swap3A_25 = arith.constant 128 : index
    %swap3A_26 = vector.load %arg2[%swap3A_23, %swap3A_24, %swap3A_25] : memref<1x64x4096xf32, #tpu.memory_space<vmem>>, vector<1x64x128xf32>
    %swap3A_27 = vector.shape_cast %swap3A_26 : vector<1x64x128xf32> to vector<64x128xf32>
    %swap3A_28 = vector.shape_cast %slice3A_22 : vector<64x128xf32> to vector<1x64x128xf32>
    tpu.vector_store %arg2[%swap3A_23, %swap3A_24, %swap3A_25], %swap3A_28 {strides = array<i32>} : memref<1x64x4096xf32, #tpu.memory_space<vmem>>, vector<1x64x128xf32>,
    %slice3A_29 = vector.extract_strided_slice %transpose3A_21 {offsets = [64, 0], sizes = [64, 128], strides = [1, 1]} : vector<128x128xf32> to vector<64x128xf32>
    %swap3A_30 = arith.constant 0 : index
    %swap3A_31 = arith.constant 0 : index
    %swap3A_32 = arith.constant 2176 : index
    %swap3A_33 = vector.load %arg2[%swap3A_30, %swap3A_31, %swap3A_32] : memref<1x64x4096xf32, #tpu.memory_space<vmem>>, vector<1x64x128xf32>
    %swap3A_34 = vector.shape_cast %swap3A_33 : vector<1x64x128xf32> to vector<64x128xf32>
    %swap3A_35 = vector.shape_cast %slice3A_29 : vector<64x128xf32> to vector<1x64x128xf32>
    tpu.vector_store %arg2[%swap3A_30, %swap3A_31, %swap3A_32], %swap3A_35 {strides = array<i32>} : memref<1x64x4096xf32, #tpu.memory_space<vmem>>, vector<1x64x128xf32>,
    %get3A_36 = arith.constant 0 : index
    %get3A_37 = arith.constant 256 : index
    %get3A_38 = arith.constant 0 : index
    %get3A_39 = vector.load %arg1[%get3A_36, %get3A_37, %get3A_38] : memref<1x2048x128xf32, #tpu.memory_space<vmem>>, vector<1x128x128xf32>
    %get3A_40 = vector.shape_cast %get3A_39 : vector<1x128x128xf32> to vector<128x128xf32>
    %transpose3A_41 = tpu.transpose %get3A_40, [1, 0] : vector<128x128xf32> -> vector<128x128xf32>
    %slice3A_42 = vector.extract_strided_slice %transpose3A_41 {offsets = [0, 0], sizes = [64, 128], strides = [1, 1]} : vector<128x128xf32> to vector<64x128xf32>
    %swap3A_43 = arith.constant 0 : index
    %swap3A_44 = arith.constant 0 : index
    %swap3A_45 = arith.constant 256 : index
    %swap3A_46 = vector.load %arg2[%swap3A_43, %swap3A_44, %swap3A_45] : memref<1x64x4096xf32, #tpu.memory_space<vmem>>, vector<1x64x128xf32>
    %swap3A_47 = vector.shape_cast %swap3A_46 : vector<1x64x128xf32> to vector<64x128xf32>
    %swap3A_48 = vector.shape_cast %slice3A_42 : vector<64x128xf32> to vector<1x64x128xf32>
    tpu.vector_store %arg2[%swap3A_43, %swap3A_44, %swap3A_45], %swap3A_48 {strides = array<i32>} : memref<1x64x4096xf32, #tpu.memory_space<vmem>>, vector<1x64x128xf32>,
    %slice3A_49 = vector.extract_strided_slice %transpose3A_41 {offsets = [64, 0], sizes = [64, 128], strides = [1, 1]} : vector<128x128xf32> to vector<64x128xf32>
    %swap3A_50 = arith.constant 0 : index
    %swap3A_51 = arith.constant 0 : index
    %swap3A_52 = arith.constant 2304 : index
    %swap3A_53 = vector.load %arg2[%swap3A_50, %swap3A_51, %swap3A_52] : memref<1x64x4096xf32, #tpu.memory_space<vmem>>, vector<1x64x128xf32>
    %swap3A_54 = vector.shape_cast %swap3A_53 : vector<1x64x128xf32> to vector<64x128xf32>
    %swap3A_55 = vector.shape_cast %slice3A_49 : vector<64x128xf32> to vector<1x64x128xf32>
    tpu.vector_store %arg2[%swap3A_50, %swap3A_51, %swap3A_52], %swap3A_55 {strides = array<i32>} : memref<1x64x4096xf32, #tpu.memory_space<vmem>>, vector<1x64x128xf32>,
    %get3A_56 = arith.constant 0 : index
    %get3A_57 = arith.constant 384 : index
    %get3A_58 = arith.constant 0 : index
    %get3A_59 = vector.load %arg1[%get3A_56, %get3A_57, %get3A_58] : memref<1x2048x128xf32, #tpu.memory_space<vmem>>, vector<1x128x128xf32>
    %get3A_60 = vector.shape_cast %get3A_59 : vector<1x128x128xf32> to vector<128x128xf32>
    %transpose3A_61 = tpu.transpose %get3A_60, [1, 0] : vector<128x128xf32> -> vector<128x128xf32>
    %slice3A_62 = vector.extract_strided_slice %transpose3A_61 {offsets = [0, 0], sizes = [64, 128], strides = [1, 1]} : vector<128x128xf32> to vector<64x128xf32>
    %swap3A_63 = arith.constant 0 : index
    %swap3A_64 = arith.constant 0 : index
    %swap3A_65 = arith.constant 384 : index
    %swap3A_66 = vector.load %arg2[%swap3A_63, %swap3A_64, %swap3A_65] : memref<1x64x4096xf32, #tpu.memory_space<vmem>>, vector<1x64x128xf32>
    %swap3A_67 = vector.shape_cast %swap3A_66 : vector<1x64x128xf32> to vector<64x128xf32>
    %swap3A_68 = vector.shape_cast %slice3A_62 : vector<64x128xf32> to vector<1x64x128xf32>
    tpu.vector_store %arg2[%swap3A_63, %swap3A_64, %swap3A_65], %swap3A_68 {strides = array<i32>} : memref<1x64x4096xf32, #tpu.memory_space<vmem>>, vector<1x64x128xf32>,
    %slice3A_69 = vector.extract_strided_slice %transpose3A_61 {offsets = [64, 0], sizes = [64, 128], strides = [1, 1]} : vector<128x128xf32> to vector<64x128xf32>
    %swap3A_70 = arith.constant 0 : index
    %swap3A_71 = arith.constant 0 : index
    %swap3A_72 = arith.constant 2432 : index
    %swap3A_73 = vector.load %arg2[%swap3A_70, %swap3A_71, %swap3A_72] : memref<1x64x4096xf32, #tpu.memory_space<vmem>>, vector<1x64x128xf32>
    %swap3A_74 = vector.shape_cast %swap3A_73 : vector<1x64x128xf32> to vector<64x128xf32>
    %swap3A_75 = vector.shape_cast %slice3A_69 : vector<64x128xf32> to vector<1x64x128xf32>
    tpu.vector_store %arg2[%swap3A_70, %swap3A_71, %swap3A_72], %swap3A_75 {strides = array<i32>} : memref<1x64x4096xf32, #tpu.memory_space<vmem>>, vector<1x64x128xf32>,
    %get3A_76 = arith.constant 0 : index
    %get3A_77 = arith.constant 512 : index
    %get3A_78 = arith.constant 0 : index
    %get3A_79 = vector.load %arg1[%get3A_76, %get3A_77, %get3A_78] : memref<1x2048x128xf32, #tpu.memory_space<vmem>>, vector<1x128x128xf32>
    %get3A_80 = vector.shape_cast %get3A_79 : vector<1x128x128xf32> to vector<128x128xf32>
    %transpose3A_81 = tpu.transpose %get3A_80, [1, 0] : vector<128x128xf32> -> vector<128x128xf32>
    %slice3A_82 = vector.extract_strided_slice %transpose3A_81 {offsets = [0, 0], sizes = [64, 128], strides = [1, 1]} : vector<128x128xf32> to vector<64x128xf32>
    %swap3A_83 = arith.constant 0 : index
    %swap3A_84 = arith.constant 0 : index
    %swap3A_85 = arith.constant 512 : index
    %swap3A_86 = vector.load %arg2[%swap3A_83, %swap3A_84, %swap3A_85] : memref<1x64x4096xf32, #tpu.memory_space<vmem>>, vector<1x64x128xf32>
    %swap3A_87 = vector.shape_cast %swap3A_86 : vector<1x64x128xf32> to vector<64x128xf32>
    %swap3A_88 = vector.shape_cast %slice3A_82 : vector<64x128xf32> to vector<1x64x128xf32>
    tpu.vector_store %arg2[%swap3A_83, %swap3A_84, %swap3A_85], %swap3A_88 {strides = array<i32>} : memref<1x64x4096xf32, #tpu.memory_space<vmem>>, vector<1x64x128xf32>,
    %slice3A_89 = vector.extract_strided_slice %transpose3A_81 {offsets = [64, 0], sizes = [64, 128], strides = [1, 1]} : vector<128x128xf32> to vector<64x128xf32>
    %swap3A_90 = arith.constant 0 : index
    %swap3A_91 = arith.constant 0 : index
    %swap3A_92 = arith.constant 2560 : index
    %swap3A_93 = vector.load %arg2[%swap3A_90, %swap3A_91, %swap3A_92] : memref<1x64x4096xf32, #tpu.memory_space<vmem>>, vector<1x64x128xf32>
    %swap3A_94 = vector.shape_cast %swap3A_93 : vector<1x64x128xf32> to vector<64x128xf32>
    %swap3A_95 = vector.shape_cast %slice3A_89 : vector<64x128xf32> to vector<1x64x128xf32>
    tpu.vector_store %arg2[%swap3A_90, %swap3A_91, %swap3A_92], %swap3A_95 {strides = array<i32>} : memref<1x64x4096xf32, #tpu.memory_space<vmem>>, vector<1x64x128xf32>,
    %get3A_96 = arith.constant 0 : index
    %get3A_97 = arith.constant 640 : index
    %get3A_98 = arith.constant 0 : index
    %get3A_99 = vector.load %arg1[%get3A_96, %get3A_97, %get3A_98] : memref<1x2048x128xf32, #tpu.memory_space<vmem>>, vector<1x128x128xf32>
    %get3A_100 = vector.shape_cast %get3A_99 : vector<1x128x128xf32> to vector<128x128xf32>
    %transpose3A_101 = tpu.transpose %get3A_100, [1, 0] : vector<128x128xf32> -> vector<128x128xf32>
    %slice3A_102 = vector.extract_strided_slice %transpose3A_101 {offsets = [0, 0], sizes = [64, 128], strides = [1, 1]} : vector<128x128xf32> to vector<64x128xf32>
    %swap3A_103 = arith.constant 0 : index
    %swap3A_104 = arith.constant 0 : index
    %swap3A_105 = arith.constant 640 : index
    %swap3A_106 = vector.load %arg2[%swap3A_103, %swap3A_104, %swap3A_105] : memref<1x64x4096xf32, #tpu.memory_space<vmem>>, vector<1x64x128xf32>
    %swap3A_107 = vector.shape_cast %swap3A_106 : vector<1x64x128xf32> to vector<64x128xf32>
    %swap3A_108 = vector.shape_cast %slice3A_102 : vector<64x128xf32> to vector<1x64x128xf32>
    tpu.vector_store %arg2[%swap3A_103, %swap3A_104, %swap3A_105], %swap3A_108 {strides = array<i32>} : memref<1x64x4096xf32, #tpu.memory_space<vmem>>, vector<1x64x128xf32>,
    %slice3A_109 = vector.extract_strided_slice %transpose3A_101 {offsets = [64, 0], sizes = [64, 128], strides = [1, 1]} : vector<128x128xf32> to vector<64x128xf32>
    %swap3A_110 = arith.constant 0 : index
    %swap3A_111 = arith.constant 0 : index
    %swap3A_112 = arith.constant 2688 : index
    %swap3A_113 = vector.load %arg2[%swap3A_110, %swap3A_111, %swap3A_112] : memref<1x64x4096xf32, #tpu.memory_space<vmem>>, vector<1x64x128xf32>
    %swap3A_114 = vector.shape_cast %swap3A_113 : vector<1x64x128xf32> to vector<64x128xf32>
    %swap3A_115 = vector.shape_cast %slice3A_109 : vector<64x128xf32> to vector<1x64x128xf32>
    tpu.vector_store %arg2[%swap3A_110, %swap3A_111, %swap3A_112], %swap3A_115 {strides = array<i32>} : memref<1x64x4096xf32, #tpu.memory_space<vmem>>, vector<1x64x128xf32>,
    %get3A_116 = arith.constant 0 : index
    %get3A_117 = arith.constant 768 : index
    %get3A_118 = arith.constant 0 : index
    %get3A_119 = vector.load %arg1[%get3A_116, %get3A_117, %get3A_118] : memref<1x2048x128xf32, #tpu.memory_space<vmem>>, vector<1x128x128xf32>
    %get3A_120 = vector.shape_cast %get3A_119 : vector<1x128x128xf32> to vector<128x128xf32>
    %transpose3A_121 = tpu.transpose %get3A_120, [1, 0] : vector<128x128xf32> -> vector<128x128xf32>
    %slice3A_122 = vector.extract_strided_slice %transpose3A_121 {offsets = [0, 0], sizes = [64, 128], strides = [1, 1]} : vector<128x128xf32> to vector<64x128xf32>
    %swap3A_123 = arith.constant 0 : index
    %swap3A_124 = arith.constant 0 : index
    %swap3A_125 = arith.constant 768 : index
    %swap3A_126 = vector.load %arg2[%swap3A_123, %swap3A_124, %swap3A_125] : memref<1x64x4096xf32, #tpu.memory_space<vmem>>, vector<1x64x128xf32>
    %swap3A_127 = vector.shape_cast %swap3A_126 : vector<1x64x128xf32> to vector<64x128xf32>
    %swap3A_128 = vector.shape_cast %slice3A_122 : vector<64x128xf32> to vector<1x64x128xf32>
    tpu.vector_store %arg2[%swap3A_123, %swap3A_124, %swap3A_125], %swap3A_128 {strides = array<i32>} : memref<1x64x4096xf32, #tpu.memory_space<vmem>>, vector<1x64x128xf32>,
    %slice3A_129 = vector.extract_strided_slice %transpose3A_121 {offsets = [64, 0], sizes = [64, 128], strides = [1, 1]} : vector<128x128xf32> to vector<64x128xf32>
    %swap3A_130 = arith.constant 0 : index
    %swap3A_131 = arith.constant 0 : index
    %swap3A_132 = arith.constant 2816 : index
    %swap3A_133 = vector.load %arg2[%swap3A_130, %swap3A_131, %swap3A_132] : memref<1x64x4096xf32, #tpu.memory_space<vmem>>, vector<1x64x128xf32>
    %swap3A_134 = vector.shape_cast %swap3A_133 : vector<1x64x128xf32> to vector<64x128xf32>
    %swap3A_135 = vector.shape_cast %slice3A_129 : vector<64x128xf32> to vector<1x64x128xf32>
    tpu.vector_store %arg2[%swap3A_130, %swap3A_131, %swap3A_132], %swap3A_135 {strides = array<i32>} : memref<1x64x4096xf32, #tpu.memory_space<vmem>>, vector<1x64x128xf32>,
    %get3A_136 = arith.constant 0 : index
    %get3A_137 = arith.constant 896 : index
    %get3A_138 = arith.constant 0 : index
    %get3A_139 = vector.load %arg1[%get3A_136, %get3A_137, %get3A_138] : memref<1x2048x128xf32, #tpu.memory_space<vmem>>, vector<1x128x128xf32>
    %get3A_140 = vector.shape_cast %get3A_139 : vector<1x128x128xf32> to vector<128x128xf32>
    %transpose3A_141 = tpu.transpose %get3A_140, [1, 0] : vector<128x128xf32> -> vector<128x128xf32>
    %slice3A_142 = vector.extract_strided_slice %transpose3A_141 {offsets = [0, 0], sizes = [64, 128], strides = [1, 1]} : vector<128x128xf32> to vector<64x128xf32>
    %swap3A_143 = arith.constant 0 : index
    %swap3A_144 = arith.constant 0 : index
    %swap3A_145 = arith.constant 896 : index
    %swap3A_146 = vector.load %arg2[%swap3A_143, %swap3A_144, %swap3A_145] : memref<1x64x4096xf32, #tpu.memory_space<vmem>>, vector<1x64x128xf32>
    %swap3A_147 = vector.shape_cast %swap3A_146 : vector<1x64x128xf32> to vector<64x128xf32>
    %swap3A_148 = vector.shape_cast %slice3A_142 : vector<64x128xf32> to vector<1x64x128xf32>
    tpu.vector_store %arg2[%swap3A_143, %swap3A_144, %swap3A_145], %swap3A_148 {strides = array<i32>} : memref<1x64x4096xf32, #tpu.memory_space<vmem>>, vector<1x64x128xf32>,
    %slice3A_149 = vector.extract_strided_slice %transpose3A_141 {offsets = [64, 0], sizes = [64, 128], strides = [1, 1]} : vector<128x128xf32> to vector<64x128xf32>
    %swap3A_150 = arith.constant 0 : index
    %swap3A_151 = arith.constant 0 : index
    %swap3A_152 = arith.constant 2944 : index
    %swap3A_153 = vector.load %arg2[%swap3A_150, %swap3A_151, %swap3A_152] : memref<1x64x4096xf32, #tpu.memory_space<vmem>>, vector<1x64x128xf32>
    %swap3A_154 = vector.shape_cast %swap3A_153 : vector<1x64x128xf32> to vector<64x128xf32>
    %swap3A_155 = vector.shape_cast %slice3A_149 : vector<64x128xf32> to vector<1x64x128xf32>
    tpu.vector_store %arg2[%swap3A_150, %swap3A_151, %swap3A_152], %swap3A_155 {strides = array<i32>} : memref<1x64x4096xf32, #tpu.memory_space<vmem>>, vector<1x64x128xf32>,
    %get3A_156 = arith.constant 0 : index
    %get3A_157 = arith.constant 1024 : index
    %get3A_158 = arith.constant 0 : index
    %get3A_159 = vector.load %arg1[%get3A_156, %get3A_157, %get3A_158] : memref<1x2048x128xf32, #tpu.memory_space<vmem>>, vector<1x128x128xf32>
    %get3A_160 = vector.shape_cast %get3A_159 : vector<1x128x128xf32> to vector<128x128xf32>
    %transpose3A_161 = tpu.transpose %get3A_160, [1, 0] : vector<128x128xf32> -> vector<128x128xf32>
    %slice3A_162 = vector.extract_strided_slice %transpose3A_161 {offsets = [0, 0], sizes = [64, 128], strides = [1, 1]} : vector<128x128xf32> to vector<64x128xf32>
    %swap3A_163 = arith.constant 0 : index
    %swap3A_164 = arith.constant 0 : index
    %swap3A_165 = arith.constant 1024 : index
    %swap3A_166 = vector.load %arg2[%swap3A_163, %swap3A_164, %swap3A_165] : memref<1x64x4096xf32, #tpu.memory_space<vmem>>, vector<1x64x128xf32>
    %swap3A_167 = vector.shape_cast %swap3A_166 : vector<1x64x128xf32> to vector<64x128xf32>
    %swap3A_168 = vector.shape_cast %slice3A_162 : vector<64x128xf32> to vector<1x64x128xf32>
    tpu.vector_store %arg2[%swap3A_163, %swap3A_164, %swap3A_165], %swap3A_168 {strides = array<i32>} : memref<1x64x4096xf32, #tpu.memory_space<vmem>>, vector<1x64x128xf32>,
    %slice3A_169 = vector.extract_strided_slice %transpose3A_161 {offsets = [64, 0], sizes = [64, 128], strides = [1, 1]} : vector<128x128xf32> to vector<64x128xf32>
    %swap3A_170 = arith.constant 0 : index
    %swap3A_171 = arith.constant 0 : index
    %swap3A_172 = arith.constant 3072 : index
    %swap3A_173 = vector.load %arg2[%swap3A_170, %swap3A_171, %swap3A_172] : memref<1x64x4096xf32, #tpu.memory_space<vmem>>, vector<1x64x128xf32>
    %swap3A_174 = vector.shape_cast %swap3A_173 : vector<1x64x128xf32> to vector<64x128xf32>
    %swap3A_175 = vector.shape_cast %slice3A_169 : vector<64x128xf32> to vector<1x64x128xf32>
    tpu.vector_store %arg2[%swap3A_170, %swap3A_171, %swap3A_172], %swap3A_175 {strides = array<i32>} : memref<1x64x4096xf32, #tpu.memory_space<vmem>>, vector<1x64x128xf32>,
    %get3A_176 = arith.constant 0 : index
    %get3A_177 = arith.constant 1152 : index
    %get3A_178 = arith.constant 0 : index
    %get3A_179 = vector.load %arg1[%get3A_176, %get3A_177, %get3A_178] : memref<1x2048x128xf32, #tpu.memory_space<vmem>>, vector<1x128x128xf32>
    %get3A_180 = vector.shape_cast %get3A_179 : vector<1x128x128xf32> to vector<128x128xf32>
    %transpose3A_181 = tpu.transpose %get3A_180, [1, 0] : vector<128x128xf32> -> vector<128x128xf32>
    %slice3A_182 = vector.extract_strided_slice %transpose3A_181 {offsets = [0, 0], sizes = [64, 128], strides = [1, 1]} : vector<128x128xf32> to vector<64x128xf32>
    %swap3A_183 = arith.constant 0 : index
    %swap3A_184 = arith.constant 0 : index
    %swap3A_185 = arith.constant 1152 : index
    %swap3A_186 = vector.load %arg2[%swap3A_183, %swap3A_184, %swap3A_185] : memref<1x64x4096xf32, #tpu.memory_space<vmem>>, vector<1x64x128xf32>
    %swap3A_187 = vector.shape_cast %swap3A_186 : vector<1x64x128xf32> to vector<64x128xf32>
    %swap3A_188 = vector.shape_cast %slice3A_182 : vector<64x128xf32> to vector<1x64x128xf32>
    tpu.vector_store %arg2[%swap3A_183, %swap3A_184, %swap3A_185], %swap3A_188 {strides = array<i32>} : memref<1x64x4096xf32, #tpu.memory_space<vmem>>, vector<1x64x128xf32>,
    %slice3A_189 = vector.extract_strided_slice %transpose3A_181 {offsets = [64, 0], sizes = [64, 128], strides = [1, 1]} : vector<128x128xf32> to vector<64x128xf32>
    %swap3A_190 = arith.constant 0 : index
    %swap3A_191 = arith.constant 0 : index
    %swap3A_192 = arith.constant 3200 : index
    %swap3A_193 = vector.load %arg2[%swap3A_190, %swap3A_191, %swap3A_192] : memref<1x64x4096xf32, #tpu.memory_space<vmem>>, vector<1x64x128xf32>
    %swap3A_194 = vector.shape_cast %swap3A_193 : vector<1x64x128xf32> to vector<64x128xf32>
    %swap3A_195 = vector.shape_cast %slice3A_189 : vector<64x128xf32> to vector<1x64x128xf32>
    tpu.vector_store %arg2[%swap3A_190, %swap3A_191, %swap3A_192], %swap3A_195 {strides = array<i32>} : memref<1x64x4096xf32, #tpu.memory_space<vmem>>, vector<1x64x128xf32>,
    %get3A_196 = arith.constant 0 : index
    %get3A_197 = arith.constant 1280 : index
    %get3A_198 = arith.constant 0 : index
    %get3A_199 = vector.load %arg1[%get3A_196, %get3A_197, %get3A_198] : memref<1x2048x128xf32, #tpu.memory_space<vmem>>, vector<1x128x128xf32>
    %get3A_200 = vector.shape_cast %get3A_199 : vector<1x128x128xf32> to vector<128x128xf32>
    %transpose3A_201 = tpu.transpose %get3A_200, [1, 0] : vector<128x128xf32> -> vector<128x128xf32>
    %slice3A_202 = vector.extract_strided_slice %transpose3A_201 {offsets = [0, 0], sizes = [64, 128], strides = [1, 1]} : vector<128x128xf32> to vector<64x128xf32>
    %swap3A_203 = arith.constant 0 : index
    %swap3A_204 = arith.constant 0 : index
    %swap3A_205 = arith.constant 1280 : index
    %swap3A_206 = vector.load %arg2[%swap3A_203, %swap3A_204, %swap3A_205] : memref<1x64x4096xf32, #tpu.memory_space<vmem>>, vector<1x64x128xf32>
    %swap3A_207 = vector.shape_cast %swap3A_206 : vector<1x64x128xf32> to vector<64x128xf32>
    %swap3A_208 = vector.shape_cast %slice3A_202 : vector<64x128xf32> to vector<1x64x128xf32>
    tpu.vector_store %arg2[%swap3A_203, %swap3A_204, %swap3A_205], %swap3A_208 {strides = array<i32>} : memref<1x64x4096xf32, #tpu.memory_space<vmem>>, vector<1x64x128xf32>,
    %slice3A_209 = vector.extract_strided_slice %transpose3A_201 {offsets = [64, 0], sizes = [64, 128], strides = [1, 1]} : vector<128x128xf32> to vector<64x128xf32>
    %swap3A_210 = arith.constant 0 : index
    %swap3A_211 = arith.constant 0 : index
    %swap3A_212 = arith.constant 3328 : index
    %swap3A_213 = vector.load %arg2[%swap3A_210, %swap3A_211, %swap3A_212] : memref<1x64x4096xf32, #tpu.memory_space<vmem>>, vector<1x64x128xf32>
    %swap3A_214 = vector.shape_cast %swap3A_213 : vector<1x64x128xf32> to vector<64x128xf32>
    %swap3A_215 = vector.shape_cast %slice3A_209 : vector<64x128xf32> to vector<1x64x128xf32>
    tpu.vector_store %arg2[%swap3A_210, %swap3A_211, %swap3A_212], %swap3A_215 {strides = array<i32>} : memref<1x64x4096xf32, #tpu.memory_space<vmem>>, vector<1x64x128xf32>,
    %get3A_216 = arith.constant 0 : index
    %get3A_217 = arith.constant 1408 : index
    %get3A_218 = arith.constant 0 : index
    %get3A_219 = vector.load %arg1[%get3A_216, %get3A_217, %get3A_218] : memref<1x2048x128xf32, #tpu.memory_space<vmem>>, vector<1x128x128xf32>
    %get3A_220 = vector.shape_cast %get3A_219 : vector<1x128x128xf32> to vector<128x128xf32>
    %transpose3A_221 = tpu.transpose %get3A_220, [1, 0] : vector<128x128xf32> -> vector<128x128xf32>
    %slice3A_222 = vector.extract_strided_slice %transpose3A_221 {offsets = [0, 0], sizes = [64, 128], strides = [1, 1]} : vector<128x128xf32> to vector<64x128xf32>
    %swap3A_223 = arith.constant 0 : index
    %swap3A_224 = arith.constant 0 : index
    %swap3A_225 = arith.constant 1408 : index
    %swap3A_226 = vector.load %arg2[%swap3A_223, %swap3A_224, %swap3A_225] : memref<1x64x4096xf32, #tpu.memory_space<vmem>>, vector<1x64x128xf32>
    %swap3A_227 = vector.shape_cast %swap3A_226 : vector<1x64x128xf32> to vector<64x128xf32>
    %swap3A_228 = vector.shape_cast %slice3A_222 : vector<64x128xf32> to vector<1x64x128xf32>
    tpu.vector_store %arg2[%swap3A_223, %swap3A_224, %swap3A_225], %swap3A_228 {strides = array<i32>} : memref<1x64x4096xf32, #tpu.memory_space<vmem>>, vector<1x64x128xf32>,
    %slice3A_229 = vector.extract_strided_slice %transpose3A_221 {offsets = [64, 0], sizes = [64, 128], strides = [1, 1]} : vector<128x128xf32> to vector<64x128xf32>
    %swap3A_230 = arith.constant 0 : index
    %swap3A_231 = arith.constant 0 : index
    %swap3A_232 = arith.constant 3456 : index
    %swap3A_233 = vector.load %arg2[%swap3A_230, %swap3A_231, %swap3A_232] : memref<1x64x4096xf32, #tpu.memory_space<vmem>>, vector<1x64x128xf32>
    %swap3A_234 = vector.shape_cast %swap3A_233 : vector<1x64x128xf32> to vector<64x128xf32>
    %swap3A_235 = vector.shape_cast %slice3A_229 : vector<64x128xf32> to vector<1x64x128xf32>
    tpu.vector_store %arg2[%swap3A_230, %swap3A_231, %swap3A_232], %swap3A_235 {strides = array<i32>} : memref<1x64x4096xf32, #tpu.memory_space<vmem>>, vector<1x64x128xf32>,
    %get3A_236 = arith.constant 0 : index
    %get3A_237 = arith.constant 1536 : index
    %get3A_238 = arith.constant 0 : index
    %get3A_239 = vector.load %arg1[%get3A_236, %get3A_237, %get3A_238] : memref<1x2048x128xf32, #tpu.memory_space<vmem>>, vector<1x128x128xf32>
    %get3A_240 = vector.shape_cast %get3A_239 : vector<1x128x128xf32> to vector<128x128xf32>
    %transpose3A_241 = tpu.transpose %get3A_240, [1, 0] : vector<128x128xf32> -> vector<128x128xf32>
    %slice3A_242 = vector.extract_strided_slice %transpose3A_241 {offsets = [0, 0], sizes = [64, 128], strides = [1, 1]} : vector<128x128xf32> to vector<64x128xf32>
    %swap3A_243 = arith.constant 0 : index
    %swap3A_244 = arith.constant 0 : index
    %swap3A_245 = arith.constant 1536 : index
    %swap3A_246 = vector.load %arg2[%swap3A_243, %swap3A_244, %swap3A_245] : memref<1x64x4096xf32, #tpu.memory_space<vmem>>, vector<1x64x128xf32>
    %swap3A_247 = vector.shape_cast %swap3A_246 : vector<1x64x128xf32> to vector<64x128xf32>
    %swap3A_248 = vector.shape_cast %slice3A_242 : vector<64x128xf32> to vector<1x64x128xf32>
    tpu.vector_store %arg2[%swap3A_243, %swap3A_244, %swap3A_245], %swap3A_248 {strides = array<i32>} : memref<1x64x4096xf32, #tpu.memory_space<vmem>>, vector<1x64x128xf32>,
    %slice3A_249 = vector.extract_strided_slice %transpose3A_241 {offsets = [64, 0], sizes = [64, 128], strides = [1, 1]} : vector<128x128xf32> to vector<64x128xf32>
    %swap3A_250 = arith.constant 0 : index
    %swap3A_251 = arith.constant 0 : index
    %swap3A_252 = arith.constant 3584 : index
    %swap3A_253 = vector.load %arg2[%swap3A_250, %swap3A_251, %swap3A_252] : memref<1x64x4096xf32, #tpu.memory_space<vmem>>, vector<1x64x128xf32>
    %swap3A_254 = vector.shape_cast %swap3A_253 : vector<1x64x128xf32> to vector<64x128xf32>
    %swap3A_255 = vector.shape_cast %slice3A_249 : vector<64x128xf32> to vector<1x64x128xf32>
    tpu.vector_store %arg2[%swap3A_250, %swap3A_251, %swap3A_252], %swap3A_255 {strides = array<i32>} : memref<1x64x4096xf32, #tpu.memory_space<vmem>>, vector<1x64x128xf32>,
    %get3A_256 = arith.constant 0 : index
    %get3A_257 = arith.constant 1664 : index
    %get3A_258 = arith.constant 0 : index
    %get3A_259 = vector.load %arg1[%get3A_256, %get3A_257, %get3A_258] : memref<1x2048x128xf32, #tpu.memory_space<vmem>>, vector<1x128x128xf32>
    %get3A_260 = vector.shape_cast %get3A_259 : vector<1x128x128xf32> to vector<128x128xf32>
    %transpose3A_261 = tpu.transpose %get3A_260, [1, 0] : vector<128x128xf32> -> vector<128x128xf32>
    %slice3A_262 = vector.extract_strided_slice %transpose3A_261 {offsets = [0, 0], sizes = [64, 128], strides = [1, 1]} : vector<128x128xf32> to vector<64x128xf32>
    %swap3A_263 = arith.constant 0 : index
    %swap3A_264 = arith.constant 0 : index
    %swap3A_265 = arith.constant 1664 : index
    %swap3A_266 = vector.load %arg2[%swap3A_263, %swap3A_264, %swap3A_265] : memref<1x64x4096xf32, #tpu.memory_space<vmem>>, vector<1x64x128xf32>
    %swap3A_267 = vector.shape_cast %swap3A_266 : vector<1x64x128xf32> to vector<64x128xf32>
    %swap3A_268 = vector.shape_cast %slice3A_262 : vector<64x128xf32> to vector<1x64x128xf32>
    tpu.vector_store %arg2[%swap3A_263, %swap3A_264, %swap3A_265], %swap3A_268 {strides = array<i32>} : memref<1x64x4096xf32, #tpu.memory_space<vmem>>, vector<1x64x128xf32>,
    %slice3A_269 = vector.extract_strided_slice %transpose3A_261 {offsets = [64, 0], sizes = [64, 128], strides = [1, 1]} : vector<128x128xf32> to vector<64x128xf32>
    %swap3A_270 = arith.constant 0 : index
    %swap3A_271 = arith.constant 0 : index
    %swap3A_272 = arith.constant 3712 : index
    %swap3A_273 = vector.load %arg2[%swap3A_270, %swap3A_271, %swap3A_272] : memref<1x64x4096xf32, #tpu.memory_space<vmem>>, vector<1x64x128xf32>
    %swap3A_274 = vector.shape_cast %swap3A_273 : vector<1x64x128xf32> to vector<64x128xf32>
    %swap3A_275 = vector.shape_cast %slice3A_269 : vector<64x128xf32> to vector<1x64x128xf32>
    tpu.vector_store %arg2[%swap3A_270, %swap3A_271, %swap3A_272], %swap3A_275 {strides = array<i32>} : memref<1x64x4096xf32, #tpu.memory_space<vmem>>, vector<1x64x128xf32>,
    %get3A_276 = arith.constant 0 : index
    %get3A_277 = arith.constant 1792 : index
    %get3A_278 = arith.constant 0 : index
    %get3A_279 = vector.load %arg1[%get3A_276, %get3A_277, %get3A_278] : memref<1x2048x128xf32, #tpu.memory_space<vmem>>, vector<1x128x128xf32>
    %get3A_280 = vector.shape_cast %get3A_279 : vector<1x128x128xf32> to vector<128x128xf32>
    %transpose3A_281 = tpu.transpose %get3A_280, [1, 0] : vector<128x128xf32> -> vector<128x128xf32>
    %slice3A_282 = vector.extract_strided_slice %transpose3A_281 {offsets = [0, 0], sizes = [64, 128], strides = [1, 1]} : vector<128x128xf32> to vector<64x128xf32>
    %swap3A_283 = arith.constant 0 : index
    %swap3A_284 = arith.constant 0 : index
    %swap3A_285 = arith.constant 1792 : index
    %swap3A_286 = vector.load %arg2[%swap3A_283, %swap3A_284, %swap3A_285] : memref<1x64x4096xf32, #tpu.memory_space<vmem>>, vector<1x64x128xf32>
    %swap3A_287 = vector.shape_cast %swap3A_286 : vector<1x64x128xf32> to vector<64x128xf32>
    %swap3A_288 = vector.shape_cast %slice3A_282 : vector<64x128xf32> to vector<1x64x128xf32>
    tpu.vector_store %arg2[%swap3A_283, %swap3A_284, %swap3A_285], %swap3A_288 {strides = array<i32>} : memref<1x64x4096xf32, #tpu.memory_space<vmem>>, vector<1x64x128xf32>,
    %slice3A_289 = vector.extract_strided_slice %transpose3A_281 {offsets = [64, 0], sizes = [64, 128], strides = [1, 1]} : vector<128x128xf32> to vector<64x128xf32>
    %swap3A_290 = arith.constant 0 : index
    %swap3A_291 = arith.constant 0 : index
    %swap3A_292 = arith.constant 3840 : index
    %swap3A_293 = vector.load %arg2[%swap3A_290, %swap3A_291, %swap3A_292] : memref<1x64x4096xf32, #tpu.memory_space<vmem>>, vector<1x64x128xf32>
    %swap3A_294 = vector.shape_cast %swap3A_293 : vector<1x64x128xf32> to vector<64x128xf32>
    %swap3A_295 = vector.shape_cast %slice3A_289 : vector<64x128xf32> to vector<1x64x128xf32>
    tpu.vector_store %arg2[%swap3A_290, %swap3A_291, %swap3A_292], %swap3A_295 {strides = array<i32>} : memref<1x64x4096xf32, #tpu.memory_space<vmem>>, vector<1x64x128xf32>,
    %get3A_296 = arith.constant 0 : index
    %get3A_297 = arith.constant 1920 : index
    %get3A_298 = arith.constant 0 : index
    %get3A_299 = vector.load %arg1[%get3A_296, %get3A_297, %get3A_298] : memref<1x2048x128xf32, #tpu.memory_space<vmem>>, vector<1x128x128xf32>
    %get3A_300 = vector.shape_cast %get3A_299 : vector<1x128x128xf32> to vector<128x128xf32>
    %transpose3A_301 = tpu.transpose %get3A_300, [1, 0] : vector<128x128xf32> -> vector<128x128xf32>
    %slice3A_302 = vector.extract_strided_slice %transpose3A_301 {offsets = [0, 0], sizes = [64, 128], strides = [1, 1]} : vector<128x128xf32> to vector<64x128xf32>
    %swap3A_303 = arith.constant 0 : index
    %swap3A_304 = arith.constant 0 : index
    %swap3A_305 = arith.constant 1920 : index
    %swap3A_306 = vector.load %arg2[%swap3A_303, %swap3A_304, %swap3A_305] : memref<1x64x4096xf32, #tpu.memory_space<vmem>>, vector<1x64x128xf32>
    %swap3A_307 = vector.shape_cast %swap3A_306 : vector<1x64x128xf32> to vector<64x128xf32>
    %swap3A_308 = vector.shape_cast %slice3A_302 : vector<64x128xf32> to vector<1x64x128xf32>
    tpu.vector_store %arg2[%swap3A_303, %swap3A_304, %swap3A_305], %swap3A_308 {strides = array<i32>} : memref<1x64x4096xf32, #tpu.memory_space<vmem>>, vector<1x64x128xf32>,
    %slice3A_309 = vector.extract_strided_slice %transpose3A_301 {offsets = [64, 0], sizes = [64, 128], strides = [1, 1]} : vector<128x128xf32> to vector<64x128xf32>
    %swap3A_310 = arith.constant 0 : index
    %swap3A_311 = arith.constant 0 : index
    %swap3A_312 = arith.constant 3968 : index
    %swap3A_313 = vector.load %arg2[%swap3A_310, %swap3A_311, %swap3A_312] : memref<1x64x4096xf32, #tpu.memory_space<vmem>>, vector<1x64x128xf32>
    %swap3A_314 = vector.shape_cast %swap3A_313 : vector<1x64x128xf32> to vector<64x128xf32>
    %swap3A_315 = vector.shape_cast %slice3A_309 : vector<64x128xf32> to vector<1x64x128xf32>
    tpu.vector_store %arg2[%swap3A_310, %swap3A_311, %swap3A_312], %swap3A_315 {strides = array<i32>} : memref<1x64x4096xf32, #tpu.memory_space<vmem>>, vector<1x64x128xf32>,
    return
  }
  func.func @transform_0(%arg0: i32) -> (i32, i32, i32) {
    %c0_i32 = arith.constant 0 : i32
    %c0_i32_0 = arith.constant 0 : i32
    %c0_i32_1 = arith.constant 0 : i32
    return %arg0, %c0_i32, %c0_i32_0 : i32, i32, i32
  }
  func.func @transform_1(%arg0: i32) -> (i32, i32, i32) {
    %c0_i32 = arith.constant 0 : i32
    %c0_i32_0 = arith.constant 0 : i32
    %c0_i32_1 = arith.constant 0 : i32
    return %arg0, %c0_i32, %c0_i32_0 : i32, i32, i32
  }
}

</mosaic_0001>

<sc_bundles>
// kernel: kernel.5.cloned.1.call-start
scs
__scs_entry_jumppad:
0x0: {  	(pc) =	sbr.rel $0x88, $3  }
0x1: {  	(tag) =	ssettag $0x0;
	lr =	simm.s32 $0x1  }
0x2: {  	[smem:$0x3F9F] =	sst lr;
	_ =	strace $0xD0000000  }
0x3: {  	_ = 	snop  }
0x4: {  	_ = 	snop  }
0x5: {  	_ = 	snop  }
0x6: {  	_ = 	snop  }
0x7: {  	_ = 	snop  }
__scs_overlays_trampoline_lowered:
0x8: {  	[smem:$0x3FAE] =	sst s0  }
0x9: {  	[smem:$0x3FAF] =	sst s1  }
0xa: {  	[smem:$0x3FB0] =	sst s2  }
0xb: {  	[smem:$0x3FB1] =	sst s3  }
0xc: {  	[smem:$0x3FB2] =	sst s4  }
0xd: {  	[smem:$0x3FB3] =	sst s5  }
0xe: {  	[smem:$0x3FB4] =	sst s6  }
0xf: {  	[smem:$0x3FB5] =	sst s7  }
0x10: {  	[smem:$0x3FB6] =	sst s8  }
0x11: {  	[smem:$0x3FB7] =	sst s9;
	s0 =	simm.s32 @!p0 $0x0  }
0x12: {  	s1 =	sld [smem:$0x3F9D];
	s0 =	simm.s32 @p0 $0x1  }
0x13: {  	[smem:$0x3FB8] =	sst s0;
	s0 =	simm.s32 @!p1 $0x0  }
0x14: {  	s2 =	sld [smem:$0x3F9C];
	s0 =	simm.s32 @p1 $0x1  }
0x15: {  	[smem:$0x3FB9] =	sst s0;
	s0 =	simm.s32 @!p2 $0x0  }
0x16: {  	s3 =	sld [smem:$0x3FDB];
	s0 =	simm.s32 @p2 $0x1  }
0x17: {  	s4 =	simm.s32 $0x1BF5;
	[smem:$0x3FBB] =	sst s0  }
0x18: {  	s0 =	sld [smem:$0x3F9E];
	_ =	swait.ge [sflag:s4], $0x0  }
0x19: {  	s7 =	sld [smem:$0x3F9F]  }
0x1a: {  	s8 =	sadd.s32 $0xFFFFE003, lr  }
0x1b: {  	s9 =	sadd.s32 $0xFFFFFEF7, lr;
	s5 =	simm.s32 $0xFFFFFFFF;
	p2 =	slt.u32 s8, $0xFFFFF086  }
0x1c: {  	p1 =	slt.u32 s9, $0xF7A;
	s5 =	simm.s32 @!p2 $0x0  }
0x1d: {  	s5 =	simm.s32 @p1 $0x1;
	p0 =	seq.s32 s7, s2  }
0x1e: {  	s7 =	smul.u32 @!p0 $0xF7A, s2;
	p2 =	seq.s32 @!p0 s5, $0x0  }
0x1f: {  	s9 =	smul.u32 $0xF7A, s1;
	s8 =	simm.s32 @!p0 $0x1BF5;
	p2 =	por !p2, p0  }
0x20: {  	[sflag:s8] =	ssyncset.s32 @!p0 $0xFFFFF086;
	s6 =	sadd.s32 @!p0 s3, s7;
	s7 =	simm.s32 @!p0 $0x108  }
0x21: {  	s3 =	sadd.s32 s3, s9;
	s6 =	sadd.s32 @!p0 $0x88, s6;
	s7 =	simm.s32 @p2 $0x1082  }
0x22: {  	[simem:s7], [sflag:s8] =	dma.local @!p0 [hbm:s6], $0xF7A  }
0x23: {  	s9 =	sor.u32 $0xD0000000, s2;
	s6 =	simm.s32 $0x108;
	_ =	swait.ge @!p0 [sflag:s8], $0x0  }
0x24: {  	s3 =	sadd.s32 $0x88, s3;
	s6 =	simm.s32 @!p1 $0x1082;
	[sflag:s4] =	ssyncset.s32 $0xFFFFF086  }
0x25: {  	[simem:s6], [sflag:s4] =	dma.local [hbm:s3], $0xF7A  }
0x26: {  	[smem:$0x3F9F] =	sst s1;
	(tag) =	ssettag s2;
	_ =	strace s9  }
0x27: {  	s1 =	sld [smem:$0x3FAF]  }
0x28: {  	s2 =	sld [smem:$0x3FB0]  }
0x29: {  	s4 =	sld [smem:$0x3FB2]  }
0x2a: {  	p0 =	seq.s32 s5, $0x0;
	s5 =	sld [smem:$0x3FB3]  }
0x2b: {  	s6 =	sld [smem:$0x3FB4]  }
0x2c: {  	s7 =	sld [smem:$0x3FB5]  }
0x2d: {  	s3 =	simm.s32 $0x108;
	s8 =	sld [smem:$0x3FB6]  }
0x2e: {  	s3 =	simm.s32 @!p0 $0x1082;
	s9 =	sld [smem:$0x3FB7]  }
0x2f: {  	lr =	sadd.s32 s0, s3;
	s0 =	sld [smem:$0x3FAE]  }
0x30: {  	s3 =	sld [smem:$0x3FB1]  }
0x31: {  	[smem:$0x3FBA] =	sst s10  }
0x32: {  	s10 =	sld [smem:$0x3FB8];
	_ =	sdelay $0x3  }
0x33: {  	p0 =	seq.s32 s10, $0x1;
	s10 =	sld [smem:$0x3FBA];
	_ =	sdelay $0x3  }
0x34: {  	[smem:$0x3FBA] =	sst s10  }
0x35: {  	s10 =	sld [smem:$0x3FB9];
	_ =	sdelay $0x3  }
0x36: {  	p1 =	seq.s32 s10, $0x1;
	s10 =	sld [smem:$0x3FBA];
	_ =	sdelay $0x3  }
0x37: {  	[smem:$0x3FBA] =	sst s10  }
0x38: {  	s10 =	sld [smem:$0x3FBB]  }
0x39: {  	_ = 	snop;
	(pc) =	sbr.ind lr, $3  }
0x3a: {  	_ = 	snop  }
0x3b: {  	_ = 	snop  }
0x3c: {  	p2 =	seq.s32 s10, $0x1;
	s10 =	sld [smem:$0x3FBA]  }
0x3d: {  	_ =	shalt  }
0x3e: {  	_ =	shalt  }
0x3f: {  	_ =	shalt  }
0x40: {  	_ =	shalt  }
0x41: {  	_ =	shalt  }
0x42: {  	_ =	shalt  }
0x43: {  	_ =	shalt  }
0x44: {  	_ =	shalt  }
0x45: {  	_ =	shalt  }
0x46: {  	_ =	shalt  }
0x47: {  	_ =	shalt  }
0x48: {  	_ =	shalt  }
0x49: {  	_ =	shalt  }
0x4a: {  	_ =	shalt  }
0x4b: {  	_ =	shalt  }
0x4c: {  	_ =	shalt  }
0x4d: {  	_ =	shalt  }
0x4e: {  	_ =	shalt  }
0x4f: {  	_ =	shalt  }
0x50: {  	_ =	shalt  }
0x51: {  	_ =	shalt  }
0x52: {  	_ =	shalt  }
0x53: {  	_ =	shalt  }
0x54: {  	_ =	shalt  }
0x55: {  	_ =	shalt  }
0x56: {  	_ =	shalt  }
0x57: {  	_ =	shalt  }
0x58: {  	_ =	shalt  }
0x59: {  	_ =	shalt  }
0x5a: {  	_ =	shalt  }
0x5b: {  	_ =	shalt  }
0x5c: {  	_ =	shalt  }
0x5d: {  	_ =	shalt  }
0x5e: {  	_ =	shalt  }
0x5f: {  	_ =	shalt  }
0x60: {  	_ =	shalt  }
0x61: {  	_ =	shalt  }
0x62: {  	_ =	shalt  }
0x63: {  	_ =	shalt  }
0x64: {  	_ =	shalt  }
0x65: {  	_ =	shalt  }
0x66: {  	_ =	shalt  }
0x67: {  	_ =	shalt  }
0x68: {  	_ =	shalt  }
0x69: {  	_ =	shalt  }
0x6a: {  	_ =	shalt  }
0x6b: {  	_ =	shalt  }
0x6c: {  	_ =	shalt  }
0x6d: {  	_ =	shalt  }
0x6e: {  	_ =	shalt  }
0x6f: {  	_ =	shalt  }
0x70: {  	_ =	shalt  }
0x71: {  	_ =	shalt  }
0x72: {  	_ =	shalt  }
0x73: {  	_ =	shalt  }
0x74: {  	_ =	shalt  }
0x75: {  	_ =	shalt  }
0x76: {  	_ =	shalt  }
0x77: {  	_ =	shalt  }
0x78: {  	_ =	shalt  }
0x79: {  	_ =	shalt  }
0x7a: {  	_ =	shalt  }
0x7b: {  	_ =	shalt  }
0x7c: {  	_ =	shalt  }
0x7d: {  	_ =	shalt  }
0x7e: {  	_ =	shalt  }
0x7f: {  	_ =	shalt  }
0x80: {  	_ =	shalt  }
0x81: {  	_ =	shalt  }
0x82: {  	_ =	shalt  }
0x83: {  	_ =	shalt  }
0x84: {  	_ =	shalt  }
0x85: {  	_ =	shalt  }
0x86: {  	_ =	shalt  }
0x87: {  	_ =	shalt  }
.Lfunc_end0:
.L_simem_size_0:
called_computation_lowered:
.L_overlay_start_0:
0x88: {  	s2 =	sld [smem:$0x3FD9]  }
0x89: {  	s3 =	sld [smem:$0x3FFE];
	_ =	sdelay $0x1  }
0x8a: {  	s1 =	srdreg.scid  }
0x8b: {  	s0 =	sand.u32 $0x1, s1  }
0x8c: {  	s16 =	sshll.u32 s0, $0xA;
	s2 =	sadd.s32 s3, s2  }
0x8d: {  	s2 =	sadd.s32 s2, s16  }
0x8e: {  	[smem:$0x3FC6] =	sst s2  }
0x8f: {  	_ = 	snop  }
0x90: {  	(tm) =	ssettm $0x1  }
0x91: {  	s17 =	sld [smem:$0x3FFB];
	_ =	sdelay $0x3  }
0x92: {  	_ =	strace s17  }
0x93: {  	s2 =	sld [smem:$0x3FFC];
	_ =	sdelay $0x3  }
0x94: {  	_ =	strace s2  }
0x95: {  	s2 =	sld [smem:$0x3FFD];
	_ =	sdelay $0x3  }
0x96: {  	_ =	strace s2  }
0x97: {  	_ =	strace $0x8FFFFFFF  }
0x98: {  	s18 =	sld [smem:$0x3FDB];
	_ =	sdelay $0x1  }
0x99: {  	s19 =	simm.s32 $_scs_section_size  }
0x9a: {  	s4 =	simm.s32 $_size__tile_overlayer_lowered;
	s5 =	simm.s32 $_tile_overlayer_lowered  }
0x9b: {  	s22 =	simm.s32 $0x1BFF;
	s21 =	sshll.u32 s5, $0x1;
	s2 =	sadd.s32 s19, s18  }
0x9c: {  	s6 =	simm.s32 $0x0;
	s20 =	sshll.u32 s4, $0x1;
	s4 =	sadd.s32 s21, s2  }
0x9d: {  	[timem:s6], [sflag:s22] =	dma.local [hbm:s4], s20  }
0x9e: {  	_ =	swait.ge [sflag:s22], s20  }
0x9f: {  	s3 =	ssub.s32 $0x0, s20;
	[sflag:s22] =	ssyncset.done $0x0  }
0xa0: {  	[sflag:s22] =	ssyncadd.s32 s3;
	_ =	sdelay $0x1  }
0xa1: {  	s23 =	simm.s32 $0x1B8B  }
0xa2: {  	_ =	swait.ge [sflag:s23], $0x1  }
0xa3: {  	[sflag:s23] =	ssyncset.done $0x0  }
0xa4: {  	s25 =	simm.s32 $0x1B8E;
	s24 =	sld [smem:$0x3FFE];
	[sflag:s23] =	ssyncadd.s32 $0xFFFFFFFF  }
0xa5: {  	s26 =	simm.s32 $execute0_lowered;
	[smem:$0x3FD2] =	sst s25  }
0xa6: {  	s4 =	sshll.u32 s26, $0x1;
	_ =	strace $0x80000046;
	[dreg:$0x1] =	wrdreg $0xFFFFFFFF  }
0xa7: {  	s28 =	simm.s32 $_size_execute0_lowered;
	s2 =	sadd.s32 s2, s4;
	[dreg:$0x0] =	wrdreg $0x0  }
0xa8: {  	s4 =	sshll.u32 s28, $0x1;
	[dreg:$0x2] =	wrdreg s2  }
0xa9: {  	[dreg:$0x3] =	wrdreg s4  }
0xaa: {  	[dreg:$0x4] =	wrdreg $0xC0  }
0xab: {  	_ =	task [dreg:s6], $0x5FFFF  }
0xac: {  	[dreg:$0x1] =	wrdreg $0xFFFFFFFF  }
0xad: {  	[dreg:$0x0] =	wrdreg $0x60  }
0xae: {  	[dreg:$0x2] =	wrdreg s24  }
0xaf: {  	[dreg:$0x3] =	wrdreg $0x9  }
0xb0: {  	_ =	task.clear_ibuf [dreg:s6], $0x4FFFF;
	_ =	strace $0x90000046  }
0xb1: {  	s29 =	simm.s32 $0x9;
	_ =	strace $0x80000048  }
0xb2: {  	_ =	swait.ge [sflag:s29], $0x1  }
0xb3: {  	[sflag:s29] =	ssyncadd.s32 $0xFFFFFFFF  }
0xb4: {  	_ =	strace $0x90000048  }
0xb5: {  	_ =	sfence  }
0xb6: {  	s30 =	sld [smem:$0x0];
	_ =	sdelay $0x2  }
0xb7: {  	s31 =	sshll.u32 s1, $0xD;
	s1 =	sshrl.u32 s1, $0x2  }
0xb8: {  	s3 =	sand.u32 $0x4000, s31;
	s1 =	sadd.s32 s1, s30  }
0xb9: {  	s0 =	sor.u32 s3, s0;
	s1 =	sshll.u32 s1, $0x11  }
0xba: {  	s0 =	sor.u32 s1, s0  }
0xbb: {  	s0 =	sadd.s32 $0x8F2B, s0  }
0xbc: {  	[sflag:s0] =	ssyncadd.remote.s32 $0x1  }
0xbd: {  	_ =	sfence.sel $0xFFFF  }
0xbe: {  	[dreg:$0x0] =	wrdreg $0xFFFFFFFF;
	(pc) =	sbr.abs _section_cstart, $3  }
0xbf: {  	[dreg:$0x1] =	wrdreg $0xFFFFFFFF  }
0xc0: {  	_ =	task.clear_ibuf [dreg:s6], $0x2FFFF;
	_ =	strace $0x9FFFFFFF  }
0xc1: {  	(tm) =	ssettm $0x7FFFFFFF  }
tec
execute0_lowered:
.L_overlay_start_1:
0x0: {  	(tag) =	ssettag $0x1  }
0x1: {  	s0 =	srdreg.scid  }
0x2: {  	s15 =	stileid.u32;
	s2 =	rddreg [dreg:$0x0];
	s4 =	simm.s32 $0x0  }
0x3: {  	s9 =	simm.s32 $0x1;
	s28 =	simm.s32 $0x6;
	s12 =	smul.u32 $0x6400, s15  }
0x4: {  	s29 =	simm.s32 $0x7;
	s30 =	simm.s32 $0x8;
	s14 =	smul.u32 $0x190, s15  }
0x5: {  	s0 =	sand.u32 $0x1, s0;
	s1 =	sshll.u32 s15, $0x1;
	s15 =	smul.u32 $0x64000, s15  }
0x6: {  	s31 =	simm.s32 $0x0;
	[smem:$0x7FF] =	sst s4;
	s13 =	smul.u32 $0x3200, s0  }
0x7: {  	s4 =	sadd.s32 $0x19600, s2;
	s1 =	sor.u32 s0, s1;
	s21 =	smul.u32 $0xC8, s0  }
0x8: {  	_ =	strace $0x80000047;
	s8 =	ssub.s32 $0x2, s0;
	s0 =	smul.u32 $0x32000, s0  }
0x9: {  	s3 =	smul.u32 $0xC8, s1;
	p0 =	seq.s32 s1, $0x0;
	s10 =	sshrl.u32 s8, $0x1  }
0xa: {  	s19 =	smul.u32 $0x64, s1;
	s1 =	sshll.u32 s1, $0x9;
	s11 =	ssub.s32 s8, s10  }
0xb: {  	s1 =	sand.u32 $0x600, s1;
	s24 =	sadd.s32 s21, s14;
	s12 =	sadd.s32 s13, s12  }
0xc: {  	s21 =	simm.s32 $0xE000;
	s5 =	sshrl.u32 s3, $0x5;
	s16 =	sshrl.u32 s3, $0x1  }
0xd: {  	s20 =	sshrl.u32 s19, $0x4;
	s11 =	smax.u32 s11, $0x1;
	s7 =	sand.u32 $0xC, s16  }
0xe: {  	s19 =	simm.s32 $0xA000;
	s3 =	smin.u32 s5, $0xC0;
	p1 =	sne.s32 s7, $0x0  }
0xf: {  	s16 =	simm.s32 $0x9;
	s17 =	sshll.u32 s3, $0x9;
	p0 =	por !p0, !p1  }
0x10: {  	s5 =	ssub.s32 s5, s3;
	s7 =	sshll.u32 s7, $0x7;
	p0 =	por !p0, !p0  }
0x11: {  	s6 =	sadd.s32 s17, s2;
	s2 =	sadd.s32 $0xDCC00, s2;
	s9 =	simm.s32 @!p0 $0x0  }
0x12: {  	s17 =	simm.s32 $0x80;
	s6 =	sadd.s32 $0x600, s6;
	s18 =	ssub.s32 s5, s9  }
0x13: {  	s25 =	sadd.s32 s15, s2;
	[dreg:$0x2] =	wrdreg s6;
	s8 =	sshll.u32 s18, $0xE  }
0x14: {  	s6 =	simm.s32 $0x1;
	s26 =	sadd.s32 s0, s25;
	s8 =	sshra.s32 s8, $0x2  }
0x15: {  	s5 =	sshll.u32 s5, $0xE;
	s7 =	sor.u32 s7, s8;
	s8 =	ssub.s32 s20, s3  }
0x16: {  	s25 =	simm.s32 $0x4;
	s5 =	sshra.s32 s5, $0x2;
	s8 =	sshll.u32 s8, $0xE  }
0x17: {  	s18 =	simm.s32 $0x8000;
	s20 =	simm.s32 $0xC000;
	s8 =	sshra.s32 s8, $0x2  }
0x18: {  	[dreg:$0x3] =	wrdreg s7;
	s8 =	sor.u32 s1, s8;
	s1 =	sor.u32 s1, s5  }
.Ltmp0:
0x19: {  	s5 =	sshll.u32 s24, $0xA;
	s22 =	sor.u32 $0x800, s8;
	(pc) =	sbr.rel .LBB2_1-.Ltmp0, $4  }
0x1a: {  	s23 =	sor.u32 $0x80, s1;
	s10 =	sor.u32 $0x880, s1;
	s5 =	sadd.s32 s5, s2  }
0x1b: {  	s2 =	sor.u32 $0x7, s24;
	s1 =	sadd.s32 $0x8, s26;
	[dreg:$0x4] =	wrdreg s22  }
0x1c: {  	s24 =	simm.s32 $0x3;
	s26 =	simm.s32 $0x5;
	[dreg:$0x5] =	wrdreg s23  }
0x1d: {  	s0 =	sadd.s32 $0x808, s5;
	s22 =	simm.s32 $0x40;
	s23 =	simm.s32 $0x2  }
.LBB2_4:
0x1e: {  	_ =	swait.ge [sflag:s28], $0x2000  }
0x1f: {  	[sflag:s28] =	ssyncset.done $0x0  }
0x20: {  	s31 =	sadd.s32 $0x1, s31;
	[sflag:s28] =	ssyncadd.s32 $0xFFFFE000  }
0x21: {  	p0 =	sne.s32 s31, s11;
	_ =	swait.ge [sflag:s29], $0x2000  }
.Ltmp1:
0x22: {  	[sflag:s29] =	ssyncset.done $0x0;
	(pc) =	sbr.rel @!p0 .LBB2_5-.Ltmp1, $4  }
0x23: {  	[sflag:s29] =	ssyncadd.s32 $0xFFFFE000  }
0x24: {  	_ =	swait.ge [sflag:s30], $0x2000  }
0x25: {  	[sflag:s30] =	ssyncset.done $0x0  }
0x26: {  	[sflag:s30] =	ssyncadd.s32 $0xFFFFE000  }
.LBB2_1:
0x27: {  	s5 =	simm.s32 $0x0;
	s7 =	rddreg [dreg:$0x2]  }
0x28: {  	[tilespmem:s5], [sflag:$0x9] =	stream.linear.gather [hbm4b:s7+s5], $0x8000, $0x38;
	[tilespmem:$0x10000] =	vst v63  }
0x29: {  	_ =	swait.ge [sflag:s16], $0x8000  }
0x2a: {  	[sflag:s16] =	ssyncset.done $0x0  }
0x2b: {  	s13 =	rddreg [dreg:$0x3];
	[sflag:s16] =	ssyncadd.s32 $0xFFFF8000  }
0x2c: {  	[tilespmem:s18], [sflag:$0x1] =	stream.indirect.gather [hbm4b:s4+s17], $0x40, s13, s17, $0xb8;
	[tilespmem:$0x10000] =	vst v63  }
0x2d: {  	s14 =	rddreg [dreg:$0x4]  }
0x2e: {  	[tilespmem:s19], [sflag:$0x2] =	stream.indirect.gather [hbm4b:s4+s17], $0x40, s14, s17, $0xb8;
	[tilespmem:$0x10000] =	vst v63  }
0x2f: {  	s5 =	simm.s32 $0x0;
	s15 =	rddreg [dreg:$0x5]  }
0x30: {  	[tilespmem:s20], [sflag:$0x3] =	stream.indirect.gather [hbm4b:s4+s17], $0x40, s15, s17, $0xb8;
	[tilespmem:$0x10000] =	vst v63  }
0x31: {  	s13 =	smov.u32 s2;
	s14 =	smov.u32 s0;
	s15 =	smov.u32 s1  }
0x32: {  	[tilespmem:s21], [sflag:$0x4] =	stream.indirect.gather [hbm4b:s4+s17], $0x40, s10, s17, $0xb8;
	[tilespmem:$0x10000] =	vst v63  }
.LBB2_2:
0x33: {  	_ =	swait.ge [sflag:s6], $0x2000  }
0x34: {  	[sflag:s6] =	ssyncset.done $0x0  }
0x35: {  	s7 =	sadd.s32 $0xFFFFFFF8, s15;
	[sflag:s6] =	ssyncadd.s32 $0xFFFFE000  }
0x36: {  	[hbm4b:s7+s22] =	stream.strided.scatter [tilespmem:s18], [sflag:$0x5], $0x2000, s17, s22, $0x38;
	[tilespmem:$0x10000] =	vst v63  }
0x37: {  	_ =	swait.ge [sflag:s23], $0x2000  }
0x38: {  	[sflag:s23] =	ssyncset.done $0x0  }
0x39: {  	[sflag:s23] =	ssyncadd.s32 $0xFFFFE000  }
0x3a: {  	[hbm4b:s15+s22] =	stream.strided.scatter [tilespmem:s19], [sflag:$0x6], $0x2000, s17, s22, $0x38;
	[tilespmem:$0x10000] =	vst v63  }
0x3b: {  	_ =	swait.ge [sflag:s24], $0x2000  }
0x3c: {  	[sflag:s24] =	ssyncset.done $0x0  }
0x3d: {  	s9 =	sadd.s32 $0xFFFFFFF8, s14;
	[sflag:s24] =	ssyncadd.s32 $0xFFFFE000  }
0x3e: {  	[hbm4b:s9+s22] =	stream.strided.scatter [tilespmem:s20], [sflag:$0x7], $0x2000, s17, s22, $0x38;
	[tilespmem:$0x10000] =	vst v63  }
0x3f: {  	_ =	swait.ge [sflag:s25], $0x2000  }
0x40: {  	p0 =	seq.s32 s5, $0x3100;
	[sflag:s25] =	ssyncset.done $0x0  }
.Ltmp2:
0x41: {  	[sflag:s25] =	ssyncadd.s32 $0xFFFFE000;
	(pc) =	sbr.rel @p0 .LBB2_4-.Ltmp2, $4  }
0x42: {  	[hbm4b:s14+s22] =	stream.strided.scatter [tilespmem:s21], [sflag:$0x8], $0x2000, s17, s22, $0x38;
	[tilespmem:$0x10000] =	vst v63  }
0x43: {  	_ =	swait.ge [sflag:s26], $0x2000  }
0x44: {  	[sflag:s26] =	ssyncset.done $0x0  }
0x45: {  	[sflag:s26] =	ssyncadd.s32 $0xFFFFE000  }
0x46: {  	s7 =	sadd.s32 $0xFFFFFFFD, s13  }
0x47: {  	s7 =	sshrl.u32 s7, $0x5  }
0x48: {  	s8 =	sadd.s32 s5, s12;
	s7 =	ssub.s32 s7, s3  }
0x49: {  	s9 =	sadd.s32 $0x100, s8;
	s7 =	sshll.u32 s7, $0xE  }
0x4a: {  	s9 =	sand.u32 $0x700, s9;
	s7 =	sshra.s32 s7, $0x2  }
0x4b: {  	s7 =	sor.u32 s9, s7;
	s9 =	sadd.s32 $0xFFFFFFFE, s13  }
0x4c: {  	[tilespmem:s18], [sflag:$0x1] =	stream.indirect.gather [hbm4b:s4+s17], $0x40, s7, s17, $0xb8;
	[tilespmem:$0x10000] =	vst v63  }
0x4d: {  	s7 =	sshrl.u32 s9, $0x5  }
0x4e: {  	s7 =	ssub.s32 s7, s3  }
0x4f: {  	s9 =	sadd.s32 $0x140, s8;
	s7 =	sshll.u32 s7, $0xE  }
0x50: {  	_ =	swait.ge [sflag:s28], $0x2000;
	s9 =	sand.u32 $0x700, s9;
	s7 =	sshra.s32 s7, $0x2  }
0x51: {  	[sflag:s28] =	ssyncset.done $0x0;
	s7 =	sor.u32 s9, s7  }
0x52: {  	[sflag:s28] =	ssyncadd.s32 $0xFFFFE000;
	s9 =	sadd.s32 $0xFFFFFFFF, s13;
	s7 =	sor.u32 $0x800, s7  }
0x53: {  	[tilespmem:s19], [sflag:$0x2] =	stream.indirect.gather [hbm4b:s4+s17], $0x40, s7, s17, $0xb8;
	[tilespmem:$0x10000] =	vst v63  }
0x54: {  	s7 =	sshrl.u32 s9, $0x5  }
0x55: {  	s7 =	ssub.s32 s7, s3  }
0x56: {  	s9 =	sadd.s32 $0x180, s8;
	_ =	swait.ge [sflag:s29], $0x2000;
	s7 =	sshll.u32 s7, $0xE  }
0x57: {  	s9 =	sand.u32 $0x780, s9;
	[sflag:s29] =	ssyncset.done $0x0;
	s7 =	sshra.s32 s7, $0x2  }
0x58: {  	[sflag:s29] =	ssyncadd.s32 $0xFFFFE000;
	s7 =	sor.u32 s9, s7;
	s9 =	sshrl.u32 s13, $0x5  }
0x59: {  	[tilespmem:s20], [sflag:$0x3] =	stream.indirect.gather [hbm4b:s4+s17], $0x40, s7, s17, $0xb8;
	[tilespmem:$0x10000] =	vst v63  }
0x5a: {  	s5 =	sadd.s32 $0x100, s5;
	s14 =	sadd.s32 $0x1000, s14;
	s7 =	ssub.s32 s9, s3  }
.Ltmp3:
0x5b: {  	s8 =	sadd.s32 $0x1C0, s8;
	s7 =	sshll.u32 s7, $0xE;
	(pc) =	sbr.rel .LBB2_2-.Ltmp3, $4  }
0x5c: {  	s8 =	sand.u32 $0x780, s8;
	_ =	swait.ge [sflag:s30], $0x2000;
	s7 =	sshra.s32 s7, $0x2  }
0x5d: {  	s15 =	sadd.s32 $0x1000, s15;
	[sflag:s30] =	ssyncset.done $0x0;
	s7 =	sor.u32 s8, s7  }
0x5e: {  	s13 =	sadd.s32 $0x4, s13;
	[sflag:s30] =	ssyncadd.s32 $0xFFFFE000;
	s7 =	sor.u32 $0x800, s7  }
0x5f: {  	[tilespmem:s21], [sflag:$0x4] =	stream.indirect.gather [hbm4b:s4+s17], $0x40, s7, s17, $0xb8;
	[tilespmem:$0x10000] =	vst v63  }
.LBB2_5:
0x60: {  	_ =	sfence.sel $0x180000  }
0x61: {  	[bflag:$0x0] =	sbarrier.arrive $0xFFFF  }
0x62: {  	_ =	strace $0x90000047  }
0x63: {  	s0 =	stileid.u32;
	[bflag:$0x2] =	sbarrier.arrive $0xFFFF  }
0x64: {  	p0 =	sne.s32 s0, $0x0;
	s0 =	rddreg [dreg:$0x1]  }
0x65: {  	s0 =	sadd.s32 @!p0 $0x100000, s0  }
0x66: {  	[sflag:s0] =	ssyncadd.tile.s32 @!p0 $0x1;
	_ =	shalt  }
.Lfunc_end2:
_tile_overlayer_lowered:
.L_overlay_start_2:
0x67: {  	(tag) =	ssettag $0x2  }
0x68: {  	s0 =	rddreg [dreg:$0x0];
	s2 =	stileid.u32  }
0x69: {  	s1 =	rddreg [dreg:$0x1];
	p0 =	sne.s32 s2, $0x0  }
0x6a: {  	s3 =	rddreg [dreg:$0x2];
	[bflag:$0x3] =	sbarrier.arrive $0xFFFF;
	s2 =	simm.s32 @!p0 $0x1C09  }
0x6b: {  	[timem:s3], [sflag:s2] =	dma.local @!p0 [hbm:s0], s1  }
0x6c: {  	s0 =	simm.s32 @!p0 $0x9  }
0x6d: {  	_ =	swait.ge @!p0 [sflag:s0], s1  }
0x6e: {  	s1 =	ssub.s32 @!p0 $0x0, s1;
	[sflag:s0] =	ssyncset.done @!p0 $0x0  }
0x6f: {  	[sflag:s0] =	ssyncadd.s32 @!p0 s1  }
0x70: {  	[bflag:$0x3] =	sbarrier.arrive $0xFFFF  }
0x71: {  	_ =	shalt  }

</sc_bundles>
